<compile_context>
chip_gen: v7x
topology: tpu7x:2x2x1
jax: 0.10.2.dev20260603
libtpu: 0.0.44.dev20260713+nightly
codegen_flags: <defaults>
</compile_context>

<pallas_src>
import functools

import jax
import jax.numpy as jnp
from jax import lax
from jax.experimental import pallas as pl
from jax.experimental.pallas import tpu as pltpu
from jax.experimental.pallas import tpu_sc as plsc

_B, _L, _H, _V = 4096, 200, 128, 1000
_N = _B * _L
_NC, _NS = 2, 16
_NW = _NC * _NS
_TPW = _N // _NW
_C = 128
_NCHUNK = _TPW // _C
_NX = 4

_mesh = plsc.VectorSubcoreMesh(core_axis_name="c", subcore_axis_name="s")


def _xlane_sum(v):
    return jnp.broadcast_to(jnp.sum(v), (16,))


def _rsqrt_newton(v):
    bits = plsc.bitcast(v, jnp.int32)
    y = plsc.bitcast(jnp.int32(0x5F3759DF) - (bits >> 1), jnp.float32)
    half = v * 0.5
    for _ in range(2):
        y = y * (1.5 - half * y * y)
    return y


@functools.partial(
    pl.kernel,
    mesh=_mesh,
    out_type=jax.ShapeDtypeStruct((_N, _H), jnp.float32),
    compiler_params=pltpu.CompilerParams(needs_layout_passes=False),
    scratch_types=[
        pltpu.VMEM((_TPW,), jnp.int32),
        pltpu.VMEM((_NX, _C, _H), jnp.float32),
        pltpu.VMEM((2, _C, _H), jnp.float32),
        pltpu.VMEM((_H,), jnp.float32),
        pltpu.VMEM((_H,), jnp.float32),
        pltpu.SemaphoreType.DMA,
        pltpu.SemaphoreType.DMA,
        pltpu.SemaphoreType.DMA,
        pltpu.SemaphoreType.DMA,
        pltpu.SemaphoreType.DMA,
        pltpu.SemaphoreType.DMA,
        pltpu.SemaphoreType.DMA,
        pltpu.SemaphoreType.DMA,
        pltpu.SemaphoreType.DMA,
        pltpu.SemaphoreType.DMA,
    ],
)
def _sc_fused(emb_hbm, ids_hbm, table_hbm, gamma_hbm, beta_hbm, out_hbm,
              ids_v, x_v, out_v, gamma_v, beta_v,
              sem_e0, sem_e1, sem_e2, sem_e3,
              sem_a0, sem_a1, sem_a2, sem_a3, sem_o0, sem_o1):
    wid = lax.axis_index("s") * _NC + lax.axis_index("c")
    base = wid * _TPW
    sem_e = (sem_e0, sem_e1, sem_e2, sem_e3)
    sem_a = (sem_a0, sem_a1, sem_a2, sem_a3)
    sem_o = (sem_o0, sem_o1)

    pltpu.sync_copy(gamma_hbm, gamma_v)
    pltpu.sync_copy(beta_hbm, beta_v)
    pltpu.sync_copy(ids_hbm.at[pl.ds(base, _TPW)], ids_v)
    gs = tuple(gamma_v[pl.ds(16 * j, 16)] for j in range(8))
    bs = tuple(beta_v[pl.ds(16 * j, 16)] for j in range(8))

    def _emb_copy(i, b):
        return pltpu.make_async_copy(
            emb_hbm.at[pl.ds(base + i * _C, _C)], x_v.at[b], sem_e[b])

    def _gadd_copy(i, b):
        return pltpu.make_async_copy(
            table_hbm.at[ids_v.at[pl.ds(i * _C, _C)]], x_v.at[b], sem_a[b])

    def _out_copy(i, b):
        return pltpu.make_async_copy(
            out_v.at[b], out_hbm.at[pl.ds(base + i * _C, _C)], sem_o[b])

    def _compute_chunk(xu, ou):
        xb, ob = x_v.at[xu], out_v.at[ou]

        @plsc.parallel_loop(0, _C, unroll=1)
        def _tok(t):
            x = [xb[t, pl.ds(16 * j, 16)] for j in range(8)]
            s = (x[0] + x[1]) + (x[2] + x[3]) + ((x[4] + x[5]) + (x[6] + x[7]))
            s2 = ((x[0] * x[0] + x[1] * x[1]) + (x[2] * x[2] + x[3] * x[3])
                  + ((x[4] * x[4] + x[5] * x[5])
                     + (x[6] * x[6] + x[7] * x[7])))
            meanv = _xlane_sum(s) * (1.0 / _H)
            var = _xlane_sum(s2) * (1.0 / _H) - meanv * meanv
            inv = _rsqrt_newton(var + 1e-5)
            for j in range(8):
                ob[t, pl.ds(16 * j, 16)] = (x[j] - meanv) * (inv * gs[j]) + bs[j]

    _emb_copy(0, 0).start()
    _emb_copy(1, 1).start()
    _emb_copy(0, 0).wait()
    _gadd_copy(0, 0).start(add=True)

    def outer(g, carry):
        for u in range(4):
            i = 4 * g + u
            nu, nnu, ou = (u + 1) % 4, (u + 2) % 4, u % 2

            if u < 3:
                _emb_copy(i + 1, nu).wait()
                _gadd_copy(i + 1, nu).start(add=True)
            else:
                @pl.when(g < _NCHUNK // 4 - 1)
                def _issue_gadd():
                    _emb_copy(i + 1, nu).wait()
                    _gadd_copy(i + 1, nu).start(add=True)

            if u < 2:
                _emb_copy(i + 2, nnu).start()
            else:
                @pl.when(g < _NCHUNK // 4 - 1)
                def _issue_emb():
                    _emb_copy(i + 2, nnu).start()

            if u >= 2:
                _out_copy(i - 2, ou).wait()
            else:
                @pl.when(g >= 1)
                def _wait_out():
                    _out_copy(i - 2, ou).wait()

            _gadd_copy(i, u).wait()
            _compute_chunk(u, ou)
            _out_copy(i, ou).start()
        return carry

    lax.fori_loop(0, _NCHUNK // 4, outer, 0)
    _out_copy(_NCHUNK - 2, 0).wait()
    _out_copy(_NCHUNK - 1, 1).wait()


def kernel(batch_mention_emb, mention_type_ids, table, gamma, beta):
    emb = batch_mention_emb.reshape(_N, _H)
    ids = mention_type_ids.reshape(_N).astype(jnp.int32)
    out = _sc_fused(emb, ids, table, gamma, beta)
    return out.reshape(_B, _L, _H)

# --- scband reference (transcript-rebuilt; emitter-appended) ---
"""Pipeline reference for scband-mention-type-encoder-5102421147768 (READ-ONLY COPY).

The authoritative reference and input builder live on the scoring server;
editing this copy changes nothing except your own understanding.
"""

import jax, jax.numpy as jnp
import numpy as np

B, L, H, V = 4096, 200, 128, 1000

def setup_inputs(seed: int = 0) -> dict:
    key = jax.random.key(seed)
    k1, k2, k3 = jax.random.split(key, 3)
    batch_mention_emb = jax.random.normal(k1, (B, L, H), dtype=jnp.float32)
    mention_type_ids = jax.random.randint(k2, (B, L), 0, V)
    table = jax.random.normal(k3, (V, H), dtype=jnp.float32) * 0.02
    gamma = jnp.ones((H,), dtype=jnp.float32)
    beta = jnp.zeros((H,), dtype=jnp.float32)
    return {"batch_mention_emb": batch_mention_emb, "mention_type_ids": mention_type_ids, "table": table, "gamma": gamma, "beta": beta}

def reference(batch_mention_emb, mention_type_ids, table, gamma, beta):
    # embedding lookup (SparseCore gather)
    type_emb = jnp.take(table, mention_type_ids, axis=0)  # [B, L, H]
    out = batch_mention_emb + type_emb
    # LayerNorm over last dim (eps=1e-5, standard transformer LayerNorm)
    mean = jnp.mean(out, axis=-1, keepdims=True)
    var = jnp.var(out, axis=-1, keepdims=True)
    normed = (out - mean) / jnp.sqrt(var + 1e-5)
    out = normed * gamma + beta
    # dropout is identity in eval mode
    return out

if __name__ == "__main__":
    import jax
    _d = setup_inputs()
    print(jax.jit(kernel)(*tuple(_d.values())))

</pallas_src>

<mosaic_0001>
#map = affine_map<(d0, d1) -> (0, 0)>
#map1 = affine_map<(d0, d1) -> (0)>
module attributes {stable_mosaic.version = 14 : i64} {
  func.func @_sc_fused(%arg0: i32, %arg1: i32, %arg2: memref<819200x128xf32, #tpu.memory_space<hbm>>, %arg3: memref<819200xi32, #tpu.memory_space<hbm>>, %arg4: memref<1000x128xf32, #tpu.memory_space<hbm>>, %arg5: memref<128xf32, #tpu.memory_space<hbm>>, %arg6: memref<128xf32, #tpu.memory_space<hbm>>, %arg7: memref<819200x128xf32, #tpu.memory_space<hbm>>, %arg8: memref<25600xi32, #tpu.memory_space<vmem>>, %arg9: memref<4x128x128xf32, #tpu.memory_space<vmem>>, %arg10: memref<2x128x128xf32, #tpu.memory_space<vmem>>, %arg11: memref<128xf32, #tpu.memory_space<vmem>>, %arg12: memref<128xf32, #tpu.memory_space<vmem>>, %arg13: memref<!tpu.dma_semaphore, #tpu.memory_space<semaphore_mem>>, %arg14: memref<!tpu.dma_semaphore, #tpu.memory_space<semaphore_mem>>, %arg15: memref<!tpu.dma_semaphore, #tpu.memory_space<semaphore_mem>>, %arg16: memref<!tpu.dma_semaphore, #tpu.memory_space<semaphore_mem>>, %arg17: memref<!tpu.dma_semaphore, #tpu.memory_space<semaphore_mem>>, %arg18: memref<!tpu.dma_semaphore, #tpu.memory_space<semaphore_mem>>, %arg19: memref<!tpu.dma_semaphore, #tpu.memory_space<semaphore_mem>>, %arg20: memref<!tpu.dma_semaphore, #tpu.memory_space<semaphore_mem>>, %arg21: memref<!tpu.dma_semaphore, #tpu.memory_space<semaphore_mem>>, %arg22: memref<!tpu.dma_semaphore, #tpu.memory_space<semaphore_mem>>) attributes {dimension_semantics = [#tpu.dimension_semantics<core_parallel>, #tpu.dimension_semantics<subcore_parallel>], iteration_bounds = array<i64: 2, 16>, scalar_prefetch = 0 : i64, scratch_operands = 15 : i64, tpu.core_type = #tpu.core_type<sc_vector_subcore>, window_params = [{transform_indices = #map}, {transform_indices = #map1}, {transform_indices = #map}, {transform_indices = #map1}, {transform_indices = #map1}, {transform_indices = #map}]} {
    %mul3A = arith.constant 2 : i32
    %mul3A_0 = arith.muli %arg1, %mul3A : i32
    %add3A = arith.addi %mul3A_0, %arg0 : i32
    %mul3A_1 = arith.constant 25600 : i32
    %mul3A_2 = arith.muli %add3A, %mul3A_1 : i32
    "tpu.region"() ({
      %run_scoped3A = tpu.sem_alloc : memref<!tpu.dma_semaphore, #tpu.memory_space<semaphore_mem>>
      tpu.enqueue_dma source(%arg5 : memref<128xf32, #tpu.memory_space<hbm>>) target(%arg11 : memref<128xf32, #tpu.memory_space<vmem>>) target_semaphore(%run_scoped3A : memref<!tpu.dma_semaphore, #tpu.memory_space<semaphore_mem>>)
      tpu.wait_dma2 semaphore(%run_scoped3A : memref<!tpu.dma_semaphore, #tpu.memory_space<semaphore_mem>>) src(%arg5 : memref<128xf32, #tpu.memory_space<hbm>>) dst(%arg11 : memref<128xf32, #tpu.memory_space<vmem>>)
      tpu.yield
    }) : () -> ()
    "tpu.region"() ({
      %run_scoped3A = tpu.sem_alloc : memref<!tpu.dma_semaphore, #tpu.memory_space<semaphore_mem>>
      tpu.enqueue_dma source(%arg6 : memref<128xf32, #tpu.memory_space<hbm>>) target(%arg12 : memref<128xf32, #tpu.memory_space<vmem>>) target_semaphore(%run_scoped3A : memref<!tpu.dma_semaphore, #tpu.memory_space<semaphore_mem>>)
      tpu.wait_dma2 semaphore(%run_scoped3A : memref<!tpu.dma_semaphore, #tpu.memory_space<semaphore_mem>>) src(%arg6 : memref<128xf32, #tpu.memory_space<hbm>>) dst(%arg12 : memref<128xf32, #tpu.memory_space<vmem>>)
      tpu.yield
    }) : () -> ()
    "tpu.region"() ({
      %run_scoped3A = tpu.sem_alloc : memref<!tpu.dma_semaphore, #tpu.memory_space<semaphore_mem>>
      %dma_start3A_122 = tpu.memref_slice %arg3[%mul3A_2] : memref<819200xi32, #tpu.memory_space<hbm>> -> memref<25600xi32, #tpu.memory_space<hbm>>
      %dma_start3A_123 = tpu.memref_slice %arg3[%mul3A_2] : memref<819200xi32, #tpu.memory_space<hbm>> -> memref<25600xi32, #tpu.memory_space<hbm>>
      tpu.enqueue_dma source(%dma_start3A_123 : memref<25600xi32, #tpu.memory_space<hbm>>) target(%arg8 : memref<25600xi32, #tpu.memory_space<vmem>>) target_semaphore(%run_scoped3A : memref<!tpu.dma_semaphore, #tpu.memory_space<semaphore_mem>>)
      %dma_wait3A_124 = tpu.memref_slice %arg3[%mul3A_2] : memref<819200xi32, #tpu.memory_space<hbm>> -> memref<25600xi32, #tpu.memory_space<hbm>>
      %dma_wait3A_125 = tpu.memref_slice %arg3[%mul3A_2] : memref<819200xi32, #tpu.memory_space<hbm>> -> memref<25600xi32, #tpu.memory_space<hbm>>
      tpu.wait_dma2 semaphore(%run_scoped3A : memref<!tpu.dma_semaphore, #tpu.memory_space<semaphore_mem>>) src(%dma_wait3A_125 : memref<25600xi32, #tpu.memory_space<hbm>>) dst(%arg8 : memref<25600xi32, #tpu.memory_space<vmem>>)
      tpu.yield
    }) : () -> ()
    %get3A = arith.constant 0 : index
    %get3A_3 = tpu.vector_load %arg11[%get3A] {strides = array<i32>} : memref<128xf32, #tpu.memory_space<vmem>>, vector<16xf32>,
    %get3A_4 = arith.constant 16 : index
    %get3A_5 = tpu.vector_load %arg11[%get3A_4] {strides = array<i32>} : memref<128xf32, #tpu.memory_space<vmem>>, vector<16xf32>,
    %get3A_6 = arith.constant 32 : index
    %get3A_7 = tpu.vector_load %arg11[%get3A_6] {strides = array<i32>} : memref<128xf32, #tpu.memory_space<vmem>>, vector<16xf32>,
    %get3A_8 = arith.constant 48 : index
    %get3A_9 = tpu.vector_load %arg11[%get3A_8] {strides = array<i32>} : memref<128xf32, #tpu.memory_space<vmem>>, vector<16xf32>,
    %get3A_10 = arith.constant 64 : index
    %get3A_11 = tpu.vector_load %arg11[%get3A_10] {strides = array<i32>} : memref<128xf32, #tpu.memory_space<vmem>>, vector<16xf32>,
    %get3A_12 = arith.constant 80 : index
    %get3A_13 = tpu.vector_load %arg11[%get3A_12] {strides = array<i32>} : memref<128xf32, #tpu.memory_space<vmem>>, vector<16xf32>,
    %get3A_14 = arith.constant 96 : index
    %get3A_15 = tpu.vector_load %arg11[%get3A_14] {strides = array<i32>} : memref<128xf32, #tpu.memory_space<vmem>>, vector<16xf32>,
    %get3A_16 = arith.constant 112 : index
    %get3A_17 = tpu.vector_load %arg11[%get3A_16] {strides = array<i32>} : memref<128xf32, #tpu.memory_space<vmem>>, vector<16xf32>,
    %get3A_18 = arith.constant 0 : index
    %get3A_19 = tpu.vector_load %arg12[%get3A_18] {strides = array<i32>} : memref<128xf32, #tpu.memory_space<vmem>>, vector<16xf32>,
    %get3A_20 = arith.constant 16 : index
    %get3A_21 = tpu.vector_load %arg12[%get3A_20] {strides = array<i32>} : memref<128xf32, #tpu.memory_space<vmem>>, vector<16xf32>,
    %get3A_22 = arith.constant 32 : index
    %get3A_23 = tpu.vector_load %arg12[%get3A_22] {strides = array<i32>} : memref<128xf32, #tpu.memory_space<vmem>>, vector<16xf32>,
    %get3A_24 = arith.constant 48 : index
    %get3A_25 = tpu.vector_load %arg12[%get3A_24] {strides = array<i32>} : memref<128xf32, #tpu.memory_space<vmem>>, vector<16xf32>,
    %get3A_26 = arith.constant 64 : index
    %get3A_27 = tpu.vector_load %arg12[%get3A_26] {strides = array<i32>} : memref<128xf32, #tpu.memory_space<vmem>>, vector<16xf32>,
    %get3A_28 = arith.constant 80 : index
    %get3A_29 = tpu.vector_load %arg12[%get3A_28] {strides = array<i32>} : memref<128xf32, #tpu.memory_space<vmem>>, vector<16xf32>,
    %get3A_30 = arith.constant 96 : index
    %get3A_31 = tpu.vector_load %arg12[%get3A_30] {strides = array<i32>} : memref<128xf32, #tpu.memory_space<vmem>>, vector<16xf32>,
    %get3A_32 = arith.constant 112 : index
    %get3A_33 = tpu.vector_load %arg12[%get3A_32] {strides = array<i32>} : memref<128xf32, #tpu.memory_space<vmem>>, vector<16xf32>,
    %add3A_34 = arith.constant 0 : i32
    %add3A_35 = arith.addi %mul3A_2, %add3A_34 : i32
    %dma_start3A = arith.constant 0 : i32
    %dma_start3A_36 = arith.constant 0 : i32
    %dma_start3A_37 = arith.constant 0 : i32
    %dma_start3A_38 = tpu.memref_slice %arg9[%dma_start3A, %dma_start3A_36, %dma_start3A_37] : memref<4x128x128xf32, #tpu.memory_space<vmem>> -> memref<1x128x128xf32, #tpu.memory_space<vmem>>
    %dma_start3A_39 = tpu.memref_squeeze %dma_start3A_38 : memref<1x128x128xf32, #tpu.memory_space<vmem>> -> memref<128x128xf32, #tpu.memory_space<vmem>>
    %dma_start3A_40 = arith.constant 0 : i32
    %dma_start3A_41 = tpu.memref_slice %arg2[%add3A_35, %dma_start3A_40] : memref<819200x128xf32, #tpu.memory_space<hbm>> -> memref<128x128xf32, #tpu.memory_space<hbm>>
    %dma_start3A_42 = arith.constant 0 : i32
    %dma_start3A_43 = arith.constant 0 : i32
    %dma_start3A_44 = tpu.memref_slice %arg9[%dma_start3A, %dma_start3A_42, %dma_start3A_43] : memref<4x128x128xf32, #tpu.memory_space<vmem>> -> memref<1x128x128xf32, #tpu.memory_space<vmem>>
    %dma_start3A_45 = tpu.memref_squeeze %dma_start3A_44 : memref<1x128x128xf32, #tpu.memory_space<vmem>> -> memref<128x128xf32, #tpu.memory_space<vmem>>
    %dma_start3A_46 = arith.constant 0 : i32
    %dma_start3A_47 = tpu.memref_slice %arg2[%add3A_35, %dma_start3A_46] : memref<819200x128xf32, #tpu.memory_space<hbm>> -> memref<128x128xf32, #tpu.memory_space<hbm>>
    tpu.enqueue_dma source(%dma_start3A_47 : memref<128x128xf32, #tpu.memory_space<hbm>>) target(%dma_start3A_45 : memref<128x128xf32, #tpu.memory_space<vmem>>) target_semaphore(%arg13 : memref<!tpu.dma_semaphore, #tpu.memory_space<semaphore_mem>>)
    %add3A_48 = arith.constant 128 : i32
    %add3A_49 = arith.addi %mul3A_2, %add3A_48 : i32
    %dma_start3A_50 = arith.constant 1 : i32
    %dma_start3A_51 = arith.constant 0 : i32
    %dma_start3A_52 = arith.constant 0 : i32
    %dma_start3A_53 = tpu.memref_slice %arg9[%dma_start3A_50, %dma_start3A_51, %dma_start3A_52] : memref<4x128x128xf32, #tpu.memory_space<vmem>> -> memref<1x128x128xf32, #tpu.memory_space<vmem>>
    %dma_start3A_54 = tpu.memref_squeeze %dma_start3A_53 : memref<1x128x128xf32, #tpu.memory_space<vmem>> -> memref<128x128xf32, #tpu.memory_space<vmem>>
    %dma_start3A_55 = arith.constant 0 : i32
    %dma_start3A_56 = tpu.memref_slice %arg2[%add3A_49, %dma_start3A_55] : memref<819200x128xf32, #tpu.memory_space<hbm>> -> memref<128x128xf32, #tpu.memory_space<hbm>>
    %dma_start3A_57 = arith.constant 0 : i32
    %dma_start3A_58 = arith.constant 0 : i32
    %dma_start3A_59 = tpu.memref_slice %arg9[%dma_start3A_50, %dma_start3A_57, %dma_start3A_58] : memref<4x128x128xf32, #tpu.memory_space<vmem>> -> memref<1x128x128xf32, #tpu.memory_space<vmem>>
    %dma_start3A_60 = tpu.memref_squeeze %dma_start3A_59 : memref<1x128x128xf32, #tpu.memory_space<vmem>> -> memref<128x128xf32, #tpu.memory_space<vmem>>
    %dma_start3A_61 = arith.constant 0 : i32
    %dma_start3A_62 = tpu.memref_slice %arg2[%add3A_49, %dma_start3A_61] : memref<819200x128xf32, #tpu.memory_space<hbm>> -> memref<128x128xf32, #tpu.memory_space<hbm>>
    tpu.enqueue_dma source(%dma_start3A_62 : memref<128x128xf32, #tpu.memory_space<hbm>>) target(%dma_start3A_60 : memref<128x128xf32, #tpu.memory_space<vmem>>) target_semaphore(%arg14 : memref<!tpu.dma_semaphore, #tpu.memory_space<semaphore_mem>>)
    %add3A_63 = arith.constant 0 : i32
    %add3A_64 = arith.addi %mul3A_2, %add3A_63 : i32
    %dma_wait3A = arith.constant 0 : i32
    %dma_wait3A_65 = arith.constant 0 : i32
    %dma_wait3A_66 = arith.constant 0 : i32
    %dma_wait3A_67 = tpu.memref_slice %arg9[%dma_wait3A, %dma_wait3A_65, %dma_wait3A_66] : memref<4x128x128xf32, #tpu.memory_space<vmem>> -> memref<1x128x128xf32, #tpu.memory_space<vmem>>
    %dma_wait3A_68 = tpu.memref_squeeze %dma_wait3A_67 : memref<1x128x128xf32, #tpu.memory_space<vmem>> -> memref<128x128xf32, #tpu.memory_space<vmem>>
    %dma_wait3A_69 = arith.constant 0 : i32
    %dma_wait3A_70 = tpu.memref_slice %arg2[%add3A_64, %dma_wait3A_69] : memref<819200x128xf32, #tpu.memory_space<hbm>> -> memref<128x128xf32, #tpu.memory_space<hbm>>
    %dma_wait3A_71 = arith.constant 0 : i32
    %dma_wait3A_72 = arith.constant 0 : i32
    %dma_wait3A_73 = tpu.memref_slice %arg9[%dma_wait3A, %dma_wait3A_71, %dma_wait3A_72] : memref<4x128x128xf32, #tpu.memory_space<vmem>> -> memref<1x128x128xf32, #tpu.memory_space<vmem>>
    %dma_wait3A_74 = tpu.memref_squeeze %dma_wait3A_73 : memref<1x128x128xf32, #tpu.memory_space<vmem>> -> memref<128x128xf32, #tpu.memory_space<vmem>>
    %dma_wait3A_75 = arith.constant 0 : i32
    %dma_wait3A_76 = tpu.memref_slice %arg2[%add3A_64, %dma_wait3A_75] : memref<819200x128xf32, #tpu.memory_space<hbm>> -> memref<128x128xf32, #tpu.memory_space<hbm>>
    tpu.wait_dma2 semaphore(%arg13 : memref<!tpu.dma_semaphore, #tpu.memory_space<semaphore_mem>>) src(%dma_wait3A_76 : memref<128x128xf32, #tpu.memory_space<hbm>>) dst(%dma_wait3A_74 : memref<128x128xf32, #tpu.memory_space<vmem>>)
    %dma_start3A_77 = arith.constant 0 : i32
    %dma_start3A_78 = arith.constant 0 : i32
    %dma_start3A_79 = arith.constant 0 : i32
    %dma_start3A_80 = tpu.memref_slice %arg9[%dma_start3A_77, %dma_start3A_78, %dma_start3A_79] : memref<4x128x128xf32, #tpu.memory_space<vmem>> -> memref<1x128x128xf32, #tpu.memory_space<vmem>>
    %dma_start3A_81 = tpu.memref_squeeze %dma_start3A_80 : memref<1x128x128xf32, #tpu.memory_space<vmem>> -> memref<128x128xf32, #tpu.memory_space<vmem>>
    %dma_start3A_82 = arith.constant 0 : i32
    %dma_start3A_83 = tpu.memref_slice %arg8[%dma_start3A_82] : memref<25600xi32, #tpu.memory_space<vmem>> -> memref<128xi32, #tpu.memory_space<vmem>>
    %dma_start3A_84 = arith.constant 0 : i32
    %dma_start3A_85 = arith.constant 0 : i32
    %dma_start3A_86 = tpu.memref_slice %arg4[%dma_start3A_84, %dma_start3A_85] : memref<1000x128xf32, #tpu.memory_space<hbm>> -> memref<1000x128xf32, #tpu.memory_space<hbm>>
    tpu.enqueue_indirect_dma source(%dma_start3A_86 : memref<1000x128xf32, #tpu.memory_space<hbm>>) target(%dma_start3A_81 : memref<128x128xf32, #tpu.memory_space<vmem>>) offsets(%dma_start3A_83 : memref<128xi32, #tpu.memory_space<vmem>>) semaphore(%arg17 : memref<!tpu.dma_semaphore, #tpu.memory_space<semaphore_mem>>) {add = true}
    %scan3A = arith.constant 0 : i32
    %scan3A_87 = arith.constant 0 : i32
    %scan3A_88 = arith.constant 50 : i32
    %scan3A_89 = arith.addi %scan3A_87, %scan3A_88 : i32
    %scan3A_90 = arith.constant 1 : i32
    scf.for %scan3A_122 = %scan3A_87 to %scan3A_89 step %scan3A_90  : i32 {
      %mul3A_123 = arith.constant 4 : i32
      %mul3A_124 = arith.muli %mul3A_123, %scan3A_122 : i32
      %add3A_125 = arith.constant 0 : i32
      %add3A_126 = arith.addi %mul3A_124, %add3A_125 : i32
      %add3A_127 = arith.constant 1 : i32
      %add3A_128 = arith.addi %add3A_126, %add3A_127 : i32
      %mul3A_129 = arith.constant 128 : i32
      %mul3A_130 = arith.muli %add3A_128, %mul3A_129 : i32
      %add3A_131 = arith.addi %mul3A_2, %mul3A_130 : i32
      %dma_wait3A_132 = arith.constant 1 : i32
      %dma_wait3A_133 = arith.constant 0 : i32
      %dma_wait3A_134 = arith.constant 0 : i32
      %dma_wait3A_135 = tpu.memref_slice %arg9[%dma_wait3A_132, %dma_wait3A_133, %dma_wait3A_134] : memref<4x128x128xf32, #tpu.memory_space<vmem>> -> memref<1x128x128xf32, #tpu.memory_space<vmem>>
      %dma_wait3A_136 = tpu.memref_squeeze %dma_wait3A_135 : memref<1x128x128xf32, #tpu.memory_space<vmem>> -> memref<128x128xf32, #tpu.memory_space<vmem>>
      %dma_wait3A_137 = arith.constant 0 : i32
      %dma_wait3A_138 = tpu.memref_slice %arg2[%add3A_131, %dma_wait3A_137] : memref<819200x128xf32, #tpu.memory_space<hbm>> -> memref<128x128xf32, #tpu.memory_space<hbm>>
      %dma_wait3A_139 = arith.constant 0 : i32
      %dma_wait3A_140 = arith.constant 0 : i32
      %dma_wait3A_141 = tpu.memref_slice %arg9[%dma_wait3A_132, %dma_wait3A_139, %dma_wait3A_140] : memref<4x128x128xf32, #tpu.memory_space<vmem>> -> memref<1x128x128xf32, #tpu.memory_space<vmem>>
      %dma_wait3A_142 = tpu.memref_squeeze %dma_wait3A_141 : memref<1x128x128xf32, #tpu.memory_space<vmem>> -> memref<128x128xf32, #tpu.memory_space<vmem>>
      %dma_wait3A_143 = arith.constant 0 : i32
      %dma_wait3A_144 = tpu.memref_slice %arg2[%add3A_131, %dma_wait3A_143] : memref<819200x128xf32, #tpu.memory_space<hbm>> -> memref<128x128xf32, #tpu.memory_space<hbm>>
      tpu.wait_dma2 semaphore(%arg14 : memref<!tpu.dma_semaphore, #tpu.memory_space<semaphore_mem>>) src(%dma_wait3A_144 : memref<128x128xf32, #tpu.memory_space<hbm>>) dst(%dma_wait3A_142 : memref<128x128xf32, #tpu.memory_space<vmem>>)
      %add3A_145 = arith.constant 1 : i32
      %add3A_146 = arith.addi %add3A_126, %add3A_145 : i32
      %mul3A_147 = arith.constant 128 : i32
      %mul3A_148 = arith.muli %add3A_146, %mul3A_147 : i32
      %dma_start3A_149 = arith.constant 1 : i32
      %dma_start3A_150 = arith.constant 0 : i32
      %dma_start3A_151 = arith.constant 0 : i32
      %dma_start3A_152 = tpu.memref_slice %arg9[%dma_start3A_149, %dma_start3A_150, %dma_start3A_151] : memref<4x128x128xf32, #tpu.memory_space<vmem>> -> memref<1x128x128xf32, #tpu.memory_space<vmem>>
      %dma_start3A_153 = tpu.memref_squeeze %dma_start3A_152 : memref<1x128x128xf32, #tpu.memory_space<vmem>> -> memref<128x128xf32, #tpu.memory_space<vmem>>
      %dma_start3A_154 = tpu.memref_slice %arg8[%mul3A_148] : memref<25600xi32, #tpu.memory_space<vmem>> -> memref<128xi32, #tpu.memory_space<vmem>>
      %dma_start3A_155 = arith.constant 0 : i32
      %dma_start3A_156 = arith.constant 0 : i32
      %dma_start3A_157 = tpu.memref_slice %arg4[%dma_start3A_155, %dma_start3A_156] : memref<1000x128xf32, #tpu.memory_space<hbm>> -> memref<1000x128xf32, #tpu.memory_space<hbm>>
      tpu.enqueue_indirect_dma source(%dma_start3A_157 : memref<1000x128xf32, #tpu.memory_space<hbm>>) target(%dma_start3A_153 : memref<128x128xf32, #tpu.memory_space<vmem>>) offsets(%dma_start3A_154 : memref<128xi32, #tpu.memory_space<vmem>>) semaphore(%arg18 : memref<!tpu.dma_semaphore, #tpu.memory_space<semaphore_mem>>) {add = true}
      %add3A_158 = arith.constant 2 : i32
      %add3A_159 = arith.addi %add3A_126, %add3A_158 : i32
      %mul3A_160 = arith.constant 128 : i32
      %mul3A_161 = arith.muli %add3A_159, %mul3A_160 : i32
      %add3A_162 = arith.addi %mul3A_2, %mul3A_161 : i32
      %dma_start3A_163 = arith.constant 2 : i32
      %dma_start3A_164 = arith.constant 0 : i32
      %dma_start3A_165 = arith.constant 0 : i32
      %dma_start3A_166 = tpu.memref_slice %arg9[%dma_start3A_163, %dma_start3A_164, %dma_start3A_165] : memref<4x128x128xf32, #tpu.memory_space<vmem>> -> memref<1x128x128xf32, #tpu.memory_space<vmem>>
      %dma_start3A_167 = tpu.memref_squeeze %dma_start3A_166 : memref<1x128x128xf32, #tpu.memory_space<vmem>> -> memref<128x128xf32, #tpu.memory_space<vmem>>
      %dma_start3A_168 = arith.constant 0 : i32
      %dma_start3A_169 = tpu.memref_slice %arg2[%add3A_162, %dma_start3A_168] : memref<819200x128xf32, #tpu.memory_space<hbm>> -> memref<128x128xf32, #tpu.memory_space<hbm>>
      %dma_start3A_170 = arith.constant 0 : i32
      %dma_start3A_171 = arith.constant 0 : i32
      %dma_start3A_172 = tpu.memref_slice %arg9[%dma_start3A_163, %dma_start3A_170, %dma_start3A_171] : memref<4x128x128xf32, #tpu.memory_space<vmem>> -> memref<1x128x128xf32, #tpu.memory_space<vmem>>
      %dma_start3A_173 = tpu.memref_squeeze %dma_start3A_172 : memref<1x128x128xf32, #tpu.memory_space<vmem>> -> memref<128x128xf32, #tpu.memory_space<vmem>>
      %dma_start3A_174 = arith.constant 0 : i32
      %dma_start3A_175 = tpu.memref_slice %arg2[%add3A_162, %dma_start3A_174] : memref<819200x128xf32, #tpu.memory_space<hbm>> -> memref<128x128xf32, #tpu.memory_space<hbm>>
      tpu.enqueue_dma source(%dma_start3A_175 : memref<128x128xf32, #tpu.memory_space<hbm>>) target(%dma_start3A_173 : memref<128x128xf32, #tpu.memory_space<vmem>>) target_semaphore(%arg15 : memref<!tpu.dma_semaphore, #tpu.memory_space<semaphore_mem>>)
      %ge3A = arith.constant 1 : i32
      %ge3A_176 = arith.cmpi sge, %scan3A_122, %ge3A : i32
      %convert_element_type3A = arith.extui %ge3A_176 : i1 to i32
      %cond3A = arith.constant 0 : i32
      %cond3A_177 = arith.cmpi ne, %convert_element_type3A, %cond3A : i32
      scf.if %cond3A_177 {
        %sub3A_451 = arith.constant 2 : i32
        %sub3A_452 = arith.subi %add3A_126, %sub3A_451 : i32
        %mul3A_453 = arith.constant 128 : i32
        %mul3A_454 = arith.muli %sub3A_452, %mul3A_453 : i32
        %add3A_455 = arith.addi %mul3A_2, %mul3A_454 : i32
        %dma_wait3A_456 = arith.constant 0 : i32
        %dma_wait3A_457 = arith.constant 0 : i32
        %dma_wait3A_458 = arith.constant 0 : i32
        %dma_wait3A_459 = tpu.memref_slice %arg10[%dma_wait3A_456, %dma_wait3A_457, %dma_wait3A_458] : memref<2x128x128xf32, #tpu.memory_space<vmem>> -> memref<1x128x128xf32, #tpu.memory_space<vmem>>
        %dma_wait3A_460 = tpu.memref_squeeze %dma_wait3A_459 : memref<1x128x128xf32, #tpu.memory_space<vmem>> -> memref<128x128xf32, #tpu.memory_space<vmem>>
        %dma_wait3A_461 = arith.constant 0 : i32
        %dma_wait3A_462 = tpu.memref_slice %arg7[%add3A_455, %dma_wait3A_461] : memref<819200x128xf32, #tpu.memory_space<hbm>> -> memref<128x128xf32, #tpu.memory_space<hbm>>
        %dma_wait3A_463 = arith.constant 0 : i32
        %dma_wait3A_464 = tpu.memref_slice %arg7[%add3A_455, %dma_wait3A_463] : memref<819200x128xf32, #tpu.memory_space<hbm>> -> memref<128x128xf32, #tpu.memory_space<hbm>>
        %dma_wait3A_465 = arith.constant 0 : i32
        %dma_wait3A_466 = arith.constant 0 : i32
        %dma_wait3A_467 = tpu.memref_slice %arg10[%dma_wait3A_456, %dma_wait3A_465, %dma_wait3A_466] : memref<2x128x128xf32, #tpu.memory_space<vmem>> -> memref<1x128x128xf32, #tpu.memory_space<vmem>>
        %dma_wait3A_468 = tpu.memref_squeeze %dma_wait3A_467 : memref<1x128x128xf32, #tpu.memory_space<vmem>> -> memref<128x128xf32, #tpu.memory_space<vmem>>
        tpu.wait_dma2 semaphore(%arg21 : memref<!tpu.dma_semaphore, #tpu.memory_space<semaphore_mem>>) src(%dma_wait3A_468 : memref<128x128xf32, #tpu.memory_space<vmem>>) dst(%dma_wait3A_464 : memref<128x128xf32, #tpu.memory_space<hbm>>)
      } else {
      }
      %mul3A_178 = arith.constant 128 : i32
      %mul3A_179 = arith.muli %add3A_126, %mul3A_178 : i32
      %dma_wait3A_180 = arith.constant 0 : i32
      %dma_wait3A_181 = arith.constant 0 : i32
      %dma_wait3A_182 = arith.constant 0 : i32
      %dma_wait3A_183 = tpu.memref_slice %arg9[%dma_wait3A_180, %dma_wait3A_181, %dma_wait3A_182] : memref<4x128x128xf32, #tpu.memory_space<vmem>> -> memref<1x128x128xf32, #tpu.memory_space<vmem>>
      %dma_wait3A_184 = tpu.memref_squeeze %dma_wait3A_183 : memref<1x128x128xf32, #tpu.memory_space<vmem>> -> memref<128x128xf32, #tpu.memory_space<vmem>>
      %dma_wait3A_185 = tpu.memref_slice %arg8[%mul3A_179] : memref<25600xi32, #tpu.memory_space<vmem>> -> memref<128xi32, #tpu.memory_space<vmem>>
      %dma_wait3A_186 = arith.constant 0 : i32
      %dma_wait3A_187 = arith.constant 0 : i32
      %dma_wait3A_188 = tpu.memref_slice %arg4[%dma_wait3A_186, %dma_wait3A_187] : memref<1000x128xf32, #tpu.memory_space<hbm>> -> memref<1000x128xf32, #tpu.memory_space<hbm>>
      tpu.wait_indirect_dma semaphore(%arg17 : memref<!tpu.dma_semaphore, #tpu.memory_space<semaphore_mem>>) src(%dma_wait3A_188 : memref<1000x128xf32, #tpu.memory_space<hbm>>) dst(%dma_wait3A_184 : memref<128x128xf32, #tpu.memory_space<vmem>>)
      %parallel_loop3A = arith.constant 0 : i32
      %parallel_loop3A_189 = arith.constant 128 : i32
      %parallel_loop3A_190 = arith.constant 1 : i32
      %parallel_loop3A_191 = arith.constant 0 : i32
      %parallel_loop3A_192 = arith.constant 0 : i32
      scf.for %parallel_loop3A_451 = %parallel_loop3A to %parallel_loop3A_189 step %parallel_loop3A_190  : i32 {
        %parallel_loop3A_452 = arith.constant 0 : i32
        %parallel_loop3A_453 = arith.constant 0 : i32
        %parallel_loop3A_454 = tpu.memref_slice %arg9[%parallel_loop3A_191, %parallel_loop3A_452, %parallel_loop3A_453] : memref<4x128x128xf32, #tpu.memory_space<vmem>> -> memref<1x128x128xf32, #tpu.memory_space<vmem>>
        %parallel_loop3A_455 = tpu.memref_squeeze %parallel_loop3A_454 : memref<1x128x128xf32, #tpu.memory_space<vmem>> -> memref<128x128xf32, #tpu.memory_space<vmem>>
        %parallel_loop3A_456 = arith.index_cast %parallel_loop3A_451 : i32 to index
        %parallel_loop3A_457 = arith.constant 0 : index
        %parallel_loop3A_458 = tpu.vector_load %parallel_loop3A_455[%parallel_loop3A_456, %parallel_loop3A_457] {strides = array<i32>} : memref<128x128xf32, #tpu.memory_space<vmem>>, vector<16xf32>,
        %parallel_loop3A_459 = arith.constant 0 : i32
        %parallel_loop3A_460 = arith.constant 0 : i32
        %parallel_loop3A_461 = tpu.memref_slice %arg9[%parallel_loop3A_191, %parallel_loop3A_459, %parallel_loop3A_460] : memref<4x128x128xf32, #tpu.memory_space<vmem>> -> memref<1x128x128xf32, #tpu.memory_space<vmem>>
        %parallel_loop3A_462 = tpu.memref_squeeze %parallel_loop3A_461 : memref<1x128x128xf32, #tpu.memory_space<vmem>> -> memref<128x128xf32, #tpu.memory_space<vmem>>
        %parallel_loop3A_463 = arith.index_cast %parallel_loop3A_451 : i32 to index
        %parallel_loop3A_464 = arith.constant 16 : index
        %parallel_loop3A_465 = tpu.vector_load %parallel_loop3A_462[%parallel_loop3A_463, %parallel_loop3A_464] {strides = array<i32>} : memref<128x128xf32, #tpu.memory_space<vmem>>, vector<16xf32>,
        %parallel_loop3A_466 = arith.constant 0 : i32
        %parallel_loop3A_467 = arith.constant 0 : i32
        %parallel_loop3A_468 = tpu.memref_slice %arg9[%parallel_loop3A_191, %parallel_loop3A_466, %parallel_loop3A_467] : memref<4x128x128xf32, #tpu.memory_space<vmem>> -> memref<1x128x128xf32, #tpu.memory_space<vmem>>
        %parallel_loop3A_469 = tpu.memref_squeeze %parallel_loop3A_468 : memref<1x128x128xf32, #tpu.memory_space<vmem>> -> memref<128x128xf32, #tpu.memory_space<vmem>>
        %parallel_loop3A_470 = arith.index_cast %parallel_loop3A_451 : i32 to index
        %parallel_loop3A_471 = arith.constant 32 : index
        %parallel_loop3A_472 = tpu.vector_load %parallel_loop3A_469[%parallel_loop3A_470, %parallel_loop3A_471] {strides = array<i32>} : memref<128x128xf32, #tpu.memory_space<vmem>>, vector<16xf32>,
        %parallel_loop3A_473 = arith.constant 0 : i32
        %parallel_loop3A_474 = arith.constant 0 : i32
        %parallel_loop3A_475 = tpu.memref_slice %arg9[%parallel_loop3A_191, %parallel_loop3A_473, %parallel_loop3A_474] : memref<4x128x128xf32, #tpu.memory_space<vmem>> -> memref<1x128x128xf32, #tpu.memory_space<vmem>>
        %parallel_loop3A_476 = tpu.memref_squeeze %parallel_loop3A_475 : memref<1x128x128xf32, #tpu.memory_space<vmem>> -> memref<128x128xf32, #tpu.memory_space<vmem>>
        %parallel_loop3A_477 = arith.index_cast %parallel_loop3A_451 : i32 to index
        %parallel_loop3A_478 = arith.constant 48 : index
        %parallel_loop3A_479 = tpu.vector_load %parallel_loop3A_476[%parallel_loop3A_477, %parallel_loop3A_478] {strides = array<i32>} : memref<128x128xf32, #tpu.memory_space<vmem>>, vector<16xf32>,
        %parallel_loop3A_480 = arith.constant 0 : i32
        %parallel_loop3A_481 = arith.constant 0 : i32
        %parallel_loop3A_482 = tpu.memref_slice %arg9[%parallel_loop3A_191, %parallel_loop3A_480, %parallel_loop3A_481] : memref<4x128x128xf32, #tpu.memory_space<vmem>> -> memref<1x128x128xf32, #tpu.memory_space<vmem>>
        %parallel_loop3A_483 = tpu.memref_squeeze %parallel_loop3A_482 : memref<1x128x128xf32, #tpu.memory_space<vmem>> -> memref<128x128xf32, #tpu.memory_space<vmem>>
        %parallel_loop3A_484 = arith.index_cast %parallel_loop3A_451 : i32 to index
        %parallel_loop3A_485 = arith.constant 64 : index
        %parallel_loop3A_486 = tpu.vector_load %parallel_loop3A_483[%parallel_loop3A_484, %parallel_loop3A_485] {strides = array<i32>} : memref<128x128xf32, #tpu.memory_space<vmem>>, vector<16xf32>,
        %parallel_loop3A_487 = arith.constant 0 : i32
        %parallel_loop3A_488 = arith.constant 0 : i32
        %parallel_loop3A_489 = tpu.memref_slice %arg9[%parallel_loop3A_191, %parallel_loop3A_487, %parallel_loop3A_488] : memref<4x128x128xf32, #tpu.memory_space<vmem>> -> memref<1x128x128xf32, #tpu.memory_space<vmem>>
        %parallel_loop3A_490 = tpu.memref_squeeze %parallel_loop3A_489 : memref<1x128x128xf32, #tpu.memory_space<vmem>> -> memref<128x128xf32, #tpu.memory_space<vmem>>
        %parallel_loop3A_491 = arith.index_cast %parallel_loop3A_451 : i32 to index
        %parallel_loop3A_492 = arith.constant 80 : index
        %parallel_loop3A_493 = tpu.vector_load %parallel_loop3A_490[%parallel_loop3A_491, %parallel_loop3A_492] {strides = array<i32>} : memref<128x128xf32, #tpu.memory_space<vmem>>, vector<16xf32>,
        %parallel_loop3A_494 = arith.constant 0 : i32
        %parallel_loop3A_495 = arith.constant 0 : i32
        %parallel_loop3A_496 = tpu.memref_slice %arg9[%parallel_loop3A_191, %parallel_loop3A_494, %parallel_loop3A_495] : memref<4x128x128xf32, #tpu.memory_space<vmem>> -> memref<1x128x128xf32, #tpu.memory_space<vmem>>
        %parallel_loop3A_497 = tpu.memref_squeeze %parallel_loop3A_496 : memref<1x128x128xf32, #tpu.memory_space<vmem>> -> memref<128x128xf32, #tpu.memory_space<vmem>>
        %parallel_loop3A_498 = arith.index_cast %parallel_loop3A_451 : i32 to index
        %parallel_loop3A_499 = arith.constant 96 : index
        %parallel_loop3A_500 = tpu.vector_load %parallel_loop3A_497[%parallel_loop3A_498, %parallel_loop3A_499] {strides = array<i32>} : memref<128x128xf32, #tpu.memory_space<vmem>>, vector<16xf32>,
        %parallel_loop3A_501 = arith.constant 0 : i32
        %parallel_loop3A_502 = arith.constant 0 : i32
        %parallel_loop3A_503 = tpu.memref_slice %arg9[%parallel_loop3A_191, %parallel_loop3A_501, %parallel_loop3A_502] : memref<4x128x128xf32, #tpu.memory_space<vmem>> -> memref<1x128x128xf32, #tpu.memory_space<vmem>>
        %parallel_loop3A_504 = tpu.memref_squeeze %parallel_loop3A_503 : memref<1x128x128xf32, #tpu.memory_space<vmem>> -> memref<128x128xf32, #tpu.memory_space<vmem>>
        %parallel_loop3A_505 = arith.index_cast %parallel_loop3A_451 : i32 to index
        %parallel_loop3A_506 = arith.constant 112 : index
        %parallel_loop3A_507 = tpu.vector_load %parallel_loop3A_504[%parallel_loop3A_505, %parallel_loop3A_506] {strides = array<i32>} : memref<128x128xf32, #tpu.memory_space<vmem>>, vector<16xf32>,
        %parallel_loop3A_508 = arith.addf %parallel_loop3A_458, %parallel_loop3A_465 : vector<16xf32>
        %parallel_loop3A_509 = arith.addf %parallel_loop3A_472, %parallel_loop3A_479 : vector<16xf32>
        %parallel_loop3A_510 = arith.addf %parallel_loop3A_508, %parallel_loop3A_509 : vector<16xf32>
        %parallel_loop3A_511 = arith.addf %parallel_loop3A_486, %parallel_loop3A_493 : vector<16xf32>
        %parallel_loop3A_512 = arith.addf %parallel_loop3A_500, %parallel_loop3A_507 : vector<16xf32>
        %parallel_loop3A_513 = arith.addf %parallel_loop3A_511, %parallel_loop3A_512 : vector<16xf32>
        %parallel_loop3A_514 = arith.addf %parallel_loop3A_510, %parallel_loop3A_513 : vector<16xf32>
        %parallel_loop3A_515 = arith.mulf %parallel_loop3A_458, %parallel_loop3A_458 : vector<16xf32>
        %parallel_loop3A_516 = arith.mulf %parallel_loop3A_465, %parallel_loop3A_465 : vector<16xf32>
        %parallel_loop3A_517 = arith.addf %parallel_loop3A_515, %parallel_loop3A_516 : vector<16xf32>
        %parallel_loop3A_518 = arith.mulf %parallel_loop3A_472, %parallel_loop3A_472 : vector<16xf32>
        %parallel_loop3A_519 = arith.mulf %parallel_loop3A_479, %parallel_loop3A_479 : vector<16xf32>
        %parallel_loop3A_520 = arith.addf %parallel_loop3A_518, %parallel_loop3A_519 : vector<16xf32>
        %parallel_loop3A_521 = arith.addf %parallel_loop3A_517, %parallel_loop3A_520 : vector<16xf32>
        %parallel_loop3A_522 = arith.mulf %parallel_loop3A_486, %parallel_loop3A_486 : vector<16xf32>
        %parallel_loop3A_523 = arith.mulf %parallel_loop3A_493, %parallel_loop3A_493 : vector<16xf32>
        %parallel_loop3A_524 = arith.addf %parallel_loop3A_522, %parallel_loop3A_523 : vector<16xf32>
        %parallel_loop3A_525 = arith.mulf %parallel_loop3A_500, %parallel_loop3A_500 : vector<16xf32>
        %parallel_loop3A_526 = arith.mulf %parallel_loop3A_507, %parallel_loop3A_507 : vector<16xf32>
        %parallel_loop3A_527 = arith.addf %parallel_loop3A_525, %parallel_loop3A_526 : vector<16xf32>
        %parallel_loop3A_528 = arith.addf %parallel_loop3A_524, %parallel_loop3A_527 : vector<16xf32>
        %parallel_loop3A_529 = arith.addf %parallel_loop3A_521, %parallel_loop3A_528 : vector<16xf32>
        %parallel_loop3A_530 = arith.constant true
        %parallel_loop3A_531 = vector.broadcast %parallel_loop3A_530 : i1 to vector<16xi1>
        %parallel_loop3A_532 = tpu.scan <sum>, %parallel_loop3A_514 masked %parallel_loop3A_531 : vector<16xf32>, vector<16xi1> -> vector<16xf32>
        %parallel_loop3A_533 = vector.extract %parallel_loop3A_532[15] : f32 from vector<16xf32>
        %parallel_loop3A_534 = vector.broadcast %parallel_loop3A_533 : f32 to vector<16xf32>
        %parallel_loop3A_535 = arith.constant 7.812500e-03 : f32
        %parallel_loop3A_536 = vector.broadcast %parallel_loop3A_535 : f32 to vector<16xf32>
        %parallel_loop3A_537 = arith.mulf %parallel_loop3A_534, %parallel_loop3A_536 : vector<16xf32>
        %parallel_loop3A_538 = arith.constant true
        %parallel_loop3A_539 = vector.broadcast %parallel_loop3A_538 : i1 to vector<16xi1>
        %parallel_loop3A_540 = tpu.scan <sum>, %parallel_loop3A_529 masked %parallel_loop3A_539 : vector<16xf32>, vector<16xi1> -> vector<16xf32>
        %parallel_loop3A_541 = vector.extract %parallel_loop3A_540[15] : f32 from vector<16xf32>
        %parallel_loop3A_542 = vector.broadcast %parallel_loop3A_541 : f32 to vector<16xf32>
        %parallel_loop3A_543 = arith.constant 7.812500e-03 : f32
        %parallel_loop3A_544 = vector.broadcast %parallel_loop3A_543 : f32 to vector<16xf32>
        %parallel_loop3A_545 = arith.mulf %parallel_loop3A_542, %parallel_loop3A_544 : vector<16xf32>
        %parallel_loop3A_546 = arith.mulf %parallel_loop3A_537, %parallel_loop3A_537 : vector<16xf32>
        %parallel_loop3A_547 = arith.subf %parallel_loop3A_545, %parallel_loop3A_546 : vector<16xf32>
        %parallel_loop3A_548 = arith.constant 9.99999974E-6 : f32
        %parallel_loop3A_549 = vector.broadcast %parallel_loop3A_548 : f32 to vector<16xf32>
        %parallel_loop3A_550 = arith.addf %parallel_loop3A_547, %parallel_loop3A_549 : vector<16xf32>
        %parallel_loop3A_551 = vector.bitcast %parallel_loop3A_550 : vector<16xf32> to vector<16xi32>
        %parallel_loop3A_552 = arith.constant 1 : i32
        %parallel_loop3A_553 = vector.broadcast %parallel_loop3A_552 : i32 to vector<16xi32>
        %parallel_loop3A_554 = arith.shrsi %parallel_loop3A_551, %parallel_loop3A_553 : vector<16xi32>
        %parallel_loop3A_555 = arith.constant 1597463007 : i32
        %parallel_loop3A_556 = vector.broadcast %parallel_loop3A_555 : i32 to vector<16xi32>
        %parallel_loop3A_557 = arith.subi %parallel_loop3A_556, %parallel_loop3A_554 : vector<16xi32>
        %parallel_loop3A_558 = vector.bitcast %parallel_loop3A_557 : vector<16xi32> to vector<16xf32>
        %parallel_loop3A_559 = arith.constant 5.000000e-01 : f32
        %parallel_loop3A_560 = vector.broadcast %parallel_loop3A_559 : f32 to vector<16xf32>
        %parallel_loop3A_561 = arith.mulf %parallel_loop3A_550, %parallel_loop3A_560 : vector<16xf32>
        %parallel_loop3A_562 = arith.mulf %parallel_loop3A_561, %parallel_loop3A_558 : vector<16xf32>
        %parallel_loop3A_563 = arith.mulf %parallel_loop3A_562, %parallel_loop3A_558 : vector<16xf32>
        %parallel_loop3A_564 = arith.constant 1.500000e+00 : f32
        %parallel_loop3A_565 = vector.broadcast %parallel_loop3A_564 : f32 to vector<16xf32>
        %parallel_loop3A_566 = arith.subf %parallel_loop3A_565, %parallel_loop3A_563 : vector<16xf32>
        %parallel_loop3A_567 = arith.mulf %parallel_loop3A_558, %parallel_loop3A_566 : vector<16xf32>
        %parallel_loop3A_568 = arith.mulf %parallel_loop3A_561, %parallel_loop3A_567 : vector<16xf32>
        %parallel_loop3A_569 = arith.mulf %parallel_loop3A_568, %parallel_loop3A_567 : vector<16xf32>
        %parallel_loop3A_570 = arith.constant 1.500000e+00 : f32
        %parallel_loop3A_571 = vector.broadcast %parallel_loop3A_570 : f32 to vector<16xf32>
        %parallel_loop3A_572 = arith.subf %parallel_loop3A_571, %parallel_loop3A_569 : vector<16xf32>
        %parallel_loop3A_573 = arith.mulf %parallel_loop3A_567, %parallel_loop3A_572 : vector<16xf32>
        %parallel_loop3A_574 = arith.subf %parallel_loop3A_458, %parallel_loop3A_537 : vector<16xf32>
        %parallel_loop3A_575 = arith.mulf %parallel_loop3A_573, %get3A_3 : vector<16xf32>
        %parallel_loop3A_576 = arith.mulf %parallel_loop3A_574, %parallel_loop3A_575 : vector<16xf32>
        %parallel_loop3A_577 = arith.addf %parallel_loop3A_576, %get3A_19 : vector<16xf32>
        %parallel_loop3A_578 = arith.constant 0 : i32
        %parallel_loop3A_579 = arith.constant 0 : i32
        %parallel_loop3A_580 = tpu.memref_slice %arg10[%parallel_loop3A_192, %parallel_loop3A_578, %parallel_loop3A_579] : memref<2x128x128xf32, #tpu.memory_space<vmem>> -> memref<1x128x128xf32, #tpu.memory_space<vmem>>
        %parallel_loop3A_581 = tpu.memref_squeeze %parallel_loop3A_580 : memref<1x128x128xf32, #tpu.memory_space<vmem>> -> memref<128x128xf32, #tpu.memory_space<vmem>>
        %parallel_loop3A_582 = arith.index_cast %parallel_loop3A_451 : i32 to index
        %parallel_loop3A_583 = arith.constant 0 : index
        %parallel_loop3A_584 = tpu.vector_load %parallel_loop3A_581[%parallel_loop3A_582, %parallel_loop3A_583] {strides = array<i32>} : memref<128x128xf32, #tpu.memory_space<vmem>>, vector<16xf32>,
        tpu.vector_store %parallel_loop3A_581[%parallel_loop3A_582, %parallel_loop3A_583], %parallel_loop3A_577 {strides = array<i32>} : memref<128x128xf32, #tpu.memory_space<vmem>>, vector<16xf32>,
        %parallel_loop3A_585 = arith.subf %parallel_loop3A_465, %parallel_loop3A_537 : vector<16xf32>
        %parallel_loop3A_586 = arith.mulf %parallel_loop3A_573, %get3A_5 : vector<16xf32>
        %parallel_loop3A_587 = arith.mulf %parallel_loop3A_585, %parallel_loop3A_586 : vector<16xf32>
        %parallel_loop3A_588 = arith.addf %parallel_loop3A_587, %get3A_21 : vector<16xf32>
        %parallel_loop3A_589 = arith.constant 0 : i32
        %parallel_loop3A_590 = arith.constant 0 : i32
        %parallel_loop3A_591 = tpu.memref_slice %arg10[%parallel_loop3A_192, %parallel_loop3A_589, %parallel_loop3A_590] : memref<2x128x128xf32, #tpu.memory_space<vmem>> -> memref<1x128x128xf32, #tpu.memory_space<vmem>>
        %parallel_loop3A_592 = tpu.memref_squeeze %parallel_loop3A_591 : memref<1x128x128xf32, #tpu.memory_space<vmem>> -> memref<128x128xf32, #tpu.memory_space<vmem>>
        %parallel_loop3A_593 = arith.index_cast %parallel_loop3A_451 : i32 to index
        %parallel_loop3A_594 = arith.constant 16 : index
        %parallel_loop3A_595 = tpu.vector_load %parallel_loop3A_592[%parallel_loop3A_593, %parallel_loop3A_594] {strides = array<i32>} : memref<128x128xf32, #tpu.memory_space<vmem>>, vector<16xf32>,
        tpu.vector_store %parallel_loop3A_592[%parallel_loop3A_593, %parallel_loop3A_594], %parallel_loop3A_588 {strides = array<i32>} : memref<128x128xf32, #tpu.memory_space<vmem>>, vector<16xf32>,
        %parallel_loop3A_596 = arith.subf %parallel_loop3A_472, %parallel_loop3A_537 : vector<16xf32>
        %parallel_loop3A_597 = arith.mulf %parallel_loop3A_573, %get3A_7 : vector<16xf32>
        %parallel_loop3A_598 = arith.mulf %parallel_loop3A_596, %parallel_loop3A_597 : vector<16xf32>
        %parallel_loop3A_599 = arith.addf %parallel_loop3A_598, %get3A_23 : vector<16xf32>
        %parallel_loop3A_600 = arith.constant 0 : i32
        %parallel_loop3A_601 = arith.constant 0 : i32
        %parallel_loop3A_602 = tpu.memref_slice %arg10[%parallel_loop3A_192, %parallel_loop3A_600, %parallel_loop3A_601] : memref<2x128x128xf32, #tpu.memory_space<vmem>> -> memref<1x128x128xf32, #tpu.memory_space<vmem>>
        %parallel_loop3A_603 = tpu.memref_squeeze %parallel_loop3A_602 : memref<1x128x128xf32, #tpu.memory_space<vmem>> -> memref<128x128xf32, #tpu.memory_space<vmem>>
        %parallel_loop3A_604 = arith.index_cast %parallel_loop3A_451 : i32 to index
        %parallel_loop3A_605 = arith.constant 32 : index
        %parallel_loop3A_606 = tpu.vector_load %parallel_loop3A_603[%parallel_loop3A_604, %parallel_loop3A_605] {strides = array<i32>} : memref<128x128xf32, #tpu.memory_space<vmem>>, vector<16xf32>,
        tpu.vector_store %parallel_loop3A_603[%parallel_loop3A_604, %parallel_loop3A_605], %parallel_loop3A_599 {strides = array<i32>} : memref<128x128xf32, #tpu.memory_space<vmem>>, vector<16xf32>,
        %parallel_loop3A_607 = arith.subf %parallel_loop3A_479, %parallel_loop3A_537 : vector<16xf32>
        %parallel_loop3A_608 = arith.mulf %parallel_loop3A_573, %get3A_9 : vector<16xf32>
        %parallel_loop3A_609 = arith.mulf %parallel_loop3A_607, %parallel_loop3A_608 : vector<16xf32>
        %parallel_loop3A_610 = arith.addf %parallel_loop3A_609, %get3A_25 : vector<16xf32>
        %parallel_loop3A_611 = arith.constant 0 : i32
        %parallel_loop3A_612 = arith.constant 0 : i32
        %parallel_loop3A_613 = tpu.memref_slice %arg10[%parallel_loop3A_192, %parallel_loop3A_611, %parallel_loop3A_612] : memref<2x128x128xf32, #tpu.memory_space<vmem>> -> memref<1x128x128xf32, #tpu.memory_space<vmem>>
        %parallel_loop3A_614 = tpu.memref_squeeze %parallel_loop3A_613 : memref<1x128x128xf32, #tpu.memory_space<vmem>> -> memref<128x128xf32, #tpu.memory_space<vmem>>
        %parallel_loop3A_615 = arith.index_cast %parallel_loop3A_451 : i32 to index
        %parallel_loop3A_616 = arith.constant 48 : index
        %parallel_loop3A_617 = tpu.vector_load %parallel_loop3A_614[%parallel_loop3A_615, %parallel_loop3A_616] {strides = array<i32>} : memref<128x128xf32, #tpu.memory_space<vmem>>, vector<16xf32>,
        tpu.vector_store %parallel_loop3A_614[%parallel_loop3A_615, %parallel_loop3A_616], %parallel_loop3A_610 {strides = array<i32>} : memref<128x128xf32, #tpu.memory_space<vmem>>, vector<16xf32>,
        %parallel_loop3A_618 = arith.subf %parallel_loop3A_486, %parallel_loop3A_537 : vector<16xf32>
        %parallel_loop3A_619 = arith.mulf %parallel_loop3A_573, %get3A_11 : vector<16xf32>
        %parallel_loop3A_620 = arith.mulf %parallel_loop3A_618, %parallel_loop3A_619 : vector<16xf32>
        %parallel_loop3A_621 = arith.addf %parallel_loop3A_620, %get3A_27 : vector<16xf32>
        %parallel_loop3A_622 = arith.constant 0 : i32
        %parallel_loop3A_623 = arith.constant 0 : i32
        %parallel_loop3A_624 = tpu.memref_slice %arg10[%parallel_loop3A_192, %parallel_loop3A_622, %parallel_loop3A_623] : memref<2x128x128xf32, #tpu.memory_space<vmem>> -> memref<1x128x128xf32, #tpu.memory_space<vmem>>
        %parallel_loop3A_625 = tpu.memref_squeeze %parallel_loop3A_624 : memref<1x128x128xf32, #tpu.memory_space<vmem>> -> memref<128x128xf32, #tpu.memory_space<vmem>>
        %parallel_loop3A_626 = arith.index_cast %parallel_loop3A_451 : i32 to index
        %parallel_loop3A_627 = arith.constant 64 : index
        %parallel_loop3A_628 = tpu.vector_load %parallel_loop3A_625[%parallel_loop3A_626, %parallel_loop3A_627] {strides = array<i32>} : memref<128x128xf32, #tpu.memory_space<vmem>>, vector<16xf32>,
        tpu.vector_store %parallel_loop3A_625[%parallel_loop3A_626, %parallel_loop3A_627], %parallel_loop3A_621 {strides = array<i32>} : memref<128x128xf32, #tpu.memory_space<vmem>>, vector<16xf32>,
        %parallel_loop3A_629 = arith.subf %parallel_loop3A_493, %parallel_loop3A_537 : vector<16xf32>
        %parallel_loop3A_630 = arith.mulf %parallel_loop3A_573, %get3A_13 : vector<16xf32>
        %parallel_loop3A_631 = arith.mulf %parallel_loop3A_629, %parallel_loop3A_630 : vector<16xf32>
        %parallel_loop3A_632 = arith.addf %parallel_loop3A_631, %get3A_29 : vector<16xf32>
        %parallel_loop3A_633 = arith.constant 0 : i32
        %parallel_loop3A_634 = arith.constant 0 : i32
        %parallel_loop3A_635 = tpu.memref_slice %arg10[%parallel_loop3A_192, %parallel_loop3A_633, %parallel_loop3A_634] : memref<2x128x128xf32, #tpu.memory_space<vmem>> -> memref<1x128x128xf32, #tpu.memory_space<vmem>>
        %parallel_loop3A_636 = tpu.memref_squeeze %parallel_loop3A_635 : memref<1x128x128xf32, #tpu.memory_space<vmem>> -> memref<128x128xf32, #tpu.memory_space<vmem>>
        %parallel_loop3A_637 = arith.index_cast %parallel_loop3A_451 : i32 to index
        %parallel_loop3A_638 = arith.constant 80 : index
        %parallel_loop3A_639 = tpu.vector_load %parallel_loop3A_636[%parallel_loop3A_637, %parallel_loop3A_638] {strides = array<i32>} : memref<128x128xf32, #tpu.memory_space<vmem>>, vector<16xf32>,
        tpu.vector_store %parallel_loop3A_636[%parallel_loop3A_637, %parallel_loop3A_638], %parallel_loop3A_632 {strides = array<i32>} : memref<128x128xf32, #tpu.memory_space<vmem>>, vector<16xf32>,
        %parallel_loop3A_640 = arith.subf %parallel_loop3A_500, %parallel_loop3A_537 : vector<16xf32>
        %parallel_loop3A_641 = arith.mulf %parallel_loop3A_573, %get3A_15 : vector<16xf32>
        %parallel_loop3A_642 = arith.mulf %parallel_loop3A_640, %parallel_loop3A_641 : vector<16xf32>
        %parallel_loop3A_643 = arith.addf %parallel_loop3A_642, %get3A_31 : vector<16xf32>
        %parallel_loop3A_644 = arith.constant 0 : i32
        %parallel_loop3A_645 = arith.constant 0 : i32
        %parallel_loop3A_646 = tpu.memref_slice %arg10[%parallel_loop3A_192, %parallel_loop3A_644, %parallel_loop3A_645] : memref<2x128x128xf32, #tpu.memory_space<vmem>> -> memref<1x128x128xf32, #tpu.memory_space<vmem>>
        %parallel_loop3A_647 = tpu.memref_squeeze %parallel_loop3A_646 : memref<1x128x128xf32, #tpu.memory_space<vmem>> -> memref<128x128xf32, #tpu.memory_space<vmem>>
        %parallel_loop3A_648 = arith.index_cast %parallel_loop3A_451 : i32 to index
        %parallel_loop3A_649 = arith.constant 96 : index
        %parallel_loop3A_650 = tpu.vector_load %parallel_loop3A_647[%parallel_loop3A_648, %parallel_loop3A_649] {strides = array<i32>} : memref<128x128xf32, #tpu.memory_space<vmem>>, vector<16xf32>,
        tpu.vector_store %parallel_loop3A_647[%parallel_loop3A_648, %parallel_loop3A_649], %parallel_loop3A_643 {strides = array<i32>} : memref<128x128xf32, #tpu.memory_space<vmem>>, vector<16xf32>,
        %parallel_loop3A_651 = arith.subf %parallel_loop3A_507, %parallel_loop3A_537 : vector<16xf32>
        %parallel_loop3A_652 = arith.mulf %parallel_loop3A_573, %get3A_17 : vector<16xf32>
        %parallel_loop3A_653 = arith.mulf %parallel_loop3A_651, %parallel_loop3A_652 : vector<16xf32>
        %parallel_loop3A_654 = arith.addf %parallel_loop3A_653, %get3A_33 : vector<16xf32>
        %parallel_loop3A_655 = arith.constant 0 : i32
        %parallel_loop3A_656 = arith.constant 0 : i32
        %parallel_loop3A_657 = tpu.memref_slice %arg10[%parallel_loop3A_192, %parallel_loop3A_655, %parallel_loop3A_656] : memref<2x128x128xf32, #tpu.memory_space<vmem>> -> memref<1x128x128xf32, #tpu.memory_space<vmem>>
        %parallel_loop3A_658 = tpu.memref_squeeze %parallel_loop3A_657 : memref<1x128x128xf32, #tpu.memory_space<vmem>> -> memref<128x128xf32, #tpu.memory_space<vmem>>
        %parallel_loop3A_659 = arith.index_cast %parallel_loop3A_451 : i32 to index
        %parallel_loop3A_660 = arith.constant 112 : index
        %parallel_loop3A_661 = tpu.vector_load %parallel_loop3A_658[%parallel_loop3A_659, %parallel_loop3A_660] {strides = array<i32>} : memref<128x128xf32, #tpu.memory_space<vmem>>, vector<16xf32>,
        tpu.vector_store %parallel_loop3A_658[%parallel_loop3A_659, %parallel_loop3A_660], %parallel_loop3A_654 {strides = array<i32>} : memref<128x128xf32, #tpu.memory_space<vmem>>, vector<16xf32>,
      } {sc.loop_unroll_factor = 1 : i64, sc.parallel_access}
      %mul3A_193 = arith.constant 128 : i32
      %mul3A_194 = arith.muli %add3A_126, %mul3A_193 : i32
      %add3A_195 = arith.addi %mul3A_2, %mul3A_194 : i32
      %dma_start3A_196 = arith.constant 0 : i32
      %dma_start3A_197 = arith.constant 0 : i32
      %dma_start3A_198 = arith.constant 0 : i32
      %dma_start3A_199 = tpu.memref_slice %arg10[%dma_start3A_196, %dma_start3A_197, %dma_start3A_198] : memref<2x128x128xf32, #tpu.memory_space<vmem>> -> memref<1x128x128xf32, #tpu.memory_space<vmem>>
      %dma_start3A_200 = tpu.memref_squeeze %dma_start3A_199 : memref<1x128x128xf32, #tpu.memory_space<vmem>> -> memref<128x128xf32, #tpu.memory_space<vmem>>
      %dma_start3A_201 = arith.constant 0 : i32
      %dma_start3A_202 = tpu.memref_slice %arg7[%add3A_195, %dma_start3A_201] : memref<819200x128xf32, #tpu.memory_space<hbm>> -> memref<128x128xf32, #tpu.memory_space<hbm>>
      %dma_start3A_203 = arith.constant 0 : i32
      %dma_start3A_204 = tpu.memref_slice %arg7[%add3A_195, %dma_start3A_203] : memref<819200x128xf32, #tpu.memory_space<hbm>> -> memref<128x128xf32, #tpu.memory_space<hbm>>
      %dma_start3A_205 = arith.constant 0 : i32
      %dma_start3A_206 = arith.constant 0 : i32
      %dma_start3A_207 = tpu.memref_slice %arg10[%dma_start3A_196, %dma_start3A_205, %dma_start3A_206] : memref<2x128x128xf32, #tpu.memory_space<vmem>> -> memref<1x128x128xf32, #tpu.memory_space<vmem>>
      %dma_start3A_208 = tpu.memref_squeeze %dma_start3A_207 : memref<1x128x128xf32, #tpu.memory_space<vmem>> -> memref<128x128xf32, #tpu.memory_space<vmem>>
      tpu.enqueue_dma source(%dma_start3A_208 : memref<128x128xf32, #tpu.memory_space<vmem>>) target(%dma_start3A_204 : memref<128x128xf32, #tpu.memory_space<hbm>>) target_semaphore(%arg21 : memref<!tpu.dma_semaphore, #tpu.memory_space<semaphore_mem>>)
      %mul3A_209 = arith.constant 4 : i32
      %mul3A_210 = arith.muli %mul3A_209, %scan3A_122 : i32
      %add3A_211 = arith.constant 1 : i32
      %add3A_212 = arith.addi %mul3A_210, %add3A_211 : i32
      %add3A_213 = arith.constant 1 : i32
      %add3A_214 = arith.addi %add3A_212, %add3A_213 : i32
      %mul3A_215 = arith.constant 128 : i32
      %mul3A_216 = arith.muli %add3A_214, %mul3A_215 : i32
      %add3A_217 = arith.addi %mul3A_2, %mul3A_216 : i32
      %dma_wait3A_218 = arith.constant 2 : i32
      %dma_wait3A_219 = arith.constant 0 : i32
      %dma_wait3A_220 = arith.constant 0 : i32
      %dma_wait3A_221 = tpu.memref_slice %arg9[%dma_wait3A_218, %dma_wait3A_219, %dma_wait3A_220] : memref<4x128x128xf32, #tpu.memory_space<vmem>> -> memref<1x128x128xf32, #tpu.memory_space<vmem>>
      %dma_wait3A_222 = tpu.memref_squeeze %dma_wait3A_221 : memref<1x128x128xf32, #tpu.memory_space<vmem>> -> memref<128x128xf32, #tpu.memory_space<vmem>>
      %dma_wait3A_223 = arith.constant 0 : i32
      %dma_wait3A_224 = tpu.memref_slice %arg2[%add3A_217, %dma_wait3A_223] : memref<819200x128xf32, #tpu.memory_space<hbm>> -> memref<128x128xf32, #tpu.memory_space<hbm>>
      %dma_wait3A_225 = arith.constant 0 : i32
      %dma_wait3A_226 = arith.constant 0 : i32
      %dma_wait3A_227 = tpu.memref_slice %arg9[%dma_wait3A_218, %dma_wait3A_225, %dma_wait3A_226] : memref<4x128x128xf32, #tpu.memory_space<vmem>> -> memref<1x128x128xf32, #tpu.memory_space<vmem>>
      %dma_wait3A_228 = tpu.memref_squeeze %dma_wait3A_227 : memref<1x128x128xf32, #tpu.memory_space<vmem>> -> memref<128x128xf32, #tpu.memory_space<vmem>>
      %dma_wait3A_229 = arith.constant 0 : i32
      %dma_wait3A_230 = tpu.memref_slice %arg2[%add3A_217, %dma_wait3A_229] : memref<819200x128xf32, #tpu.memory_space<hbm>> -> memref<128x128xf32, #tpu.memory_space<hbm>>
      tpu.wait_dma2 semaphore(%arg15 : memref<!tpu.dma_semaphore, #tpu.memory_space<semaphore_mem>>) src(%dma_wait3A_230 : memref<128x128xf32, #tpu.memory_space<hbm>>) dst(%dma_wait3A_228 : memref<128x128xf32, #tpu.memory_space<vmem>>)
      %add3A_231 = arith.constant 1 : i32
      %add3A_232 = arith.addi %add3A_212, %add3A_231 : i32
      %mul3A_233 = arith.constant 128 : i32
      %mul3A_234 = arith.muli %add3A_232, %mul3A_233 : i32
      %dma_start3A_235 = arith.constant 2 : i32
      %dma_start3A_236 = arith.constant 0 : i32
      %dma_start3A_237 = arith.constant 0 : i32
      %dma_start3A_238 = tpu.memref_slice %arg9[%dma_start3A_235, %dma_start3A_236, %dma_start3A_237] : memref<4x128x128xf32, #tpu.memory_space<vmem>> -> memref<1x128x128xf32, #tpu.memory_space<vmem>>
      %dma_start3A_239 = tpu.memref_squeeze %dma_start3A_238 : memref<1x128x128xf32, #tpu.memory_space<vmem>> -> memref<128x128xf32, #tpu.memory_space<vmem>>
      %dma_start3A_240 = tpu.memref_slice %arg8[%mul3A_234] : memref<25600xi32, #tpu.memory_space<vmem>> -> memref<128xi32, #tpu.memory_space<vmem>>
      %dma_start3A_241 = arith.constant 0 : i32
      %dma_start3A_242 = arith.constant 0 : i32
      %dma_start3A_243 = tpu.memref_slice %arg4[%dma_start3A_241, %dma_start3A_242] : memref<1000x128xf32, #tpu.memory_space<hbm>> -> memref<1000x128xf32, #tpu.memory_space<hbm>>
      tpu.enqueue_indirect_dma source(%dma_start3A_243 : memref<1000x128xf32, #tpu.memory_space<hbm>>) target(%dma_start3A_239 : memref<128x128xf32, #tpu.memory_space<vmem>>) offsets(%dma_start3A_240 : memref<128xi32, #tpu.memory_space<vmem>>) semaphore(%arg19 : memref<!tpu.dma_semaphore, #tpu.memory_space<semaphore_mem>>) {add = true}
      %add3A_244 = arith.constant 2 : i32
      %add3A_245 = arith.addi %add3A_212, %add3A_244 : i32
      %mul3A_246 = arith.constant 128 : i32
      %mul3A_247 = arith.muli %add3A_245, %mul3A_246 : i32
      %add3A_248 = arith.addi %mul3A_2, %mul3A_247 : i32
      %dma_start3A_249 = arith.constant 3 : i32
      %dma_start3A_250 = arith.constant 0 : i32
      %dma_start3A_251 = arith.constant 0 : i32
      %dma_start3A_252 = tpu.memref_slice %arg9[%dma_start3A_249, %dma_start3A_250, %dma_start3A_251] : memref<4x128x128xf32, #tpu.memory_space<vmem>> -> memref<1x128x128xf32, #tpu.memory_space<vmem>>
      %dma_start3A_253 = tpu.memref_squeeze %dma_start3A_252 : memref<1x128x128xf32, #tpu.memory_space<vmem>> -> memref<128x128xf32, #tpu.memory_space<vmem>>
      %dma_start3A_254 = arith.constant 0 : i32
      %dma_start3A_255 = tpu.memref_slice %arg2[%add3A_248, %dma_start3A_254] : memref<819200x128xf32, #tpu.memory_space<hbm>> -> memref<128x128xf32, #tpu.memory_space<hbm>>
      %dma_start3A_256 = arith.constant 0 : i32
      %dma_start3A_257 = arith.constant 0 : i32
      %dma_start3A_258 = tpu.memref_slice %arg9[%dma_start3A_249, %dma_start3A_256, %dma_start3A_257] : memref<4x128x128xf32, #tpu.memory_space<vmem>> -> memref<1x128x128xf32, #tpu.memory_space<vmem>>
      %dma_start3A_259 = tpu.memref_squeeze %dma_start3A_258 : memref<1x128x128xf32, #tpu.memory_space<vmem>> -> memref<128x128xf32, #tpu.memory_space<vmem>>
      %dma_start3A_260 = arith.constant 0 : i32
      %dma_start3A_261 = tpu.memref_slice %arg2[%add3A_248, %dma_start3A_260] : memref<819200x128xf32, #tpu.memory_space<hbm>> -> memref<128x128xf32, #tpu.memory_space<hbm>>
      tpu.enqueue_dma source(%dma_start3A_261 : memref<128x128xf32, #tpu.memory_space<hbm>>) target(%dma_start3A_259 : memref<128x128xf32, #tpu.memory_space<vmem>>) target_semaphore(%arg16 : memref<!tpu.dma_semaphore, #tpu.memory_space<semaphore_mem>>)
      %ge3A_262 = arith.constant 1 : i32
      %ge3A_263 = arith.cmpi sge, %scan3A_122, %ge3A_262 : i32
      %convert_element_type3A_264 = arith.extui %ge3A_263 : i1 to i32
      %cond3A_265 = arith.constant 0 : i32
      %cond3A_266 = arith.cmpi ne, %convert_element_type3A_264, %cond3A_265 : i32
      scf.if %cond3A_266 {
        %sub3A_451 = arith.constant 2 : i32
        %sub3A_452 = arith.subi %add3A_212, %sub3A_451 : i32
        %mul3A_453 = arith.constant 128 : i32
        %mul3A_454 = arith.muli %sub3A_452, %mul3A_453 : i32
        %add3A_455 = arith.addi %mul3A_2, %mul3A_454 : i32
        %dma_wait3A_456 = arith.constant 1 : i32
        %dma_wait3A_457 = arith.constant 0 : i32
        %dma_wait3A_458 = arith.constant 0 : i32
        %dma_wait3A_459 = tpu.memref_slice %arg10[%dma_wait3A_456, %dma_wait3A_457, %dma_wait3A_458] : memref<2x128x128xf32, #tpu.memory_space<vmem>> -> memref<1x128x128xf32, #tpu.memory_space<vmem>>
        %dma_wait3A_460 = tpu.memref_squeeze %dma_wait3A_459 : memref<1x128x128xf32, #tpu.memory_space<vmem>> -> memref<128x128xf32, #tpu.memory_space<vmem>>
        %dma_wait3A_461 = arith.constant 0 : i32
        %dma_wait3A_462 = tpu.memref_slice %arg7[%add3A_455, %dma_wait3A_461] : memref<819200x128xf32, #tpu.memory_space<hbm>> -> memref<128x128xf32, #tpu.memory_space<hbm>>
        %dma_wait3A_463 = arith.constant 0 : i32
        %dma_wait3A_464 = tpu.memref_slice %arg7[%add3A_455, %dma_wait3A_463] : memref<819200x128xf32, #tpu.memory_space<hbm>> -> memref<128x128xf32, #tpu.memory_space<hbm>>
        %dma_wait3A_465 = arith.constant 0 : i32
        %dma_wait3A_466 = arith.constant 0 : i32
        %dma_wait3A_467 = tpu.memref_slice %arg10[%dma_wait3A_456, %dma_wait3A_465, %dma_wait3A_466] : memref<2x128x128xf32, #tpu.memory_space<vmem>> -> memref<1x128x128xf32, #tpu.memory_space<vmem>>
        %dma_wait3A_468 = tpu.memref_squeeze %dma_wait3A_467 : memref<1x128x128xf32, #tpu.memory_space<vmem>> -> memref<128x128xf32, #tpu.memory_space<vmem>>
        tpu.wait_dma2 semaphore(%arg22 : memref<!tpu.dma_semaphore, #tpu.memory_space<semaphore_mem>>) src(%dma_wait3A_468 : memref<128x128xf32, #tpu.memory_space<vmem>>) dst(%dma_wait3A_464 : memref<128x128xf32, #tpu.memory_space<hbm>>)
      } else {
      }
      %mul3A_267 = arith.constant 128 : i32
      %mul3A_268 = arith.muli %add3A_212, %mul3A_267 : i32
      %dma_wait3A_269 = arith.constant 1 : i32
      %dma_wait3A_270 = arith.constant 0 : i32
      %dma_wait3A_271 = arith.constant 0 : i32
      %dma_wait3A_272 = tpu.memref_slice %arg9[%dma_wait3A_269, %dma_wait3A_270, %dma_wait3A_271] : memref<4x128x128xf32, #tpu.memory_space<vmem>> -> memref<1x128x128xf32, #tpu.memory_space<vmem>>
      %dma_wait3A_273 = tpu.memref_squeeze %dma_wait3A_272 : memref<1x128x128xf32, #tpu.memory_space<vmem>> -> memref<128x128xf32, #tpu.memory_space<vmem>>
      %dma_wait3A_274 = tpu.memref_slice %arg8[%mul3A_268] : memref<25600xi32, #tpu.memory_space<vmem>> -> memref<128xi32, #tpu.memory_space<vmem>>
      %dma_wait3A_275 = arith.constant 0 : i32
      %dma_wait3A_276 = arith.constant 0 : i32
      %dma_wait3A_277 = tpu.memref_slice %arg4[%dma_wait3A_275, %dma_wait3A_276] : memref<1000x128xf32, #tpu.memory_space<hbm>> -> memref<1000x128xf32, #tpu.memory_space<hbm>>
      tpu.wait_indirect_dma semaphore(%arg18 : memref<!tpu.dma_semaphore, #tpu.memory_space<semaphore_mem>>) src(%dma_wait3A_277 : memref<1000x128xf32, #tpu.memory_space<hbm>>) dst(%dma_wait3A_273 : memref<128x128xf32, #tpu.memory_space<vmem>>)
      %parallel_loop3A_278 = arith.constant 0 : i32
      %parallel_loop3A_279 = arith.constant 128 : i32
      %parallel_loop3A_280 = arith.constant 1 : i32
      %parallel_loop3A_281 = arith.constant 1 : i32
      %parallel_loop3A_282 = arith.constant 1 : i32
      scf.for %parallel_loop3A_451 = %parallel_loop3A_278 to %parallel_loop3A_279 step %parallel_loop3A_280  : i32 {
        %parallel_loop3A_452 = arith.constant 0 : i32
        %parallel_loop3A_453 = arith.constant 0 : i32
        %parallel_loop3A_454 = tpu.memref_slice %arg9[%parallel_loop3A_281, %parallel_loop3A_452, %parallel_loop3A_453] : memref<4x128x128xf32, #tpu.memory_space<vmem>> -> memref<1x128x128xf32, #tpu.memory_space<vmem>>
        %parallel_loop3A_455 = tpu.memref_squeeze %parallel_loop3A_454 : memref<1x128x128xf32, #tpu.memory_space<vmem>> -> memref<128x128xf32, #tpu.memory_space<vmem>>
        %parallel_loop3A_456 = arith.index_cast %parallel_loop3A_451 : i32 to index
        %parallel_loop3A_457 = arith.constant 0 : index
        %parallel_loop3A_458 = tpu.vector_load %parallel_loop3A_455[%parallel_loop3A_456, %parallel_loop3A_457] {strides = array<i32>} : memref<128x128xf32, #tpu.memory_space<vmem>>, vector<16xf32>,
        %parallel_loop3A_459 = arith.constant 0 : i32
        %parallel_loop3A_460 = arith.constant 0 : i32
        %parallel_loop3A_461 = tpu.memref_slice %arg9[%parallel_loop3A_281, %parallel_loop3A_459, %parallel_loop3A_460] : memref<4x128x128xf32, #tpu.memory_space<vmem>> -> memref<1x128x128xf32, #tpu.memory_space<vmem>>
        %parallel_loop3A_462 = tpu.memref_squeeze %parallel_loop3A_461 : memref<1x128x128xf32, #tpu.memory_space<vmem>> -> memref<128x128xf32, #tpu.memory_space<vmem>>
        %parallel_loop3A_463 = arith.index_cast %parallel_loop3A_451 : i32 to index
        %parallel_loop3A_464 = arith.constant 16 : index
        %parallel_loop3A_465 = tpu.vector_load %parallel_loop3A_462[%parallel_loop3A_463, %parallel_loop3A_464] {strides = array<i32>} : memref<128x128xf32, #tpu.memory_space<vmem>>, vector<16xf32>,
        %parallel_loop3A_466 = arith.constant 0 : i32
        %parallel_loop3A_467 = arith.constant 0 : i32
        %parallel_loop3A_468 = tpu.memref_slice %arg9[%parallel_loop3A_281, %parallel_loop3A_466, %parallel_loop3A_467] : memref<4x128x128xf32, #tpu.memory_space<vmem>> -> memref<1x128x128xf32, #tpu.memory_space<vmem>>
        %parallel_loop3A_469 = tpu.memref_squeeze %parallel_loop3A_468 : memref<1x128x128xf32, #tpu.memory_space<vmem>> -> memref<128x128xf32, #tpu.memory_space<vmem>>
        %parallel_loop3A_470 = arith.index_cast %parallel_loop3A_451 : i32 to index
        %parallel_loop3A_471 = arith.constant 32 : index
        %parallel_loop3A_472 = tpu.vector_load %parallel_loop3A_469[%parallel_loop3A_470, %parallel_loop3A_471] {strides = array<i32>} : memref<128x128xf32, #tpu.memory_space<vmem>>, vector<16xf32>,
        %parallel_loop3A_473 = arith.constant 0 : i32
        %parallel_loop3A_474 = arith.constant 0 : i32
        %parallel_loop3A_475 = tpu.memref_slice %arg9[%parallel_loop3A_281, %parallel_loop3A_473, %parallel_loop3A_474] : memref<4x128x128xf32, #tpu.memory_space<vmem>> -> memref<1x128x128xf32, #tpu.memory_space<vmem>>
        %parallel_loop3A_476 = tpu.memref_squeeze %parallel_loop3A_475 : memref<1x128x128xf32, #tpu.memory_space<vmem>> -> memref<128x128xf32, #tpu.memory_space<vmem>>
        %parallel_loop3A_477 = arith.index_cast %parallel_loop3A_451 : i32 to index
        %parallel_loop3A_478 = arith.constant 48 : index
        %parallel_loop3A_479 = tpu.vector_load %parallel_loop3A_476[%parallel_loop3A_477, %parallel_loop3A_478] {strides = array<i32>} : memref<128x128xf32, #tpu.memory_space<vmem>>, vector<16xf32>,
        %parallel_loop3A_480 = arith.constant 0 : i32
        %parallel_loop3A_481 = arith.constant 0 : i32
        %parallel_loop3A_482 = tpu.memref_slice %arg9[%parallel_loop3A_281, %parallel_loop3A_480, %parallel_loop3A_481] : memref<4x128x128xf32, #tpu.memory_space<vmem>> -> memref<1x128x128xf32, #tpu.memory_space<vmem>>
        %parallel_loop3A_483 = tpu.memref_squeeze %parallel_loop3A_482 : memref<1x128x128xf32, #tpu.memory_space<vmem>> -> memref<128x128xf32, #tpu.memory_space<vmem>>
        %parallel_loop3A_484 = arith.index_cast %parallel_loop3A_451 : i32 to index
        %parallel_loop3A_485 = arith.constant 64 : index
        %parallel_loop3A_486 = tpu.vector_load %parallel_loop3A_483[%parallel_loop3A_484, %parallel_loop3A_485] {strides = array<i32>} : memref<128x128xf32, #tpu.memory_space<vmem>>, vector<16xf32>,
        %parallel_loop3A_487 = arith.constant 0 : i32
        %parallel_loop3A_488 = arith.constant 0 : i32
        %parallel_loop3A_489 = tpu.memref_slice %arg9[%parallel_loop3A_281, %parallel_loop3A_487, %parallel_loop3A_488] : memref<4x128x128xf32, #tpu.memory_space<vmem>> -> memref<1x128x128xf32, #tpu.memory_space<vmem>>
        %parallel_loop3A_490 = tpu.memref_squeeze %parallel_loop3A_489 : memref<1x128x128xf32, #tpu.memory_space<vmem>> -> memref<128x128xf32, #tpu.memory_space<vmem>>
        %parallel_loop3A_491 = arith.index_cast %parallel_loop3A_451 : i32 to index
        %parallel_loop3A_492 = arith.constant 80 : index
        %parallel_loop3A_493 = tpu.vector_load %parallel_loop3A_490[%parallel_loop3A_491, %parallel_loop3A_492] {strides = array<i32>} : memref<128x128xf32, #tpu.memory_space<vmem>>, vector<16xf32>,
        %parallel_loop3A_494 = arith.constant 0 : i32
        %parallel_loop3A_495 = arith.constant 0 : i32
        %parallel_loop3A_496 = tpu.memref_slice %arg9[%parallel_loop3A_281, %parallel_loop3A_494, %parallel_loop3A_495] : memref<4x128x128xf32, #tpu.memory_space<vmem>> -> memref<1x128x128xf32, #tpu.memory_space<vmem>>
        %parallel_loop3A_497 = tpu.memref_squeeze %parallel_loop3A_496 : memref<1x128x128xf32, #tpu.memory_space<vmem>> -> memref<128x128xf32, #tpu.memory_space<vmem>>
        %parallel_loop3A_498 = arith.index_cast %parallel_loop3A_451 : i32 to index
        %parallel_loop3A_499 = arith.constant 96 : index
        %parallel_loop3A_500 = tpu.vector_load %parallel_loop3A_497[%parallel_loop3A_498, %parallel_loop3A_499] {strides = array<i32>} : memref<128x128xf32, #tpu.memory_space<vmem>>, vector<16xf32>,
        %parallel_loop3A_501 = arith.constant 0 : i32
        %parallel_loop3A_502 = arith.constant 0 : i32
        %parallel_loop3A_503 = tpu.memref_slice %arg9[%parallel_loop3A_281, %parallel_loop3A_501, %parallel_loop3A_502] : memref<4x128x128xf32, #tpu.memory_space<vmem>> -> memref<1x128x128xf32, #tpu.memory_space<vmem>>
        %parallel_loop3A_504 = tpu.memref_squeeze %parallel_loop3A_503 : memref<1x128x128xf32, #tpu.memory_space<vmem>> -> memref<128x128xf32, #tpu.memory_space<vmem>>
        %parallel_loop3A_505 = arith.index_cast %parallel_loop3A_451 : i32 to index
        %parallel_loop3A_506 = arith.constant 112 : index
        %parallel_loop3A_507 = tpu.vector_load %parallel_loop3A_504[%parallel_loop3A_505, %parallel_loop3A_506] {strides = array<i32>} : memref<128x128xf32, #tpu.memory_space<vmem>>, vector<16xf32>,
        %parallel_loop3A_508 = arith.addf %parallel_loop3A_458, %parallel_loop3A_465 : vector<16xf32>
        %parallel_loop3A_509 = arith.addf %parallel_loop3A_472, %parallel_loop3A_479 : vector<16xf32>
        %parallel_loop3A_510 = arith.addf %parallel_loop3A_508, %parallel_loop3A_509 : vector<16xf32>
        %parallel_loop3A_511 = arith.addf %parallel_loop3A_486, %parallel_loop3A_493 : vector<16xf32>
        %parallel_loop3A_512 = arith.addf %parallel_loop3A_500, %parallel_loop3A_507 : vector<16xf32>
        %parallel_loop3A_513 = arith.addf %parallel_loop3A_511, %parallel_loop3A_512 : vector<16xf32>
        %parallel_loop3A_514 = arith.addf %parallel_loop3A_510, %parallel_loop3A_513 : vector<16xf32>
        %parallel_loop3A_515 = arith.mulf %parallel_loop3A_458, %parallel_loop3A_458 : vector<16xf32>
        %parallel_loop3A_516 = arith.mulf %parallel_loop3A_465, %parallel_loop3A_465 : vector<16xf32>
        %parallel_loop3A_517 = arith.addf %parallel_loop3A_515, %parallel_loop3A_516 : vector<16xf32>
        %parallel_loop3A_518 = arith.mulf %parallel_loop3A_472, %parallel_loop3A_472 : vector<16xf32>
        %parallel_loop3A_519 = arith.mulf %parallel_loop3A_479, %parallel_loop3A_479 : vector<16xf32>
        %parallel_loop3A_520 = arith.addf %parallel_loop3A_518, %parallel_loop3A_519 : vector<16xf32>
        %parallel_loop3A_521 = arith.addf %parallel_loop3A_517, %parallel_loop3A_520 : vector<16xf32>
        %parallel_loop3A_522 = arith.mulf %parallel_loop3A_486, %parallel_loop3A_486 : vector<16xf32>
        %parallel_loop3A_523 = arith.mulf %parallel_loop3A_493, %parallel_loop3A_493 : vector<16xf32>
        %parallel_loop3A_524 = arith.addf %parallel_loop3A_522, %parallel_loop3A_523 : vector<16xf32>
        %parallel_loop3A_525 = arith.mulf %parallel_loop3A_500, %parallel_loop3A_500 : vector<16xf32>
        %parallel_loop3A_526 = arith.mulf %parallel_loop3A_507, %parallel_loop3A_507 : vector<16xf32>
        %parallel_loop3A_527 = arith.addf %parallel_loop3A_525, %parallel_loop3A_526 : vector<16xf32>
        %parallel_loop3A_528 = arith.addf %parallel_loop3A_524, %parallel_loop3A_527 : vector<16xf32>
        %parallel_loop3A_529 = arith.addf %parallel_loop3A_521, %parallel_loop3A_528 : vector<16xf32>
        %parallel_loop3A_530 = arith.constant true
        %parallel_loop3A_531 = vector.broadcast %parallel_loop3A_530 : i1 to vector<16xi1>
        %parallel_loop3A_532 = tpu.scan <sum>, %parallel_loop3A_514 masked %parallel_loop3A_531 : vector<16xf32>, vector<16xi1> -> vector<16xf32>
        %parallel_loop3A_533 = vector.extract %parallel_loop3A_532[15] : f32 from vector<16xf32>
        %parallel_loop3A_534 = vector.broadcast %parallel_loop3A_533 : f32 to vector<16xf32>
        %parallel_loop3A_535 = arith.constant 7.812500e-03 : f32
        %parallel_loop3A_536 = vector.broadcast %parallel_loop3A_535 : f32 to vector<16xf32>
        %parallel_loop3A_537 = arith.mulf %parallel_loop3A_534, %parallel_loop3A_536 : vector<16xf32>
        %parallel_loop3A_538 = arith.constant true
        %parallel_loop3A_539 = vector.broadcast %parallel_loop3A_538 : i1 to vector<16xi1>
        %parallel_loop3A_540 = tpu.scan <sum>, %parallel_loop3A_529 masked %parallel_loop3A_539 : vector<16xf32>, vector<16xi1> -> vector<16xf32>
        %parallel_loop3A_541 = vector.extract %parallel_loop3A_540[15] : f32 from vector<16xf32>
        %parallel_loop3A_542 = vector.broadcast %parallel_loop3A_541 : f32 to vector<16xf32>
        %parallel_loop3A_543 = arith.constant 7.812500e-03 : f32
        %parallel_loop3A_544 = vector.broadcast %parallel_loop3A_543 : f32 to vector<16xf32>
        %parallel_loop3A_545 = arith.mulf %parallel_loop3A_542, %parallel_loop3A_544 : vector<16xf32>
        %parallel_loop3A_546 = arith.mulf %parallel_loop3A_537, %parallel_loop3A_537 : vector<16xf32>
        %parallel_loop3A_547 = arith.subf %parallel_loop3A_545, %parallel_loop3A_546 : vector<16xf32>
        %parallel_loop3A_548 = arith.constant 9.99999974E-6 : f32
        %parallel_loop3A_549 = vector.broadcast %parallel_loop3A_548 : f32 to vector<16xf32>
        %parallel_loop3A_550 = arith.addf %parallel_loop3A_547, %parallel_loop3A_549 : vector<16xf32>
        %parallel_loop3A_551 = vector.bitcast %parallel_loop3A_550 : vector<16xf32> to vector<16xi32>
        %parallel_loop3A_552 = arith.constant 1 : i32
        %parallel_loop3A_553 = vector.broadcast %parallel_loop3A_552 : i32 to vector<16xi32>
        %parallel_loop3A_554 = arith.shrsi %parallel_loop3A_551, %parallel_loop3A_553 : vector<16xi32>
        %parallel_loop3A_555 = arith.constant 1597463007 : i32
        %parallel_loop3A_556 = vector.broadcast %parallel_loop3A_555 : i32 to vector<16xi32>
        %parallel_loop3A_557 = arith.subi %parallel_loop3A_556, %parallel_loop3A_554 : vector<16xi32>
        %parallel_loop3A_558 = vector.bitcast %parallel_loop3A_557 : vector<16xi32> to vector<16xf32>
        %parallel_loop3A_559 = arith.constant 5.000000e-01 : f32
        %parallel_loop3A_560 = vector.broadcast %parallel_loop3A_559 : f32 to vector<16xf32>
        %parallel_loop3A_561 = arith.mulf %parallel_loop3A_550, %parallel_loop3A_560 : vector<16xf32>
        %parallel_loop3A_562 = arith.mulf %parallel_loop3A_561, %parallel_loop3A_558 : vector<16xf32>
        %parallel_loop3A_563 = arith.mulf %parallel_loop3A_562, %parallel_loop3A_558 : vector<16xf32>
        %parallel_loop3A_564 = arith.constant 1.500000e+00 : f32
        %parallel_loop3A_565 = vector.broadcast %parallel_loop3A_564 : f32 to vector<16xf32>
        %parallel_loop3A_566 = arith.subf %parallel_loop3A_565, %parallel_loop3A_563 : vector<16xf32>
        %parallel_loop3A_567 = arith.mulf %parallel_loop3A_558, %parallel_loop3A_566 : vector<16xf32>
        %parallel_loop3A_568 = arith.mulf %parallel_loop3A_561, %parallel_loop3A_567 : vector<16xf32>
        %parallel_loop3A_569 = arith.mulf %parallel_loop3A_568, %parallel_loop3A_567 : vector<16xf32>
        %parallel_loop3A_570 = arith.constant 1.500000e+00 : f32
        %parallel_loop3A_571 = vector.broadcast %parallel_loop3A_570 : f32 to vector<16xf32>
        %parallel_loop3A_572 = arith.subf %parallel_loop3A_571, %parallel_loop3A_569 : vector<16xf32>
        %parallel_loop3A_573 = arith.mulf %parallel_loop3A_567, %parallel_loop3A_572 : vector<16xf32>
        %parallel_loop3A_574 = arith.subf %parallel_loop3A_458, %parallel_loop3A_537 : vector<16xf32>
        %parallel_loop3A_575 = arith.mulf %parallel_loop3A_573, %get3A_3 : vector<16xf32>
        %parallel_loop3A_576 = arith.mulf %parallel_loop3A_574, %parallel_loop3A_575 : vector<16xf32>
        %parallel_loop3A_577 = arith.addf %parallel_loop3A_576, %get3A_19 : vector<16xf32>
        %parallel_loop3A_578 = arith.constant 0 : i32
        %parallel_loop3A_579 = arith.constant 0 : i32
        %parallel_loop3A_580 = tpu.memref_slice %arg10[%parallel_loop3A_282, %parallel_loop3A_578, %parallel_loop3A_579] : memref<2x128x128xf32, #tpu.memory_space<vmem>> -> memref<1x128x128xf32, #tpu.memory_space<vmem>>
        %parallel_loop3A_581 = tpu.memref_squeeze %parallel_loop3A_580 : memref<1x128x128xf32, #tpu.memory_space<vmem>> -> memref<128x128xf32, #tpu.memory_space<vmem>>
        %parallel_loop3A_582 = arith.index_cast %parallel_loop3A_451 : i32 to index
        %parallel_loop3A_583 = arith.constant 0 : index
        %parallel_loop3A_584 = tpu.vector_load %parallel_loop3A_581[%parallel_loop3A_582, %parallel_loop3A_583] {strides = array<i32>} : memref<128x128xf32, #tpu.memory_space<vmem>>, vector<16xf32>,
        tpu.vector_store %parallel_loop3A_581[%parallel_loop3A_582, %parallel_loop3A_583], %parallel_loop3A_577 {strides = array<i32>} : memref<128x128xf32, #tpu.memory_space<vmem>>, vector<16xf32>,
        %parallel_loop3A_585 = arith.subf %parallel_loop3A_465, %parallel_loop3A_537 : vector<16xf32>
        %parallel_loop3A_586 = arith.mulf %parallel_loop3A_573, %get3A_5 : vector<16xf32>
        %parallel_loop3A_587 = arith.mulf %parallel_loop3A_585, %parallel_loop3A_586 : vector<16xf32>
        %parallel_loop3A_588 = arith.addf %parallel_loop3A_587, %get3A_21 : vector<16xf32>
        %parallel_loop3A_589 = arith.constant 0 : i32
        %parallel_loop3A_590 = arith.constant 0 : i32
        %parallel_loop3A_591 = tpu.memref_slice %arg10[%parallel_loop3A_282, %parallel_loop3A_589, %parallel_loop3A_590] : memref<2x128x128xf32, #tpu.memory_space<vmem>> -> memref<1x128x128xf32, #tpu.memory_space<vmem>>
        %parallel_loop3A_592 = tpu.memref_squeeze %parallel_loop3A_591 : memref<1x128x128xf32, #tpu.memory_space<vmem>> -> memref<128x128xf32, #tpu.memory_space<vmem>>
        %parallel_loop3A_593 = arith.index_cast %parallel_loop3A_451 : i32 to index
        %parallel_loop3A_594 = arith.constant 16 : index
        %parallel_loop3A_595 = tpu.vector_load %parallel_loop3A_592[%parallel_loop3A_593, %parallel_loop3A_594] {strides = array<i32>} : memref<128x128xf32, #tpu.memory_space<vmem>>, vector<16xf32>,
        tpu.vector_store %parallel_loop3A_592[%parallel_loop3A_593, %parallel_loop3A_594], %parallel_loop3A_588 {strides = array<i32>} : memref<128x128xf32, #tpu.memory_space<vmem>>, vector<16xf32>,
        %parallel_loop3A_596 = arith.subf %parallel_loop3A_472, %parallel_loop3A_537 : vector<16xf32>
        %parallel_loop3A_597 = arith.mulf %parallel_loop3A_573, %get3A_7 : vector<16xf32>
        %parallel_loop3A_598 = arith.mulf %parallel_loop3A_596, %parallel_loop3A_597 : vector<16xf32>
        %parallel_loop3A_599 = arith.addf %parallel_loop3A_598, %get3A_23 : vector<16xf32>
        %parallel_loop3A_600 = arith.constant 0 : i32
        %parallel_loop3A_601 = arith.constant 0 : i32
        %parallel_loop3A_602 = tpu.memref_slice %arg10[%parallel_loop3A_282, %parallel_loop3A_600, %parallel_loop3A_601] : memref<2x128x128xf32, #tpu.memory_space<vmem>> -> memref<1x128x128xf32, #tpu.memory_space<vmem>>
        %parallel_loop3A_603 = tpu.memref_squeeze %parallel_loop3A_602 : memref<1x128x128xf32, #tpu.memory_space<vmem>> -> memref<128x128xf32, #tpu.memory_space<vmem>>
        %parallel_loop3A_604 = arith.index_cast %parallel_loop3A_451 : i32 to index
        %parallel_loop3A_605 = arith.constant 32 : index
        %parallel_loop3A_606 = tpu.vector_load %parallel_loop3A_603[%parallel_loop3A_604, %parallel_loop3A_605] {strides = array<i32>} : memref<128x128xf32, #tpu.memory_space<vmem>>, vector<16xf32>,
        tpu.vector_store %parallel_loop3A_603[%parallel_loop3A_604, %parallel_loop3A_605], %parallel_loop3A_599 {strides = array<i32>} : memref<128x128xf32, #tpu.memory_space<vmem>>, vector<16xf32>,
        %parallel_loop3A_607 = arith.subf %parallel_loop3A_479, %parallel_loop3A_537 : vector<16xf32>
        %parallel_loop3A_608 = arith.mulf %parallel_loop3A_573, %get3A_9 : vector<16xf32>
        %parallel_loop3A_609 = arith.mulf %parallel_loop3A_607, %parallel_loop3A_608 : vector<16xf32>
        %parallel_loop3A_610 = arith.addf %parallel_loop3A_609, %get3A_25 : vector<16xf32>
        %parallel_loop3A_611 = arith.constant 0 : i32
        %parallel_loop3A_612 = arith.constant 0 : i32
        %parallel_loop3A_613 = tpu.memref_slice %arg10[%parallel_loop3A_282, %parallel_loop3A_611, %parallel_loop3A_612] : memref<2x128x128xf32, #tpu.memory_space<vmem>> -> memref<1x128x128xf32, #tpu.memory_space<vmem>>
        %parallel_loop3A_614 = tpu.memref_squeeze %parallel_loop3A_613 : memref<1x128x128xf32, #tpu.memory_space<vmem>> -> memref<128x128xf32, #tpu.memory_space<vmem>>
        %parallel_loop3A_615 = arith.index_cast %parallel_loop3A_451 : i32 to index
        %parallel_loop3A_616 = arith.constant 48 : index
        %parallel_loop3A_617 = tpu.vector_load %parallel_loop3A_614[%parallel_loop3A_615, %parallel_loop3A_616] {strides = array<i32>} : memref<128x128xf32, #tpu.memory_space<vmem>>, vector<16xf32>,
        tpu.vector_store %parallel_loop3A_614[%parallel_loop3A_615, %parallel_loop3A_616], %parallel_loop3A_610 {strides = array<i32>} : memref<128x128xf32, #tpu.memory_space<vmem>>, vector<16xf32>,
        %parallel_loop3A_618 = arith.subf %parallel_loop3A_486, %parallel_loop3A_537 : vector<16xf32>
        %parallel_loop3A_619 = arith.mulf %parallel_loop3A_573, %get3A_11 : vector<16xf32>
        %parallel_loop3A_620 = arith.mulf %parallel_loop3A_618, %parallel_loop3A_619 : vector<16xf32>
        %parallel_loop3A_621 = arith.addf %parallel_loop3A_620, %get3A_27 : vector<16xf32>
        %parallel_loop3A_622 = arith.constant 0 : i32
        %parallel_loop3A_623 = arith.constant 0 : i32
        %parallel_loop3A_624 = tpu.memref_slice %arg10[%parallel_loop3A_282, %parallel_loop3A_622, %parallel_loop3A_623] : memref<2x128x128xf32, #tpu.memory_space<vmem>> -> memref<1x128x128xf32, #tpu.memory_space<vmem>>
        %parallel_loop3A_625 = tpu.memref_squeeze %parallel_loop3A_624 : memref<1x128x128xf32, #tpu.memory_space<vmem>> -> memref<128x128xf32, #tpu.memory_space<vmem>>
        %parallel_loop3A_626 = arith.index_cast %parallel_loop3A_451 : i32 to index
        %parallel_loop3A_627 = arith.constant 64 : index
        %parallel_loop3A_628 = tpu.vector_load %parallel_loop3A_625[%parallel_loop3A_626, %parallel_loop3A_627] {strides = array<i32>} : memref<128x128xf32, #tpu.memory_space<vmem>>, vector<16xf32>,
        tpu.vector_store %parallel_loop3A_625[%parallel_loop3A_626, %parallel_loop3A_627], %parallel_loop3A_621 {strides = array<i32>} : memref<128x128xf32, #tpu.memory_space<vmem>>, vector<16xf32>,
        %parallel_loop3A_629 = arith.subf %parallel_loop3A_493, %parallel_loop3A_537 : vector<16xf32>
        %parallel_loop3A_630 = arith.mulf %parallel_loop3A_573, %get3A_13 : vector<16xf32>
        %parallel_loop3A_631 = arith.mulf %parallel_loop3A_629, %parallel_loop3A_630 : vector<16xf32>
        %parallel_loop3A_632 = arith.addf %parallel_loop3A_631, %get3A_29 : vector<16xf32>
        %parallel_loop3A_633 = arith.constant 0 : i32
        %parallel_loop3A_634 = arith.constant 0 : i32
        %parallel_loop3A_635 = tpu.memref_slice %arg10[%parallel_loop3A_282, %parallel_loop3A_633, %parallel_loop3A_634] : memref<2x128x128xf32, #tpu.memory_space<vmem>> -> memref<1x128x128xf32, #tpu.memory_space<vmem>>
        %parallel_loop3A_636 = tpu.memref_squeeze %parallel_loop3A_635 : memref<1x128x128xf32, #tpu.memory_space<vmem>> -> memref<128x128xf32, #tpu.memory_space<vmem>>
        %parallel_loop3A_637 = arith.index_cast %parallel_loop3A_451 : i32 to index
        %parallel_loop3A_638 = arith.constant 80 : index
        %parallel_loop3A_639 = tpu.vector_load %parallel_loop3A_636[%parallel_loop3A_637, %parallel_loop3A_638] {strides = array<i32>} : memref<128x128xf32, #tpu.memory_space<vmem>>, vector<16xf32>,
        tpu.vector_store %parallel_loop3A_636[%parallel_loop3A_637, %parallel_loop3A_638], %parallel_loop3A_632 {strides = array<i32>} : memref<128x128xf32, #tpu.memory_space<vmem>>, vector<16xf32>,
        %parallel_loop3A_640 = arith.subf %parallel_loop3A_500, %parallel_loop3A_537 : vector<16xf32>
        %parallel_loop3A_641 = arith.mulf %parallel_loop3A_573, %get3A_15 : vector<16xf32>
        %parallel_loop3A_642 = arith.mulf %parallel_loop3A_640, %parallel_loop3A_641 : vector<16xf32>
        %parallel_loop3A_643 = arith.addf %parallel_loop3A_642, %get3A_31 : vector<16xf32>
        %parallel_loop3A_644 = arith.constant 0 : i32
        %parallel_loop3A_645 = arith.constant 0 : i32
        %parallel_loop3A_646 = tpu.memref_slice %arg10[%parallel_loop3A_282, %parallel_loop3A_644, %parallel_loop3A_645] : memref<2x128x128xf32, #tpu.memory_space<vmem>> -> memref<1x128x128xf32, #tpu.memory_space<vmem>>
        %parallel_loop3A_647 = tpu.memref_squeeze %parallel_loop3A_646 : memref<1x128x128xf32, #tpu.memory_space<vmem>> -> memref<128x128xf32, #tpu.memory_space<vmem>>
        %parallel_loop3A_648 = arith.index_cast %parallel_loop3A_451 : i32 to index
        %parallel_loop3A_649 = arith.constant 96 : index
        %parallel_loop3A_650 = tpu.vector_load %parallel_loop3A_647[%parallel_loop3A_648, %parallel_loop3A_649] {strides = array<i32>} : memref<128x128xf32, #tpu.memory_space<vmem>>, vector<16xf32>,
        tpu.vector_store %parallel_loop3A_647[%parallel_loop3A_648, %parallel_loop3A_649], %parallel_loop3A_643 {strides = array<i32>} : memref<128x128xf32, #tpu.memory_space<vmem>>, vector<16xf32>,
        %parallel_loop3A_651 = arith.subf %parallel_loop3A_507, %parallel_loop3A_537 : vector<16xf32>
        %parallel_loop3A_652 = arith.mulf %parallel_loop3A_573, %get3A_17 : vector<16xf32>
        %parallel_loop3A_653 = arith.mulf %parallel_loop3A_651, %parallel_loop3A_652 : vector<16xf32>
        %parallel_loop3A_654 = arith.addf %parallel_loop3A_653, %get3A_33 : vector<16xf32>
        %parallel_loop3A_655 = arith.constant 0 : i32
        %parallel_loop3A_656 = arith.constant 0 : i32
        %parallel_loop3A_657 = tpu.memref_slice %arg10[%parallel_loop3A_282, %parallel_loop3A_655, %parallel_loop3A_656] : memref<2x128x128xf32, #tpu.memory_space<vmem>> -> memref<1x128x128xf32, #tpu.memory_space<vmem>>
        %parallel_loop3A_658 = tpu.memref_squeeze %parallel_loop3A_657 : memref<1x128x128xf32, #tpu.memory_space<vmem>> -> memref<128x128xf32, #tpu.memory_space<vmem>>
        %parallel_loop3A_659 = arith.index_cast %parallel_loop3A_451 : i32 to index
        %parallel_loop3A_660 = arith.constant 112 : index
        %parallel_loop3A_661 = tpu.vector_load %parallel_loop3A_658[%parallel_loop3A_659, %parallel_loop3A_660] {strides = array<i32>} : memref<128x128xf32, #tpu.memory_space<vmem>>, vector<16xf32>,
        tpu.vector_store %parallel_loop3A_658[%parallel_loop3A_659, %parallel_loop3A_660], %parallel_loop3A_654 {strides = array<i32>} : memref<128x128xf32, #tpu.memory_space<vmem>>, vector<16xf32>,
      } {sc.loop_unroll_factor = 1 : i64, sc.parallel_access}
      %mul3A_283 = arith.constant 128 : i32
      %mul3A_284 = arith.muli %add3A_212, %mul3A_283 : i32
      %add3A_285 = arith.addi %mul3A_2, %mul3A_284 : i32
      %dma_start3A_286 = arith.constant 1 : i32
      %dma_start3A_287 = arith.constant 0 : i32
      %dma_start3A_288 = arith.constant 0 : i32
      %dma_start3A_289 = tpu.memref_slice %arg10[%dma_start3A_286, %dma_start3A_287, %dma_start3A_288] : memref<2x128x128xf32, #tpu.memory_space<vmem>> -> memref<1x128x128xf32, #tpu.memory_space<vmem>>
      %dma_start3A_290 = tpu.memref_squeeze %dma_start3A_289 : memref<1x128x128xf32, #tpu.memory_space<vmem>> -> memref<128x128xf32, #tpu.memory_space<vmem>>
      %dma_start3A_291 = arith.constant 0 : i32
      %dma_start3A_292 = tpu.memref_slice %arg7[%add3A_285, %dma_start3A_291] : memref<819200x128xf32, #tpu.memory_space<hbm>> -> memref<128x128xf32, #tpu.memory_space<hbm>>
      %dma_start3A_293 = arith.constant 0 : i32
      %dma_start3A_294 = tpu.memref_slice %arg7[%add3A_285, %dma_start3A_293] : memref<819200x128xf32, #tpu.memory_space<hbm>> -> memref<128x128xf32, #tpu.memory_space<hbm>>
      %dma_start3A_295 = arith.constant 0 : i32
      %dma_start3A_296 = arith.constant 0 : i32
      %dma_start3A_297 = tpu.memref_slice %arg10[%dma_start3A_286, %dma_start3A_295, %dma_start3A_296] : memref<2x128x128xf32, #tpu.memory_space<vmem>> -> memref<1x128x128xf32, #tpu.memory_space<vmem>>
      %dma_start3A_298 = tpu.memref_squeeze %dma_start3A_297 : memref<1x128x128xf32, #tpu.memory_space<vmem>> -> memref<128x128xf32, #tpu.memory_space<vmem>>
      tpu.enqueue_dma source(%dma_start3A_298 : memref<128x128xf32, #tpu.memory_space<vmem>>) target(%dma_start3A_294 : memref<128x128xf32, #tpu.memory_space<hbm>>) target_semaphore(%arg22 : memref<!tpu.dma_semaphore, #tpu.memory_space<semaphore_mem>>)
      %mul3A_299 = arith.constant 4 : i32
      %mul3A_300 = arith.muli %mul3A_299, %scan3A_122 : i32
      %add3A_301 = arith.constant 2 : i32
      %add3A_302 = arith.addi %mul3A_300, %add3A_301 : i32
      %add3A_303 = arith.constant 1 : i32
      %add3A_304 = arith.addi %add3A_302, %add3A_303 : i32
      %mul3A_305 = arith.constant 128 : i32
      %mul3A_306 = arith.muli %add3A_304, %mul3A_305 : i32
      %add3A_307 = arith.addi %mul3A_2, %mul3A_306 : i32
      %dma_wait3A_308 = arith.constant 3 : i32
      %dma_wait3A_309 = arith.constant 0 : i32
      %dma_wait3A_310 = arith.constant 0 : i32
      %dma_wait3A_311 = tpu.memref_slice %arg9[%dma_wait3A_308, %dma_wait3A_309, %dma_wait3A_310] : memref<4x128x128xf32, #tpu.memory_space<vmem>> -> memref<1x128x128xf32, #tpu.memory_space<vmem>>
      %dma_wait3A_312 = tpu.memref_squeeze %dma_wait3A_311 : memref<1x128x128xf32, #tpu.memory_space<vmem>> -> memref<128x128xf32, #tpu.memory_space<vmem>>
      %dma_wait3A_313 = arith.constant 0 : i32
      %dma_wait3A_314 = tpu.memref_slice %arg2[%add3A_307, %dma_wait3A_313] : memref<819200x128xf32, #tpu.memory_space<hbm>> -> memref<128x128xf32, #tpu.memory_space<hbm>>
      %dma_wait3A_315 = arith.constant 0 : i32
      %dma_wait3A_316 = arith.constant 0 : i32
      %dma_wait3A_317 = tpu.memref_slice %arg9[%dma_wait3A_308, %dma_wait3A_315, %dma_wait3A_316] : memref<4x128x128xf32, #tpu.memory_space<vmem>> -> memref<1x128x128xf32, #tpu.memory_space<vmem>>
      %dma_wait3A_318 = tpu.memref_squeeze %dma_wait3A_317 : memref<1x128x128xf32, #tpu.memory_space<vmem>> -> memref<128x128xf32, #tpu.memory_space<vmem>>
      %dma_wait3A_319 = arith.constant 0 : i32
      %dma_wait3A_320 = tpu.memref_slice %arg2[%add3A_307, %dma_wait3A_319] : memref<819200x128xf32, #tpu.memory_space<hbm>> -> memref<128x128xf32, #tpu.memory_space<hbm>>
      tpu.wait_dma2 semaphore(%arg16 : memref<!tpu.dma_semaphore, #tpu.memory_space<semaphore_mem>>) src(%dma_wait3A_320 : memref<128x128xf32, #tpu.memory_space<hbm>>) dst(%dma_wait3A_318 : memref<128x128xf32, #tpu.memory_space<vmem>>)
      %add3A_321 = arith.constant 1 : i32
      %add3A_322 = arith.addi %add3A_302, %add3A_321 : i32
      %mul3A_323 = arith.constant 128 : i32
      %mul3A_324 = arith.muli %add3A_322, %mul3A_323 : i32
      %dma_start3A_325 = arith.constant 3 : i32
      %dma_start3A_326 = arith.constant 0 : i32
      %dma_start3A_327 = arith.constant 0 : i32
      %dma_start3A_328 = tpu.memref_slice %arg9[%dma_start3A_325, %dma_start3A_326, %dma_start3A_327] : memref<4x128x128xf32, #tpu.memory_space<vmem>> -> memref<1x128x128xf32, #tpu.memory_space<vmem>>
      %dma_start3A_329 = tpu.memref_squeeze %dma_start3A_328 : memref<1x128x128xf32, #tpu.memory_space<vmem>> -> memref<128x128xf32, #tpu.memory_space<vmem>>
      %dma_start3A_330 = tpu.memref_slice %arg8[%mul3A_324] : memref<25600xi32, #tpu.memory_space<vmem>> -> memref<128xi32, #tpu.memory_space<vmem>>
      %dma_start3A_331 = arith.constant 0 : i32
      %dma_start3A_332 = arith.constant 0 : i32
      %dma_start3A_333 = tpu.memref_slice %arg4[%dma_start3A_331, %dma_start3A_332] : memref<1000x128xf32, #tpu.memory_space<hbm>> -> memref<1000x128xf32, #tpu.memory_space<hbm>>
      tpu.enqueue_indirect_dma source(%dma_start3A_333 : memref<1000x128xf32, #tpu.memory_space<hbm>>) target(%dma_start3A_329 : memref<128x128xf32, #tpu.memory_space<vmem>>) offsets(%dma_start3A_330 : memref<128xi32, #tpu.memory_space<vmem>>) semaphore(%arg20 : memref<!tpu.dma_semaphore, #tpu.memory_space<semaphore_mem>>) {add = true}
      %lt3A = arith.constant 49 : i32
      %lt3A_334 = arith.cmpi slt, %scan3A_122, %lt3A : i32
      %convert_element_type3A_335 = arith.extui %lt3A_334 : i1 to i32
      %cond3A_336 = arith.constant 0 : i32
      %cond3A_337 = arith.cmpi ne, %convert_element_type3A_335, %cond3A_336 : i32
      scf.if %cond3A_337 {
        %add3A_451 = arith.constant 2 : i32
        %add3A_452 = arith.addi %add3A_302, %add3A_451 : i32
        %mul3A_453 = arith.constant 128 : i32
        %mul3A_454 = arith.muli %add3A_452, %mul3A_453 : i32
        %add3A_455 = arith.addi %mul3A_2, %mul3A_454 : i32
        %dma_start3A_456 = arith.constant 0 : i32
        %dma_start3A_457 = arith.constant 0 : i32
        %dma_start3A_458 = arith.constant 0 : i32
        %dma_start3A_459 = tpu.memref_slice %arg9[%dma_start3A_456, %dma_start3A_457, %dma_start3A_458] : memref<4x128x128xf32, #tpu.memory_space<vmem>> -> memref<1x128x128xf32, #tpu.memory_space<vmem>>
        %dma_start3A_460 = tpu.memref_squeeze %dma_start3A_459 : memref<1x128x128xf32, #tpu.memory_space<vmem>> -> memref<128x128xf32, #tpu.memory_space<vmem>>
        %dma_start3A_461 = arith.constant 0 : i32
        %dma_start3A_462 = tpu.memref_slice %arg2[%add3A_455, %dma_start3A_461] : memref<819200x128xf32, #tpu.memory_space<hbm>> -> memref<128x128xf32, #tpu.memory_space<hbm>>
        %dma_start3A_463 = arith.constant 0 : i32
        %dma_start3A_464 = arith.constant 0 : i32
        %dma_start3A_465 = tpu.memref_slice %arg9[%dma_start3A_456, %dma_start3A_463, %dma_start3A_464] : memref<4x128x128xf32, #tpu.memory_space<vmem>> -> memref<1x128x128xf32, #tpu.memory_space<vmem>>
        %dma_start3A_466 = tpu.memref_squeeze %dma_start3A_465 : memref<1x128x128xf32, #tpu.memory_space<vmem>> -> memref<128x128xf32, #tpu.memory_space<vmem>>
        %dma_start3A_467 = arith.constant 0 : i32
        %dma_start3A_468 = tpu.memref_slice %arg2[%add3A_455, %dma_start3A_467] : memref<819200x128xf32, #tpu.memory_space<hbm>> -> memref<128x128xf32, #tpu.memory_space<hbm>>
        tpu.enqueue_dma source(%dma_start3A_468 : memref<128x128xf32, #tpu.memory_space<hbm>>) target(%dma_start3A_466 : memref<128x128xf32, #tpu.memory_space<vmem>>) target_semaphore(%arg13 : memref<!tpu.dma_semaphore, #tpu.memory_space<semaphore_mem>>)
      } else {
      }
      %sub3A = arith.constant 2 : i32
      %sub3A_338 = arith.subi %add3A_302, %sub3A : i32
      %mul3A_339 = arith.constant 128 : i32
      %mul3A_340 = arith.muli %sub3A_338, %mul3A_339 : i32
      %add3A_341 = arith.addi %mul3A_2, %mul3A_340 : i32
      %dma_wait3A_342 = arith.constant 0 : i32
      %dma_wait3A_343 = arith.constant 0 : i32
      %dma_wait3A_344 = arith.constant 0 : i32
      %dma_wait3A_345 = tpu.memref_slice %arg10[%dma_wait3A_342, %dma_wait3A_343, %dma_wait3A_344] : memref<2x128x128xf32, #tpu.memory_space<vmem>> -> memref<1x128x128xf32, #tpu.memory_space<vmem>>
      %dma_wait3A_346 = tpu.memref_squeeze %dma_wait3A_345 : memref<1x128x128xf32, #tpu.memory_space<vmem>> -> memref<128x128xf32, #tpu.memory_space<vmem>>
      %dma_wait3A_347 = arith.constant 0 : i32
      %dma_wait3A_348 = tpu.memref_slice %arg7[%add3A_341, %dma_wait3A_347] : memref<819200x128xf32, #tpu.memory_space<hbm>> -> memref<128x128xf32, #tpu.memory_space<hbm>>
      %dma_wait3A_349 = arith.constant 0 : i32
      %dma_wait3A_350 = tpu.memref_slice %arg7[%add3A_341, %dma_wait3A_349] : memref<819200x128xf32, #tpu.memory_space<hbm>> -> memref<128x128xf32, #tpu.memory_space<hbm>>
      %dma_wait3A_351 = arith.constant 0 : i32
      %dma_wait3A_352 = arith.constant 0 : i32
      %dma_wait3A_353 = tpu.memref_slice %arg10[%dma_wait3A_342, %dma_wait3A_351, %dma_wait3A_352] : memref<2x128x128xf32, #tpu.memory_space<vmem>> -> memref<1x128x128xf32, #tpu.memory_space<vmem>>
      %dma_wait3A_354 = tpu.memref_squeeze %dma_wait3A_353 : memref<1x128x128xf32, #tpu.memory_space<vmem>> -> memref<128x128xf32, #tpu.memory_space<vmem>>
      tpu.wait_dma2 semaphore(%arg21 : memref<!tpu.dma_semaphore, #tpu.memory_space<semaphore_mem>>) src(%dma_wait3A_354 : memref<128x128xf32, #tpu.memory_space<vmem>>) dst(%dma_wait3A_350 : memref<128x128xf32, #tpu.memory_space<hbm>>)
      %mul3A_355 = arith.constant 128 : i32
      %mul3A_356 = arith.muli %add3A_302, %mul3A_355 : i32
      %dma_wait3A_357 = arith.constant 2 : i32
      %dma_wait3A_358 = arith.constant 0 : i32
      %dma_wait3A_359 = arith.constant 0 : i32
      %dma_wait3A_360 = tpu.memref_slice %arg9[%dma_wait3A_357, %dma_wait3A_358, %dma_wait3A_359] : memref<4x128x128xf32, #tpu.memory_space<vmem>> -> memref<1x128x128xf32, #tpu.memory_space<vmem>>
      %dma_wait3A_361 = tpu.memref_squeeze %dma_wait3A_360 : memref<1x128x128xf32, #tpu.memory_space<vmem>> -> memref<128x128xf32, #tpu.memory_space<vmem>>
      %dma_wait3A_362 = tpu.memref_slice %arg8[%mul3A_356] : memref<25600xi32, #tpu.memory_space<vmem>> -> memref<128xi32, #tpu.memory_space<vmem>>
      %dma_wait3A_363 = arith.constant 0 : i32
      %dma_wait3A_364 = arith.constant 0 : i32
      %dma_wait3A_365 = tpu.memref_slice %arg4[%dma_wait3A_363, %dma_wait3A_364] : memref<1000x128xf32, #tpu.memory_space<hbm>> -> memref<1000x128xf32, #tpu.memory_space<hbm>>
      tpu.wait_indirect_dma semaphore(%arg19 : memref<!tpu.dma_semaphore, #tpu.memory_space<semaphore_mem>>) src(%dma_wait3A_365 : memref<1000x128xf32, #tpu.memory_space<hbm>>) dst(%dma_wait3A_361 : memref<128x128xf32, #tpu.memory_space<vmem>>)
      %parallel_loop3A_366 = arith.constant 0 : i32
      %parallel_loop3A_367 = arith.constant 128 : i32
      %parallel_loop3A_368 = arith.constant 1 : i32
      %parallel_loop3A_369 = arith.constant 2 : i32
      %parallel_loop3A_370 = arith.constant 0 : i32
      scf.for %parallel_loop3A_451 = %parallel_loop3A_366 to %parallel_loop3A_367 step %parallel_loop3A_368  : i32 {
        %parallel_loop3A_452 = arith.constant 0 : i32
        %parallel_loop3A_453 = arith.constant 0 : i32
        %parallel_loop3A_454 = tpu.memref_slice %arg9[%parallel_loop3A_369, %parallel_loop3A_452, %parallel_loop3A_453] : memref<4x128x128xf32, #tpu.memory_space<vmem>> -> memref<1x128x128xf32, #tpu.memory_space<vmem>>
        %parallel_loop3A_455 = tpu.memref_squeeze %parallel_loop3A_454 : memref<1x128x128xf32, #tpu.memory_space<vmem>> -> memref<128x128xf32, #tpu.memory_space<vmem>>
        %parallel_loop3A_456 = arith.index_cast %parallel_loop3A_451 : i32 to index
        %parallel_loop3A_457 = arith.constant 0 : index
        %parallel_loop3A_458 = tpu.vector_load %parallel_loop3A_455[%parallel_loop3A_456, %parallel_loop3A_457] {strides = array<i32>} : memref<128x128xf32, #tpu.memory_space<vmem>>, vector<16xf32>,
        %parallel_loop3A_459 = arith.constant 0 : i32
        %parallel_loop3A_460 = arith.constant 0 : i32
        %parallel_loop3A_461 = tpu.memref_slice %arg9[%parallel_loop3A_369, %parallel_loop3A_459, %parallel_loop3A_460] : memref<4x128x128xf32, #tpu.memory_space<vmem>> -> memref<1x128x128xf32, #tpu.memory_space<vmem>>
        %parallel_loop3A_462 = tpu.memref_squeeze %parallel_loop3A_461 : memref<1x128x128xf32, #tpu.memory_space<vmem>> -> memref<128x128xf32, #tpu.memory_space<vmem>>
        %parallel_loop3A_463 = arith.index_cast %parallel_loop3A_451 : i32 to index
        %parallel_loop3A_464 = arith.constant 16 : index
        %parallel_loop3A_465 = tpu.vector_load %parallel_loop3A_462[%parallel_loop3A_463, %parallel_loop3A_464] {strides = array<i32>} : memref<128x128xf32, #tpu.memory_space<vmem>>, vector<16xf32>,
        %parallel_loop3A_466 = arith.constant 0 : i32
        %parallel_loop3A_467 = arith.constant 0 : i32
        %parallel_loop3A_468 = tpu.memref_slice %arg9[%parallel_loop3A_369, %parallel_loop3A_466, %parallel_loop3A_467] : memref<4x128x128xf32, #tpu.memory_space<vmem>> -> memref<1x128x128xf32, #tpu.memory_space<vmem>>
        %parallel_loop3A_469 = tpu.memref_squeeze %parallel_loop3A_468 : memref<1x128x128xf32, #tpu.memory_space<vmem>> -> memref<128x128xf32, #tpu.memory_space<vmem>>
        %parallel_loop3A_470 = arith.index_cast %parallel_loop3A_451 : i32 to index
        %parallel_loop3A_471 = arith.constant 32 : index
        %parallel_loop3A_472 = tpu.vector_load %parallel_loop3A_469[%parallel_loop3A_470, %parallel_loop3A_471] {strides = array<i32>} : memref<128x128xf32, #tpu.memory_space<vmem>>, vector<16xf32>,
        %parallel_loop3A_473 = arith.constant 0 : i32
        %parallel_loop3A_474 = arith.constant 0 : i32
        %parallel_loop3A_475 = tpu.memref_slice %arg9[%parallel_loop3A_369, %parallel_loop3A_473, %parallel_loop3A_474] : memref<4x128x128xf32, #tpu.memory_space<vmem>> -> memref<1x128x128xf32, #tpu.memory_space<vmem>>
        %parallel_loop3A_476 = tpu.memref_squeeze %parallel_loop3A_475 : memref<1x128x128xf32, #tpu.memory_space<vmem>> -> memref<128x128xf32, #tpu.memory_space<vmem>>
        %parallel_loop3A_477 = arith.index_cast %parallel_loop3A_451 : i32 to index
        %parallel_loop3A_478 = arith.constant 48 : index
        %parallel_loop3A_479 = tpu.vector_load %parallel_loop3A_476[%parallel_loop3A_477, %parallel_loop3A_478] {strides = array<i32>} : memref<128x128xf32, #tpu.memory_space<vmem>>, vector<16xf32>,
        %parallel_loop3A_480 = arith.constant 0 : i32
        %parallel_loop3A_481 = arith.constant 0 : i32
        %parallel_loop3A_482 = tpu.memref_slice %arg9[%parallel_loop3A_369, %parallel_loop3A_480, %parallel_loop3A_481] : memref<4x128x128xf32, #tpu.memory_space<vmem>> -> memref<1x128x128xf32, #tpu.memory_space<vmem>>
        %parallel_loop3A_483 = tpu.memref_squeeze %parallel_loop3A_482 : memref<1x128x128xf32, #tpu.memory_space<vmem>> -> memref<128x128xf32, #tpu.memory_space<vmem>>
        %parallel_loop3A_484 = arith.index_cast %parallel_loop3A_451 : i32 to index
        %parallel_loop3A_485 = arith.constant 64 : index
        %parallel_loop3A_486 = tpu.vector_load %parallel_loop3A_483[%parallel_loop3A_484, %parallel_loop3A_485] {strides = array<i32>} : memref<128x128xf32, #tpu.memory_space<vmem>>, vector<16xf32>,
        %parallel_loop3A_487 = arith.constant 0 : i32
        %parallel_loop3A_488 = arith.constant 0 : i32
        %parallel_loop3A_489 = tpu.memref_slice %arg9[%parallel_loop3A_369, %parallel_loop3A_487, %parallel_loop3A_488] : memref<4x128x128xf32, #tpu.memory_space<vmem>> -> memref<1x128x128xf32, #tpu.memory_space<vmem>>
        %parallel_loop3A_490 = tpu.memref_squeeze %parallel_loop3A_489 : memref<1x128x128xf32, #tpu.memory_space<vmem>> -> memref<128x128xf32, #tpu.memory_space<vmem>>
        %parallel_loop3A_491 = arith.index_cast %parallel_loop3A_451 : i32 to index
        %parallel_loop3A_492 = arith.constant 80 : index
        %parallel_loop3A_493 = tpu.vector_load %parallel_loop3A_490[%parallel_loop3A_491, %parallel_loop3A_492] {strides = array<i32>} : memref<128x128xf32, #tpu.memory_space<vmem>>, vector<16xf32>,
        %parallel_loop3A_494 = arith.constant 0 : i32
        %parallel_loop3A_495 = arith.constant 0 : i32
        %parallel_loop3A_496 = tpu.memref_slice %arg9[%parallel_loop3A_369, %parallel_loop3A_494, %parallel_loop3A_495] : memref<4x128x128xf32, #tpu.memory_space<vmem>> -> memref<1x128x128xf32, #tpu.memory_space<vmem>>
        %parallel_loop3A_497 = tpu.memref_squeeze %parallel_loop3A_496 : memref<1x128x128xf32, #tpu.memory_space<vmem>> -> memref<128x128xf32, #tpu.memory_space<vmem>>
        %parallel_loop3A_498 = arith.index_cast %parallel_loop3A_451 : i32 to index
        %parallel_loop3A_499 = arith.constant 96 : index
        %parallel_loop3A_500 = tpu.vector_load %parallel_loop3A_497[%parallel_loop3A_498, %parallel_loop3A_499] {strides = array<i32>} : memref<128x128xf32, #tpu.memory_space<vmem>>, vector<16xf32>,
        %parallel_loop3A_501 = arith.constant 0 : i32
        %parallel_loop3A_502 = arith.constant 0 : i32
        %parallel_loop3A_503 = tpu.memref_slice %arg9[%parallel_loop3A_369, %parallel_loop3A_501, %parallel_loop3A_502] : memref<4x128x128xf32, #tpu.memory_space<vmem>> -> memref<1x128x128xf32, #tpu.memory_space<vmem>>
        %parallel_loop3A_504 = tpu.memref_squeeze %parallel_loop3A_503 : memref<1x128x128xf32, #tpu.memory_space<vmem>> -> memref<128x128xf32, #tpu.memory_space<vmem>>
        %parallel_loop3A_505 = arith.index_cast %parallel_loop3A_451 : i32 to index
        %parallel_loop3A_506 = arith.constant 112 : index
        %parallel_loop3A_507 = tpu.vector_load %parallel_loop3A_504[%parallel_loop3A_505, %parallel_loop3A_506] {strides = array<i32>} : memref<128x128xf32, #tpu.memory_space<vmem>>, vector<16xf32>,
        %parallel_loop3A_508 = arith.addf %parallel_loop3A_458, %parallel_loop3A_465 : vector<16xf32>
        %parallel_loop3A_509 = arith.addf %parallel_loop3A_472, %parallel_loop3A_479 : vector<16xf32>
        %parallel_loop3A_510 = arith.addf %parallel_loop3A_508, %parallel_loop3A_509 : vector<16xf32>
        %parallel_loop3A_511 = arith.addf %parallel_loop3A_486, %parallel_loop3A_493 : vector<16xf32>
        %parallel_loop3A_512 = arith.addf %parallel_loop3A_500, %parallel_loop3A_507 : vector<16xf32>
        %parallel_loop3A_513 = arith.addf %parallel_loop3A_511, %parallel_loop3A_512 : vector<16xf32>
        %parallel_loop3A_514 = arith.addf %parallel_loop3A_510, %parallel_loop3A_513 : vector<16xf32>
        %parallel_loop3A_515 = arith.mulf %parallel_loop3A_458, %parallel_loop3A_458 : vector<16xf32>
        %parallel_loop3A_516 = arith.mulf %parallel_loop3A_465, %parallel_loop3A_465 : vector<16xf32>
        %parallel_loop3A_517 = arith.addf %parallel_loop3A_515, %parallel_loop3A_516 : vector<16xf32>
        %parallel_loop3A_518 = arith.mulf %parallel_loop3A_472, %parallel_loop3A_472 : vector<16xf32>
        %parallel_loop3A_519 = arith.mulf %parallel_loop3A_479, %parallel_loop3A_479 : vector<16xf32>
        %parallel_loop3A_520 = arith.addf %parallel_loop3A_518, %parallel_loop3A_519 : vector<16xf32>
        %parallel_loop3A_521 = arith.addf %parallel_loop3A_517, %parallel_loop3A_520 : vector<16xf32>
        %parallel_loop3A_522 = arith.mulf %parallel_loop3A_486, %parallel_loop3A_486 : vector<16xf32>
        %parallel_loop3A_523 = arith.mulf %parallel_loop3A_493, %parallel_loop3A_493 : vector<16xf32>
        %parallel_loop3A_524 = arith.addf %parallel_loop3A_522, %parallel_loop3A_523 : vector<16xf32>
        %parallel_loop3A_525 = arith.mulf %parallel_loop3A_500, %parallel_loop3A_500 : vector<16xf32>
        %parallel_loop3A_526 = arith.mulf %parallel_loop3A_507, %parallel_loop3A_507 : vector<16xf32>
        %parallel_loop3A_527 = arith.addf %parallel_loop3A_525, %parallel_loop3A_526 : vector<16xf32>
        %parallel_loop3A_528 = arith.addf %parallel_loop3A_524, %parallel_loop3A_527 : vector<16xf32>
        %parallel_loop3A_529 = arith.addf %parallel_loop3A_521, %parallel_loop3A_528 : vector<16xf32>
        %parallel_loop3A_530 = arith.constant true
        %parallel_loop3A_531 = vector.broadcast %parallel_loop3A_530 : i1 to vector<16xi1>
        %parallel_loop3A_532 = tpu.scan <sum>, %parallel_loop3A_514 masked %parallel_loop3A_531 : vector<16xf32>, vector<16xi1> -> vector<16xf32>
        %parallel_loop3A_533 = vector.extract %parallel_loop3A_532[15] : f32 from vector<16xf32>
        %parallel_loop3A_534 = vector.broadcast %parallel_loop3A_533 : f32 to vector<16xf32>
        %parallel_loop3A_535 = arith.constant 7.812500e-03 : f32
        %parallel_loop3A_536 = vector.broadcast %parallel_loop3A_535 : f32 to vector<16xf32>
        %parallel_loop3A_537 = arith.mulf %parallel_loop3A_534, %parallel_loop3A_536 : vector<16xf32>
        %parallel_loop3A_538 = arith.constant true
        %parallel_loop3A_539 = vector.broadcast %parallel_loop3A_538 : i1 to vector<16xi1>
        %parallel_loop3A_540 = tpu.scan <sum>, %parallel_loop3A_529 masked %parallel_loop3A_539 : vector<16xf32>, vector<16xi1> -> vector<16xf32>
        %parallel_loop3A_541 = vector.extract %parallel_loop3A_540[15] : f32 from vector<16xf32>
        %parallel_loop3A_542 = vector.broadcast %parallel_loop3A_541 : f32 to vector<16xf32>
        %parallel_loop3A_543 = arith.constant 7.812500e-03 : f32
        %parallel_loop3A_544 = vector.broadcast %parallel_loop3A_543 : f32 to vector<16xf32>
        %parallel_loop3A_545 = arith.mulf %parallel_loop3A_542, %parallel_loop3A_544 : vector<16xf32>
        %parallel_loop3A_546 = arith.mulf %parallel_loop3A_537, %parallel_loop3A_537 : vector<16xf32>
        %parallel_loop3A_547 = arith.subf %parallel_loop3A_545, %parallel_loop3A_546 : vector<16xf32>
        %parallel_loop3A_548 = arith.constant 9.99999974E-6 : f32
        %parallel_loop3A_549 = vector.broadcast %parallel_loop3A_548 : f32 to vector<16xf32>
        %parallel_loop3A_550 = arith.addf %parallel_loop3A_547, %parallel_loop3A_549 : vector<16xf32>
        %parallel_loop3A_551 = vector.bitcast %parallel_loop3A_550 : vector<16xf32> to vector<16xi32>
        %parallel_loop3A_552 = arith.constant 1 : i32
        %parallel_loop3A_553 = vector.broadcast %parallel_loop3A_552 : i32 to vector<16xi32>
        %parallel_loop3A_554 = arith.shrsi %parallel_loop3A_551, %parallel_loop3A_553 : vector<16xi32>
        %parallel_loop3A_555 = arith.constant 1597463007 : i32
        %parallel_loop3A_556 = vector.broadcast %parallel_loop3A_555 : i32 to vector<16xi32>
        %parallel_loop3A_557 = arith.subi %parallel_loop3A_556, %parallel_loop3A_554 : vector<16xi32>
        %parallel_loop3A_558 = vector.bitcast %parallel_loop3A_557 : vector<16xi32> to vector<16xf32>
        %parallel_loop3A_559 = arith.constant 5.000000e-01 : f32
        %parallel_loop3A_560 = vector.broadcast %parallel_loop3A_559 : f32 to vector<16xf32>
        %parallel_loop3A_561 = arith.mulf %parallel_loop3A_550, %parallel_loop3A_560 : vector<16xf32>
        %parallel_loop3A_562 = arith.mulf %parallel_loop3A_561, %parallel_loop3A_558 : vector<16xf32>
        %parallel_loop3A_563 = arith.mulf %parallel_loop3A_562, %parallel_loop3A_558 : vector<16xf32>
        %parallel_loop3A_564 = arith.constant 1.500000e+00 : f32
        %parallel_loop3A_565 = vector.broadcast %parallel_loop3A_564 : f32 to vector<16xf32>
        %parallel_loop3A_566 = arith.subf %parallel_loop3A_565, %parallel_loop3A_563 : vector<16xf32>
        %parallel_loop3A_567 = arith.mulf %parallel_loop3A_558, %parallel_loop3A_566 : vector<16xf32>
        %parallel_loop3A_568 = arith.mulf %parallel_loop3A_561, %parallel_loop3A_567 : vector<16xf32>
        %parallel_loop3A_569 = arith.mulf %parallel_loop3A_568, %parallel_loop3A_567 : vector<16xf32>
        %parallel_loop3A_570 = arith.constant 1.500000e+00 : f32
        %parallel_loop3A_571 = vector.broadcast %parallel_loop3A_570 : f32 to vector<16xf32>
        %parallel_loop3A_572 = arith.subf %parallel_loop3A_571, %parallel_loop3A_569 : vector<16xf32>
        %parallel_loop3A_573 = arith.mulf %parallel_loop3A_567, %parallel_loop3A_572 : vector<16xf32>
        %parallel_loop3A_574 = arith.subf %parallel_loop3A_458, %parallel_loop3A_537 : vector<16xf32>
        %parallel_loop3A_575 = arith.mulf %parallel_loop3A_573, %get3A_3 : vector<16xf32>
        %parallel_loop3A_576 = arith.mulf %parallel_loop3A_574, %parallel_loop3A_575 : vector<16xf32>
        %parallel_loop3A_577 = arith.addf %parallel_loop3A_576, %get3A_19 : vector<16xf32>
        %parallel_loop3A_578 = arith.constant 0 : i32
        %parallel_loop3A_579 = arith.constant 0 : i32
        %parallel_loop3A_580 = tpu.memref_slice %arg10[%parallel_loop3A_370, %parallel_loop3A_578, %parallel_loop3A_579] : memref<2x128x128xf32, #tpu.memory_space<vmem>> -> memref<1x128x128xf32, #tpu.memory_space<vmem>>
        %parallel_loop3A_581 = tpu.memref_squeeze %parallel_loop3A_580 : memref<1x128x128xf32, #tpu.memory_space<vmem>> -> memref<128x128xf32, #tpu.memory_space<vmem>>
        %parallel_loop3A_582 = arith.index_cast %parallel_loop3A_451 : i32 to index
        %parallel_loop3A_583 = arith.constant 0 : index
        %parallel_loop3A_584 = tpu.vector_load %parallel_loop3A_581[%parallel_loop3A_582, %parallel_loop3A_583] {strides = array<i32>} : memref<128x128xf32, #tpu.memory_space<vmem>>, vector<16xf32>,
        tpu.vector_store %parallel_loop3A_581[%parallel_loop3A_582, %parallel_loop3A_583], %parallel_loop3A_577 {strides = array<i32>} : memref<128x128xf32, #tpu.memory_space<vmem>>, vector<16xf32>,
        %parallel_loop3A_585 = arith.subf %parallel_loop3A_465, %parallel_loop3A_537 : vector<16xf32>
        %parallel_loop3A_586 = arith.mulf %parallel_loop3A_573, %get3A_5 : vector<16xf32>
        %parallel_loop3A_587 = arith.mulf %parallel_loop3A_585, %parallel_loop3A_586 : vector<16xf32>
        %parallel_loop3A_588 = arith.addf %parallel_loop3A_587, %get3A_21 : vector<16xf32>
        %parallel_loop3A_589 = arith.constant 0 : i32
        %parallel_loop3A_590 = arith.constant 0 : i32
        %parallel_loop3A_591 = tpu.memref_slice %arg10[%parallel_loop3A_370, %parallel_loop3A_589, %parallel_loop3A_590] : memref<2x128x128xf32, #tpu.memory_space<vmem>> -> memref<1x128x128xf32, #tpu.memory_space<vmem>>
        %parallel_loop3A_592 = tpu.memref_squeeze %parallel_loop3A_591 : memref<1x128x128xf32, #tpu.memory_space<vmem>> -> memref<128x128xf32, #tpu.memory_space<vmem>>
        %parallel_loop3A_593 = arith.index_cast %parallel_loop3A_451 : i32 to index
        %parallel_loop3A_594 = arith.constant 16 : index
        %parallel_loop3A_595 = tpu.vector_load %parallel_loop3A_592[%parallel_loop3A_593, %parallel_loop3A_594] {strides = array<i32>} : memref<128x128xf32, #tpu.memory_space<vmem>>, vector<16xf32>,
        tpu.vector_store %parallel_loop3A_592[%parallel_loop3A_593, %parallel_loop3A_594], %parallel_loop3A_588 {strides = array<i32>} : memref<128x128xf32, #tpu.memory_space<vmem>>, vector<16xf32>,
        %parallel_loop3A_596 = arith.subf %parallel_loop3A_472, %parallel_loop3A_537 : vector<16xf32>
        %parallel_loop3A_597 = arith.mulf %parallel_loop3A_573, %get3A_7 : vector<16xf32>
        %parallel_loop3A_598 = arith.mulf %parallel_loop3A_596, %parallel_loop3A_597 : vector<16xf32>
        %parallel_loop3A_599 = arith.addf %parallel_loop3A_598, %get3A_23 : vector<16xf32>
        %parallel_loop3A_600 = arith.constant 0 : i32
        %parallel_loop3A_601 = arith.constant 0 : i32
        %parallel_loop3A_602 = tpu.memref_slice %arg10[%parallel_loop3A_370, %parallel_loop3A_600, %parallel_loop3A_601] : memref<2x128x128xf32, #tpu.memory_space<vmem>> -> memref<1x128x128xf32, #tpu.memory_space<vmem>>
        %parallel_loop3A_603 = tpu.memref_squeeze %parallel_loop3A_602 : memref<1x128x128xf32, #tpu.memory_space<vmem>> -> memref<128x128xf32, #tpu.memory_space<vmem>>
        %parallel_loop3A_604 = arith.index_cast %parallel_loop3A_451 : i32 to index
        %parallel_loop3A_605 = arith.constant 32 : index
        %parallel_loop3A_606 = tpu.vector_load %parallel_loop3A_603[%parallel_loop3A_604, %parallel_loop3A_605] {strides = array<i32>} : memref<128x128xf32, #tpu.memory_space<vmem>>, vector<16xf32>,
        tpu.vector_store %parallel_loop3A_603[%parallel_loop3A_604, %parallel_loop3A_605], %parallel_loop3A_599 {strides = array<i32>} : memref<128x128xf32, #tpu.memory_space<vmem>>, vector<16xf32>,
        %parallel_loop3A_607 = arith.subf %parallel_loop3A_479, %parallel_loop3A_537 : vector<16xf32>
        %parallel_loop3A_608 = arith.mulf %parallel_loop3A_573, %get3A_9 : vector<16xf32>
        %parallel_loop3A_609 = arith.mulf %parallel_loop3A_607, %parallel_loop3A_608 : vector<16xf32>
        %parallel_loop3A_610 = arith.addf %parallel_loop3A_609, %get3A_25 : vector<16xf32>
        %parallel_loop3A_611 = arith.constant 0 : i32
        %parallel_loop3A_612 = arith.constant 0 : i32
        %parallel_loop3A_613 = tpu.memref_slice %arg10[%parallel_loop3A_370, %parallel_loop3A_611, %parallel_loop3A_612] : memref<2x128x128xf32, #tpu.memory_space<vmem>> -> memref<1x128x128xf32, #tpu.memory_space<vmem>>
        %parallel_loop3A_614 = tpu.memref_squeeze %parallel_loop3A_613 : memref<1x128x128xf32, #tpu.memory_space<vmem>> -> memref<128x128xf32, #tpu.memory_space<vmem>>
        %parallel_loop3A_615 = arith.index_cast %parallel_loop3A_451 : i32 to index
        %parallel_loop3A_616 = arith.constant 48 : index
        %parallel_loop3A_617 = tpu.vector_load %parallel_loop3A_614[%parallel_loop3A_615, %parallel_loop3A_616] {strides = array<i32>} : memref<128x128xf32, #tpu.memory_space<vmem>>, vector<16xf32>,
        tpu.vector_store %parallel_loop3A_614[%parallel_loop3A_615, %parallel_loop3A_616], %parallel_loop3A_610 {strides = array<i32>} : memref<128x128xf32, #tpu.memory_space<vmem>>, vector<16xf32>,
        %parallel_loop3A_618 = arith.subf %parallel_loop3A_486, %parallel_loop3A_537 : vector<16xf32>
        %parallel_loop3A_619 = arith.mulf %parallel_loop3A_573, %get3A_11 : vector<16xf32>
        %parallel_loop3A_620 = arith.mulf %parallel_loop3A_618, %parallel_loop3A_619 : vector<16xf32>
        %parallel_loop3A_621 = arith.addf %parallel_loop3A_620, %get3A_27 : vector<16xf32>
        %parallel_loop3A_622 = arith.constant 0 : i32
        %parallel_loop3A_623 = arith.constant 0 : i32
        %parallel_loop3A_624 = tpu.memref_slice %arg10[%parallel_loop3A_370, %parallel_loop3A_622, %parallel_loop3A_623] : memref<2x128x128xf32, #tpu.memory_space<vmem>> -> memref<1x128x128xf32, #tpu.memory_space<vmem>>
        %parallel_loop3A_625 = tpu.memref_squeeze %parallel_loop3A_624 : memref<1x128x128xf32, #tpu.memory_space<vmem>> -> memref<128x128xf32, #tpu.memory_space<vmem>>
        %parallel_loop3A_626 = arith.index_cast %parallel_loop3A_451 : i32 to index
        %parallel_loop3A_627 = arith.constant 64 : index
        %parallel_loop3A_628 = tpu.vector_load %parallel_loop3A_625[%parallel_loop3A_626, %parallel_loop3A_627] {strides = array<i32>} : memref<128x128xf32, #tpu.memory_space<vmem>>, vector<16xf32>,
        tpu.vector_store %parallel_loop3A_625[%parallel_loop3A_626, %parallel_loop3A_627], %parallel_loop3A_621 {strides = array<i32>} : memref<128x128xf32, #tpu.memory_space<vmem>>, vector<16xf32>,
        %parallel_loop3A_629 = arith.subf %parallel_loop3A_493, %parallel_loop3A_537 : vector<16xf32>
        %parallel_loop3A_630 = arith.mulf %parallel_loop3A_573, %get3A_13 : vector<16xf32>
        %parallel_loop3A_631 = arith.mulf %parallel_loop3A_629, %parallel_loop3A_630 : vector<16xf32>
        %parallel_loop3A_632 = arith.addf %parallel_loop3A_631, %get3A_29 : vector<16xf32>
        %parallel_loop3A_633 = arith.constant 0 : i32
        %parallel_loop3A_634 = arith.constant 0 : i32
        %parallel_loop3A_635 = tpu.memref_slice %arg10[%parallel_loop3A_370, %parallel_loop3A_633, %parallel_loop3A_634] : memref<2x128x128xf32, #tpu.memory_space<vmem>> -> memref<1x128x128xf32, #tpu.memory_space<vmem>>
        %parallel_loop3A_636 = tpu.memref_squeeze %parallel_loop3A_635 : memref<1x128x128xf32, #tpu.memory_space<vmem>> -> memref<128x128xf32, #tpu.memory_space<vmem>>
        %parallel_loop3A_637 = arith.index_cast %parallel_loop3A_451 : i32 to index
        %parallel_loop3A_638 = arith.constant 80 : index
        %parallel_loop3A_639 = tpu.vector_load %parallel_loop3A_636[%parallel_loop3A_637, %parallel_loop3A_638] {strides = array<i32>} : memref<128x128xf32, #tpu.memory_space<vmem>>, vector<16xf32>,
        tpu.vector_store %parallel_loop3A_636[%parallel_loop3A_637, %parallel_loop3A_638], %parallel_loop3A_632 {strides = array<i32>} : memref<128x128xf32, #tpu.memory_space<vmem>>, vector<16xf32>,
        %parallel_loop3A_640 = arith.subf %parallel_loop3A_500, %parallel_loop3A_537 : vector<16xf32>
        %parallel_loop3A_641 = arith.mulf %parallel_loop3A_573, %get3A_15 : vector<16xf32>
        %parallel_loop3A_642 = arith.mulf %parallel_loop3A_640, %parallel_loop3A_641 : vector<16xf32>
        %parallel_loop3A_643 = arith.addf %parallel_loop3A_642, %get3A_31 : vector<16xf32>
        %parallel_loop3A_644 = arith.constant 0 : i32
        %parallel_loop3A_645 = arith.constant 0 : i32
        %parallel_loop3A_646 = tpu.memref_slice %arg10[%parallel_loop3A_370, %parallel_loop3A_644, %parallel_loop3A_645] : memref<2x128x128xf32, #tpu.memory_space<vmem>> -> memref<1x128x128xf32, #tpu.memory_space<vmem>>
        %parallel_loop3A_647 = tpu.memref_squeeze %parallel_loop3A_646 : memref<1x128x128xf32, #tpu.memory_space<vmem>> -> memref<128x128xf32, #tpu.memory_space<vmem>>
        %parallel_loop3A_648 = arith.index_cast %parallel_loop3A_451 : i32 to index
        %parallel_loop3A_649 = arith.constant 96 : index
        %parallel_loop3A_650 = tpu.vector_load %parallel_loop3A_647[%parallel_loop3A_648, %parallel_loop3A_649] {strides = array<i32>} : memref<128x128xf32, #tpu.memory_space<vmem>>, vector<16xf32>,
        tpu.vector_store %parallel_loop3A_647[%parallel_loop3A_648, %parallel_loop3A_649], %parallel_loop3A_643 {strides = array<i32>} : memref<128x128xf32, #tpu.memory_space<vmem>>, vector<16xf32>,
        %parallel_loop3A_651 = arith.subf %parallel_loop3A_507, %parallel_loop3A_537 : vector<16xf32>
        %parallel_loop3A_652 = arith.mulf %parallel_loop3A_573, %get3A_17 : vector<16xf32>
        %parallel_loop3A_653 = arith.mulf %parallel_loop3A_651, %parallel_loop3A_652 : vector<16xf32>
        %parallel_loop3A_654 = arith.addf %parallel_loop3A_653, %get3A_33 : vector<16xf32>
        %parallel_loop3A_655 = arith.constant 0 : i32
        %parallel_loop3A_656 = arith.constant 0 : i32
        %parallel_loop3A_657 = tpu.memref_slice %arg10[%parallel_loop3A_370, %parallel_loop3A_655, %parallel_loop3A_656] : memref<2x128x128xf32, #tpu.memory_space<vmem>> -> memref<1x128x128xf32, #tpu.memory_space<vmem>>
        %parallel_loop3A_658 = tpu.memref_squeeze %parallel_loop3A_657 : memref<1x128x128xf32, #tpu.memory_space<vmem>> -> memref<128x128xf32, #tpu.memory_space<vmem>>
        %parallel_loop3A_659 = arith.index_cast %parallel_loop3A_451 : i32 to index
        %parallel_loop3A_660 = arith.constant 112 : index
        %parallel_loop3A_661 = tpu.vector_load %parallel_loop3A_658[%parallel_loop3A_659, %parallel_loop3A_660] {strides = array<i32>} : memref<128x128xf32, #tpu.memory_space<vmem>>, vector<16xf32>,
        tpu.vector_store %parallel_loop3A_658[%parallel_loop3A_659, %parallel_loop3A_660], %parallel_loop3A_654 {strides = array<i32>} : memref<128x128xf32, #tpu.memory_space<vmem>>, vector<16xf32>,
      } {sc.loop_unroll_factor = 1 : i64, sc.parallel_access}
      %mul3A_371 = arith.constant 128 : i32
      %mul3A_372 = arith.muli %add3A_302, %mul3A_371 : i32
      %add3A_373 = arith.addi %mul3A_2, %mul3A_372 : i32
      %dma_start3A_374 = arith.constant 0 : i32
      %dma_start3A_375 = arith.constant 0 : i32
      %dma_start3A_376 = arith.constant 0 : i32
      %dma_start3A_377 = tpu.memref_slice %arg10[%dma_start3A_374, %dma_start3A_375, %dma_start3A_376] : memref<2x128x128xf32, #tpu.memory_space<vmem>> -> memref<1x128x128xf32, #tpu.memory_space<vmem>>
      %dma_start3A_378 = tpu.memref_squeeze %dma_start3A_377 : memref<1x128x128xf32, #tpu.memory_space<vmem>> -> memref<128x128xf32, #tpu.memory_space<vmem>>
      %dma_start3A_379 = arith.constant 0 : i32
      %dma_start3A_380 = tpu.memref_slice %arg7[%add3A_373, %dma_start3A_379] : memref<819200x128xf32, #tpu.memory_space<hbm>> -> memref<128x128xf32, #tpu.memory_space<hbm>>
      %dma_start3A_381 = arith.constant 0 : i32
      %dma_start3A_382 = tpu.memref_slice %arg7[%add3A_373, %dma_start3A_381] : memref<819200x128xf32, #tpu.memory_space<hbm>> -> memref<128x128xf32, #tpu.memory_space<hbm>>
      %dma_start3A_383 = arith.constant 0 : i32
      %dma_start3A_384 = arith.constant 0 : i32
      %dma_start3A_385 = tpu.memref_slice %arg10[%dma_start3A_374, %dma_start3A_383, %dma_start3A_384] : memref<2x128x128xf32, #tpu.memory_space<vmem>> -> memref<1x128x128xf32, #tpu.memory_space<vmem>>
      %dma_start3A_386 = tpu.memref_squeeze %dma_start3A_385 : memref<1x128x128xf32, #tpu.memory_space<vmem>> -> memref<128x128xf32, #tpu.memory_space<vmem>>
      tpu.enqueue_dma source(%dma_start3A_386 : memref<128x128xf32, #tpu.memory_space<vmem>>) target(%dma_start3A_382 : memref<128x128xf32, #tpu.memory_space<hbm>>) target_semaphore(%arg21 : memref<!tpu.dma_semaphore, #tpu.memory_space<semaphore_mem>>)
      %mul3A_387 = arith.constant 4 : i32
      %mul3A_388 = arith.muli %mul3A_387, %scan3A_122 : i32
      %add3A_389 = arith.constant 3 : i32
      %add3A_390 = arith.addi %mul3A_388, %add3A_389 : i32
      %lt3A_391 = arith.constant 49 : i32
      %lt3A_392 = arith.cmpi slt, %scan3A_122, %lt3A_391 : i32
      %convert_element_type3A_393 = arith.extui %lt3A_392 : i1 to i32
      %cond3A_394 = arith.constant 0 : i32
      %cond3A_395 = arith.cmpi ne, %convert_element_type3A_393, %cond3A_394 : i32
      scf.if %cond3A_395 {
        %add3A_451 = arith.constant 1 : i32
        %add3A_452 = arith.addi %add3A_390, %add3A_451 : i32
        %mul3A_453 = arith.constant 128 : i32
        %mul3A_454 = arith.muli %add3A_452, %mul3A_453 : i32
        %add3A_455 = arith.addi %mul3A_2, %mul3A_454 : i32
        %dma_wait3A_456 = arith.constant 0 : i32
        %dma_wait3A_457 = arith.constant 0 : i32
        %dma_wait3A_458 = arith.constant 0 : i32
        %dma_wait3A_459 = tpu.memref_slice %arg9[%dma_wait3A_456, %dma_wait3A_457, %dma_wait3A_458] : memref<4x128x128xf32, #tpu.memory_space<vmem>> -> memref<1x128x128xf32, #tpu.memory_space<vmem>>
        %dma_wait3A_460 = tpu.memref_squeeze %dma_wait3A_459 : memref<1x128x128xf32, #tpu.memory_space<vmem>> -> memref<128x128xf32, #tpu.memory_space<vmem>>
        %dma_wait3A_461 = arith.constant 0 : i32
        %dma_wait3A_462 = tpu.memref_slice %arg2[%add3A_455, %dma_wait3A_461] : memref<819200x128xf32, #tpu.memory_space<hbm>> -> memref<128x128xf32, #tpu.memory_space<hbm>>
        %dma_wait3A_463 = arith.constant 0 : i32
        %dma_wait3A_464 = arith.constant 0 : i32
        %dma_wait3A_465 = tpu.memref_slice %arg9[%dma_wait3A_456, %dma_wait3A_463, %dma_wait3A_464] : memref<4x128x128xf32, #tpu.memory_space<vmem>> -> memref<1x128x128xf32, #tpu.memory_space<vmem>>
        %dma_wait3A_466 = tpu.memref_squeeze %dma_wait3A_465 : memref<1x128x128xf32, #tpu.memory_space<vmem>> -> memref<128x128xf32, #tpu.memory_space<vmem>>
        %dma_wait3A_467 = arith.constant 0 : i32
        %dma_wait3A_468 = tpu.memref_slice %arg2[%add3A_455, %dma_wait3A_467] : memref<819200x128xf32, #tpu.memory_space<hbm>> -> memref<128x128xf32, #tpu.memory_space<hbm>>
        tpu.wait_dma2 semaphore(%arg13 : memref<!tpu.dma_semaphore, #tpu.memory_space<semaphore_mem>>) src(%dma_wait3A_468 : memref<128x128xf32, #tpu.memory_space<hbm>>) dst(%dma_wait3A_466 : memref<128x128xf32, #tpu.memory_space<vmem>>)
        %add3A_469 = arith.constant 1 : i32
        %add3A_470 = arith.addi %add3A_390, %add3A_469 : i32
        %mul3A_471 = arith.constant 128 : i32
        %mul3A_472 = arith.muli %add3A_470, %mul3A_471 : i32
        %dma_start3A_473 = arith.constant 0 : i32
        %dma_start3A_474 = arith.constant 0 : i32
        %dma_start3A_475 = arith.constant 0 : i32
        %dma_start3A_476 = tpu.memref_slice %arg9[%dma_start3A_473, %dma_start3A_474, %dma_start3A_475] : memref<4x128x128xf32, #tpu.memory_space<vmem>> -> memref<1x128x128xf32, #tpu.memory_space<vmem>>
        %dma_start3A_477 = tpu.memref_squeeze %dma_start3A_476 : memref<1x128x128xf32, #tpu.memory_space<vmem>> -> memref<128x128xf32, #tpu.memory_space<vmem>>
        %dma_start3A_478 = tpu.memref_slice %arg8[%mul3A_472] : memref<25600xi32, #tpu.memory_space<vmem>> -> memref<128xi32, #tpu.memory_space<vmem>>
        %dma_start3A_479 = arith.constant 0 : i32
        %dma_start3A_480 = arith.constant 0 : i32
        %dma_start3A_481 = tpu.memref_slice %arg4[%dma_start3A_479, %dma_start3A_480] : memref<1000x128xf32, #tpu.memory_space<hbm>> -> memref<1000x128xf32, #tpu.memory_space<hbm>>
        tpu.enqueue_indirect_dma source(%dma_start3A_481 : memref<1000x128xf32, #tpu.memory_space<hbm>>) target(%dma_start3A_477 : memref<128x128xf32, #tpu.memory_space<vmem>>) offsets(%dma_start3A_478 : memref<128xi32, #tpu.memory_space<vmem>>) semaphore(%arg17 : memref<!tpu.dma_semaphore, #tpu.memory_space<semaphore_mem>>) {add = true}
      } else {
      }
      %lt3A_396 = arith.constant 49 : i32
      %lt3A_397 = arith.cmpi slt, %scan3A_122, %lt3A_396 : i32
      %convert_element_type3A_398 = arith.extui %lt3A_397 : i1 to i32
      %cond3A_399 = arith.constant 0 : i32
      %cond3A_400 = arith.cmpi ne, %convert_element_type3A_398, %cond3A_399 : i32
      scf.if %cond3A_400 {
        %add3A_451 = arith.constant 2 : i32
        %add3A_452 = arith.addi %add3A_390, %add3A_451 : i32
        %mul3A_453 = arith.constant 128 : i32
        %mul3A_454 = arith.muli %add3A_452, %mul3A_453 : i32
        %add3A_455 = arith.addi %mul3A_2, %mul3A_454 : i32
        %dma_start3A_456 = arith.constant 1 : i32
        %dma_start3A_457 = arith.constant 0 : i32
        %dma_start3A_458 = arith.constant 0 : i32
        %dma_start3A_459 = tpu.memref_slice %arg9[%dma_start3A_456, %dma_start3A_457, %dma_start3A_458] : memref<4x128x128xf32, #tpu.memory_space<vmem>> -> memref<1x128x128xf32, #tpu.memory_space<vmem>>
        %dma_start3A_460 = tpu.memref_squeeze %dma_start3A_459 : memref<1x128x128xf32, #tpu.memory_space<vmem>> -> memref<128x128xf32, #tpu.memory_space<vmem>>
        %dma_start3A_461 = arith.constant 0 : i32
        %dma_start3A_462 = tpu.memref_slice %arg2[%add3A_455, %dma_start3A_461] : memref<819200x128xf32, #tpu.memory_space<hbm>> -> memref<128x128xf32, #tpu.memory_space<hbm>>
        %dma_start3A_463 = arith.constant 0 : i32
        %dma_start3A_464 = arith.constant 0 : i32
        %dma_start3A_465 = tpu.memref_slice %arg9[%dma_start3A_456, %dma_start3A_463, %dma_start3A_464] : memref<4x128x128xf32, #tpu.memory_space<vmem>> -> memref<1x128x128xf32, #tpu.memory_space<vmem>>
        %dma_start3A_466 = tpu.memref_squeeze %dma_start3A_465 : memref<1x128x128xf32, #tpu.memory_space<vmem>> -> memref<128x128xf32, #tpu.memory_space<vmem>>
        %dma_start3A_467 = arith.constant 0 : i32
        %dma_start3A_468 = tpu.memref_slice %arg2[%add3A_455, %dma_start3A_467] : memref<819200x128xf32, #tpu.memory_space<hbm>> -> memref<128x128xf32, #tpu.memory_space<hbm>>
        tpu.enqueue_dma source(%dma_start3A_468 : memref<128x128xf32, #tpu.memory_space<hbm>>) target(%dma_start3A_466 : memref<128x128xf32, #tpu.memory_space<vmem>>) target_semaphore(%arg14 : memref<!tpu.dma_semaphore, #tpu.memory_space<semaphore_mem>>)
      } else {
      }
      %sub3A_401 = arith.constant 2 : i32
      %sub3A_402 = arith.subi %add3A_390, %sub3A_401 : i32
      %mul3A_403 = arith.constant 128 : i32
      %mul3A_404 = arith.muli %sub3A_402, %mul3A_403 : i32
      %add3A_405 = arith.addi %mul3A_2, %mul3A_404 : i32
      %dma_wait3A_406 = arith.constant 1 : i32
      %dma_wait3A_407 = arith.constant 0 : i32
      %dma_wait3A_408 = arith.constant 0 : i32
      %dma_wait3A_409 = tpu.memref_slice %arg10[%dma_wait3A_406, %dma_wait3A_407, %dma_wait3A_408] : memref<2x128x128xf32, #tpu.memory_space<vmem>> -> memref<1x128x128xf32, #tpu.memory_space<vmem>>
      %dma_wait3A_410 = tpu.memref_squeeze %dma_wait3A_409 : memref<1x128x128xf32, #tpu.memory_space<vmem>> -> memref<128x128xf32, #tpu.memory_space<vmem>>
      %dma_wait3A_411 = arith.constant 0 : i32
      %dma_wait3A_412 = tpu.memref_slice %arg7[%add3A_405, %dma_wait3A_411] : memref<819200x128xf32, #tpu.memory_space<hbm>> -> memref<128x128xf32, #tpu.memory_space<hbm>>
      %dma_wait3A_413 = arith.constant 0 : i32
      %dma_wait3A_414 = tpu.memref_slice %arg7[%add3A_405, %dma_wait3A_413] : memref<819200x128xf32, #tpu.memory_space<hbm>> -> memref<128x128xf32, #tpu.memory_space<hbm>>
      %dma_wait3A_415 = arith.constant 0 : i32
      %dma_wait3A_416 = arith.constant 0 : i32
      %dma_wait3A_417 = tpu.memref_slice %arg10[%dma_wait3A_406, %dma_wait3A_415, %dma_wait3A_416] : memref<2x128x128xf32, #tpu.memory_space<vmem>> -> memref<1x128x128xf32, #tpu.memory_space<vmem>>
      %dma_wait3A_418 = tpu.memref_squeeze %dma_wait3A_417 : memref<1x128x128xf32, #tpu.memory_space<vmem>> -> memref<128x128xf32, #tpu.memory_space<vmem>>
      tpu.wait_dma2 semaphore(%arg22 : memref<!tpu.dma_semaphore, #tpu.memory_space<semaphore_mem>>) src(%dma_wait3A_418 : memref<128x128xf32, #tpu.memory_space<vmem>>) dst(%dma_wait3A_414 : memref<128x128xf32, #tpu.memory_space<hbm>>)
      %mul3A_419 = arith.constant 128 : i32
      %mul3A_420 = arith.muli %add3A_390, %mul3A_419 : i32
      %dma_wait3A_421 = arith.constant 3 : i32
      %dma_wait3A_422 = arith.constant 0 : i32
      %dma_wait3A_423 = arith.constant 0 : i32
      %dma_wait3A_424 = tpu.memref_slice %arg9[%dma_wait3A_421, %dma_wait3A_422, %dma_wait3A_423] : memref<4x128x128xf32, #tpu.memory_space<vmem>> -> memref<1x128x128xf32, #tpu.memory_space<vmem>>
      %dma_wait3A_425 = tpu.memref_squeeze %dma_wait3A_424 : memref<1x128x128xf32, #tpu.memory_space<vmem>> -> memref<128x128xf32, #tpu.memory_space<vmem>>
      %dma_wait3A_426 = tpu.memref_slice %arg8[%mul3A_420] : memref<25600xi32, #tpu.memory_space<vmem>> -> memref<128xi32, #tpu.memory_space<vmem>>
      %dma_wait3A_427 = arith.constant 0 : i32
      %dma_wait3A_428 = arith.constant 0 : i32
      %dma_wait3A_429 = tpu.memref_slice %arg4[%dma_wait3A_427, %dma_wait3A_428] : memref<1000x128xf32, #tpu.memory_space<hbm>> -> memref<1000x128xf32, #tpu.memory_space<hbm>>
      tpu.wait_indirect_dma semaphore(%arg20 : memref<!tpu.dma_semaphore, #tpu.memory_space<semaphore_mem>>) src(%dma_wait3A_429 : memref<1000x128xf32, #tpu.memory_space<hbm>>) dst(%dma_wait3A_425 : memref<128x128xf32, #tpu.memory_space<vmem>>)
      %parallel_loop3A_430 = arith.constant 0 : i32
      %parallel_loop3A_431 = arith.constant 128 : i32
      %parallel_loop3A_432 = arith.constant 1 : i32
      %parallel_loop3A_433 = arith.constant 3 : i32
      %parallel_loop3A_434 = arith.constant 1 : i32
      scf.for %parallel_loop3A_451 = %parallel_loop3A_430 to %parallel_loop3A_431 step %parallel_loop3A_432  : i32 {
        %parallel_loop3A_452 = arith.constant 0 : i32
        %parallel_loop3A_453 = arith.constant 0 : i32
        %parallel_loop3A_454 = tpu.memref_slice %arg9[%parallel_loop3A_433, %parallel_loop3A_452, %parallel_loop3A_453] : memref<4x128x128xf32, #tpu.memory_space<vmem>> -> memref<1x128x128xf32, #tpu.memory_space<vmem>>
        %parallel_loop3A_455 = tpu.memref_squeeze %parallel_loop3A_454 : memref<1x128x128xf32, #tpu.memory_space<vmem>> -> memref<128x128xf32, #tpu.memory_space<vmem>>
        %parallel_loop3A_456 = arith.index_cast %parallel_loop3A_451 : i32 to index
        %parallel_loop3A_457 = arith.constant 0 : index
        %parallel_loop3A_458 = tpu.vector_load %parallel_loop3A_455[%parallel_loop3A_456, %parallel_loop3A_457] {strides = array<i32>} : memref<128x128xf32, #tpu.memory_space<vmem>>, vector<16xf32>,
        %parallel_loop3A_459 = arith.constant 0 : i32
        %parallel_loop3A_460 = arith.constant 0 : i32
        %parallel_loop3A_461 = tpu.memref_slice %arg9[%parallel_loop3A_433, %parallel_loop3A_459, %parallel_loop3A_460] : memref<4x128x128xf32, #tpu.memory_space<vmem>> -> memref<1x128x128xf32, #tpu.memory_space<vmem>>
        %parallel_loop3A_462 = tpu.memref_squeeze %parallel_loop3A_461 : memref<1x128x128xf32, #tpu.memory_space<vmem>> -> memref<128x128xf32, #tpu.memory_space<vmem>>
        %parallel_loop3A_463 = arith.index_cast %parallel_loop3A_451 : i32 to index
        %parallel_loop3A_464 = arith.constant 16 : index
        %parallel_loop3A_465 = tpu.vector_load %parallel_loop3A_462[%parallel_loop3A_463, %parallel_loop3A_464] {strides = array<i32>} : memref<128x128xf32, #tpu.memory_space<vmem>>, vector<16xf32>,
        %parallel_loop3A_466 = arith.constant 0 : i32
        %parallel_loop3A_467 = arith.constant 0 : i32
        %parallel_loop3A_468 = tpu.memref_slice %arg9[%parallel_loop3A_433, %parallel_loop3A_466, %parallel_loop3A_467] : memref<4x128x128xf32, #tpu.memory_space<vmem>> -> memref<1x128x128xf32, #tpu.memory_space<vmem>>
        %parallel_loop3A_469 = tpu.memref_squeeze %parallel_loop3A_468 : memref<1x128x128xf32, #tpu.memory_space<vmem>> -> memref<128x128xf32, #tpu.memory_space<vmem>>
        %parallel_loop3A_470 = arith.index_cast %parallel_loop3A_451 : i32 to index
        %parallel_loop3A_471 = arith.constant 32 : index
        %parallel_loop3A_472 = tpu.vector_load %parallel_loop3A_469[%parallel_loop3A_470, %parallel_loop3A_471] {strides = array<i32>} : memref<128x128xf32, #tpu.memory_space<vmem>>, vector<16xf32>,
        %parallel_loop3A_473 = arith.constant 0 : i32
        %parallel_loop3A_474 = arith.constant 0 : i32
        %parallel_loop3A_475 = tpu.memref_slice %arg9[%parallel_loop3A_433, %parallel_loop3A_473, %parallel_loop3A_474] : memref<4x128x128xf32, #tpu.memory_space<vmem>> -> memref<1x128x128xf32, #tpu.memory_space<vmem>>
        %parallel_loop3A_476 = tpu.memref_squeeze %parallel_loop3A_475 : memref<1x128x128xf32, #tpu.memory_space<vmem>> -> memref<128x128xf32, #tpu.memory_space<vmem>>
        %parallel_loop3A_477 = arith.index_cast %parallel_loop3A_451 : i32 to index
        %parallel_loop3A_478 = arith.constant 48 : index
        %parallel_loop3A_479 = tpu.vector_load %parallel_loop3A_476[%parallel_loop3A_477, %parallel_loop3A_478] {strides = array<i32>} : memref<128x128xf32, #tpu.memory_space<vmem>>, vector<16xf32>,
        %parallel_loop3A_480 = arith.constant 0 : i32
        %parallel_loop3A_481 = arith.constant 0 : i32
        %parallel_loop3A_482 = tpu.memref_slice %arg9[%parallel_loop3A_433, %parallel_loop3A_480, %parallel_loop3A_481] : memref<4x128x128xf32, #tpu.memory_space<vmem>> -> memref<1x128x128xf32, #tpu.memory_space<vmem>>
        %parallel_loop3A_483 = tpu.memref_squeeze %parallel_loop3A_482 : memref<1x128x128xf32, #tpu.memory_space<vmem>> -> memref<128x128xf32, #tpu.memory_space<vmem>>
        %parallel_loop3A_484 = arith.index_cast %parallel_loop3A_451 : i32 to index
        %parallel_loop3A_485 = arith.constant 64 : index
        %parallel_loop3A_486 = tpu.vector_load %parallel_loop3A_483[%parallel_loop3A_484, %parallel_loop3A_485] {strides = array<i32>} : memref<128x128xf32, #tpu.memory_space<vmem>>, vector<16xf32>,
        %parallel_loop3A_487 = arith.constant 0 : i32
        %parallel_loop3A_488 = arith.constant 0 : i32
        %parallel_loop3A_489 = tpu.memref_slice %arg9[%parallel_loop3A_433, %parallel_loop3A_487, %parallel_loop3A_488] : memref<4x128x128xf32, #tpu.memory_space<vmem>> -> memref<1x128x128xf32, #tpu.memory_space<vmem>>
        %parallel_loop3A_490 = tpu.memref_squeeze %parallel_loop3A_489 : memref<1x128x128xf32, #tpu.memory_space<vmem>> -> memref<128x128xf32, #tpu.memory_space<vmem>>
        %parallel_loop3A_491 = arith.index_cast %parallel_loop3A_451 : i32 to index
        %parallel_loop3A_492 = arith.constant 80 : index
        %parallel_loop3A_493 = tpu.vector_load %parallel_loop3A_490[%parallel_loop3A_491, %parallel_loop3A_492] {strides = array<i32>} : memref<128x128xf32, #tpu.memory_space<vmem>>, vector<16xf32>,
        %parallel_loop3A_494 = arith.constant 0 : i32
        %parallel_loop3A_495 = arith.constant 0 : i32
        %parallel_loop3A_496 = tpu.memref_slice %arg9[%parallel_loop3A_433, %parallel_loop3A_494, %parallel_loop3A_495] : memref<4x128x128xf32, #tpu.memory_space<vmem>> -> memref<1x128x128xf32, #tpu.memory_space<vmem>>
        %parallel_loop3A_497 = tpu.memref_squeeze %parallel_loop3A_496 : memref<1x128x128xf32, #tpu.memory_space<vmem>> -> memref<128x128xf32, #tpu.memory_space<vmem>>
        %parallel_loop3A_498 = arith.index_cast %parallel_loop3A_451 : i32 to index
        %parallel_loop3A_499 = arith.constant 96 : index
        %parallel_loop3A_500 = tpu.vector_load %parallel_loop3A_497[%parallel_loop3A_498, %parallel_loop3A_499] {strides = array<i32>} : memref<128x128xf32, #tpu.memory_space<vmem>>, vector<16xf32>,
        %parallel_loop3A_501 = arith.constant 0 : i32
        %parallel_loop3A_502 = arith.constant 0 : i32
        %parallel_loop3A_503 = tpu.memref_slice %arg9[%parallel_loop3A_433, %parallel_loop3A_501, %parallel_loop3A_502] : memref<4x128x128xf32, #tpu.memory_space<vmem>> -> memref<1x128x128xf32, #tpu.memory_space<vmem>>
        %parallel_loop3A_504 = tpu.memref_squeeze %parallel_loop3A_503 : memref<1x128x128xf32, #tpu.memory_space<vmem>> -> memref<128x128xf32, #tpu.memory_space<vmem>>
        %parallel_loop3A_505 = arith.index_cast %parallel_loop3A_451 : i32 to index
        %parallel_loop3A_506 = arith.constant 112 : index
        %parallel_loop3A_507 = tpu.vector_load %parallel_loop3A_504[%parallel_loop3A_505, %parallel_loop3A_506] {strides = array<i32>} : memref<128x128xf32, #tpu.memory_space<vmem>>, vector<16xf32>,
        %parallel_loop3A_508 = arith.addf %parallel_loop3A_458, %parallel_loop3A_465 : vector<16xf32>
        %parallel_loop3A_509 = arith.addf %parallel_loop3A_472, %parallel_loop3A_479 : vector<16xf32>
        %parallel_loop3A_510 = arith.addf %parallel_loop3A_508, %parallel_loop3A_509 : vector<16xf32>
        %parallel_loop3A_511 = arith.addf %parallel_loop3A_486, %parallel_loop3A_493 : vector<16xf32>
        %parallel_loop3A_512 = arith.addf %parallel_loop3A_500, %parallel_loop3A_507 : vector<16xf32>
        %parallel_loop3A_513 = arith.addf %parallel_loop3A_511, %parallel_loop3A_512 : vector<16xf32>
        %parallel_loop3A_514 = arith.addf %parallel_loop3A_510, %parallel_loop3A_513 : vector<16xf32>
        %parallel_loop3A_515 = arith.mulf %parallel_loop3A_458, %parallel_loop3A_458 : vector<16xf32>
        %parallel_loop3A_516 = arith.mulf %parallel_loop3A_465, %parallel_loop3A_465 : vector<16xf32>
        %parallel_loop3A_517 = arith.addf %parallel_loop3A_515, %parallel_loop3A_516 : vector<16xf32>
        %parallel_loop3A_518 = arith.mulf %parallel_loop3A_472, %parallel_loop3A_472 : vector<16xf32>
        %parallel_loop3A_519 = arith.mulf %parallel_loop3A_479, %parallel_loop3A_479 : vector<16xf32>
        %parallel_loop3A_520 = arith.addf %parallel_loop3A_518, %parallel_loop3A_519 : vector<16xf32>
        %parallel_loop3A_521 = arith.addf %parallel_loop3A_517, %parallel_loop3A_520 : vector<16xf32>
        %parallel_loop3A_522 = arith.mulf %parallel_loop3A_486, %parallel_loop3A_486 : vector<16xf32>
        %parallel_loop3A_523 = arith.mulf %parallel_loop3A_493, %parallel_loop3A_493 : vector<16xf32>
        %parallel_loop3A_524 = arith.addf %parallel_loop3A_522, %parallel_loop3A_523 : vector<16xf32>
        %parallel_loop3A_525 = arith.mulf %parallel_loop3A_500, %parallel_loop3A_500 : vector<16xf32>
        %parallel_loop3A_526 = arith.mulf %parallel_loop3A_507, %parallel_loop3A_507 : vector<16xf32>
        %parallel_loop3A_527 = arith.addf %parallel_loop3A_525, %parallel_loop3A_526 : vector<16xf32>
        %parallel_loop3A_528 = arith.addf %parallel_loop3A_524, %parallel_loop3A_527 : vector<16xf32>
        %parallel_loop3A_529 = arith.addf %parallel_loop3A_521, %parallel_loop3A_528 : vector<16xf32>
        %parallel_loop3A_530 = arith.constant true
        %parallel_loop3A_531 = vector.broadcast %parallel_loop3A_530 : i1 to vector<16xi1>
        %parallel_loop3A_532 = tpu.scan <sum>, %parallel_loop3A_514 masked %parallel_loop3A_531 : vector<16xf32>, vector<16xi1> -> vector<16xf32>
        %parallel_loop3A_533 = vector.extract %parallel_loop3A_532[15] : f32 from vector<16xf32>
        %parallel_loop3A_534 = vector.broadcast %parallel_loop3A_533 : f32 to vector<16xf32>
        %parallel_loop3A_535 = arith.constant 7.812500e-03 : f32
        %parallel_loop3A_536 = vector.broadcast %parallel_loop3A_535 : f32 to vector<16xf32>
        %parallel_loop3A_537 = arith.mulf %parallel_loop3A_534, %parallel_loop3A_536 : vector<16xf32>
        %parallel_loop3A_538 = arith.constant true
        %parallel_loop3A_539 = vector.broadcast %parallel_loop3A_538 : i1 to vector<16xi1>
        %parallel_loop3A_540 = tpu.scan <sum>, %parallel_loop3A_529 masked %parallel_loop3A_539 : vector<16xf32>, vector<16xi1> -> vector<16xf32>
        %parallel_loop3A_541 = vector.extract %parallel_loop3A_540[15] : f32 from vector<16xf32>
        %parallel_loop3A_542 = vector.broadcast %parallel_loop3A_541 : f32 to vector<16xf32>
        %parallel_loop3A_543 = arith.constant 7.812500e-03 : f32
        %parallel_loop3A_544 = vector.broadcast %parallel_loop3A_543 : f32 to vector<16xf32>
        %parallel_loop3A_545 = arith.mulf %parallel_loop3A_542, %parallel_loop3A_544 : vector<16xf32>
        %parallel_loop3A_546 = arith.mulf %parallel_loop3A_537, %parallel_loop3A_537 : vector<16xf32>
        %parallel_loop3A_547 = arith.subf %parallel_loop3A_545, %parallel_loop3A_546 : vector<16xf32>
        %parallel_loop3A_548 = arith.constant 9.99999974E-6 : f32
        %parallel_loop3A_549 = vector.broadcast %parallel_loop3A_548 : f32 to vector<16xf32>
        %parallel_loop3A_550 = arith.addf %parallel_loop3A_547, %parallel_loop3A_549 : vector<16xf32>
        %parallel_loop3A_551 = vector.bitcast %parallel_loop3A_550 : vector<16xf32> to vector<16xi32>
        %parallel_loop3A_552 = arith.constant 1 : i32
        %parallel_loop3A_553 = vector.broadcast %parallel_loop3A_552 : i32 to vector<16xi32>
        %parallel_loop3A_554 = arith.shrsi %parallel_loop3A_551, %parallel_loop3A_553 : vector<16xi32>
        %parallel_loop3A_555 = arith.constant 1597463007 : i32
        %parallel_loop3A_556 = vector.broadcast %parallel_loop3A_555 : i32 to vector<16xi32>
        %parallel_loop3A_557 = arith.subi %parallel_loop3A_556, %parallel_loop3A_554 : vector<16xi32>
        %parallel_loop3A_558 = vector.bitcast %parallel_loop3A_557 : vector<16xi32> to vector<16xf32>
        %parallel_loop3A_559 = arith.constant 5.000000e-01 : f32
        %parallel_loop3A_560 = vector.broadcast %parallel_loop3A_559 : f32 to vector<16xf32>
        %parallel_loop3A_561 = arith.mulf %parallel_loop3A_550, %parallel_loop3A_560 : vector<16xf32>
        %parallel_loop3A_562 = arith.mulf %parallel_loop3A_561, %parallel_loop3A_558 : vector<16xf32>
        %parallel_loop3A_563 = arith.mulf %parallel_loop3A_562, %parallel_loop3A_558 : vector<16xf32>
        %parallel_loop3A_564 = arith.constant 1.500000e+00 : f32
        %parallel_loop3A_565 = vector.broadcast %parallel_loop3A_564 : f32 to vector<16xf32>
        %parallel_loop3A_566 = arith.subf %parallel_loop3A_565, %parallel_loop3A_563 : vector<16xf32>
        %parallel_loop3A_567 = arith.mulf %parallel_loop3A_558, %parallel_loop3A_566 : vector<16xf32>
        %parallel_loop3A_568 = arith.mulf %parallel_loop3A_561, %parallel_loop3A_567 : vector<16xf32>
        %parallel_loop3A_569 = arith.mulf %parallel_loop3A_568, %parallel_loop3A_567 : vector<16xf32>
        %parallel_loop3A_570 = arith.constant 1.500000e+00 : f32
        %parallel_loop3A_571 = vector.broadcast %parallel_loop3A_570 : f32 to vector<16xf32>
        %parallel_loop3A_572 = arith.subf %parallel_loop3A_571, %parallel_loop3A_569 : vector<16xf32>
        %parallel_loop3A_573 = arith.mulf %parallel_loop3A_567, %parallel_loop3A_572 : vector<16xf32>
        %parallel_loop3A_574 = arith.subf %parallel_loop3A_458, %parallel_loop3A_537 : vector<16xf32>
        %parallel_loop3A_575 = arith.mulf %parallel_loop3A_573, %get3A_3 : vector<16xf32>
        %parallel_loop3A_576 = arith.mulf %parallel_loop3A_574, %parallel_loop3A_575 : vector<16xf32>
        %parallel_loop3A_577 = arith.addf %parallel_loop3A_576, %get3A_19 : vector<16xf32>
        %parallel_loop3A_578 = arith.constant 0 : i32
        %parallel_loop3A_579 = arith.constant 0 : i32
        %parallel_loop3A_580 = tpu.memref_slice %arg10[%parallel_loop3A_434, %parallel_loop3A_578, %parallel_loop3A_579] : memref<2x128x128xf32, #tpu.memory_space<vmem>> -> memref<1x128x128xf32, #tpu.memory_space<vmem>>
        %parallel_loop3A_581 = tpu.memref_squeeze %parallel_loop3A_580 : memref<1x128x128xf32, #tpu.memory_space<vmem>> -> memref<128x128xf32, #tpu.memory_space<vmem>>
        %parallel_loop3A_582 = arith.index_cast %parallel_loop3A_451 : i32 to index
        %parallel_loop3A_583 = arith.constant 0 : index
        %parallel_loop3A_584 = tpu.vector_load %parallel_loop3A_581[%parallel_loop3A_582, %parallel_loop3A_583] {strides = array<i32>} : memref<128x128xf32, #tpu.memory_space<vmem>>, vector<16xf32>,
        tpu.vector_store %parallel_loop3A_581[%parallel_loop3A_582, %parallel_loop3A_583], %parallel_loop3A_577 {strides = array<i32>} : memref<128x128xf32, #tpu.memory_space<vmem>>, vector<16xf32>,
        %parallel_loop3A_585 = arith.subf %parallel_loop3A_465, %parallel_loop3A_537 : vector<16xf32>
        %parallel_loop3A_586 = arith.mulf %parallel_loop3A_573, %get3A_5 : vector<16xf32>
        %parallel_loop3A_587 = arith.mulf %parallel_loop3A_585, %parallel_loop3A_586 : vector<16xf32>
        %parallel_loop3A_588 = arith.addf %parallel_loop3A_587, %get3A_21 : vector<16xf32>
        %parallel_loop3A_589 = arith.constant 0 : i32
        %parallel_loop3A_590 = arith.constant 0 : i32
        %parallel_loop3A_591 = tpu.memref_slice %arg10[%parallel_loop3A_434, %parallel_loop3A_589, %parallel_loop3A_590] : memref<2x128x128xf32, #tpu.memory_space<vmem>> -> memref<1x128x128xf32, #tpu.memory_space<vmem>>
        %parallel_loop3A_592 = tpu.memref_squeeze %parallel_loop3A_591 : memref<1x128x128xf32, #tpu.memory_space<vmem>> -> memref<128x128xf32, #tpu.memory_space<vmem>>
        %parallel_loop3A_593 = arith.index_cast %parallel_loop3A_451 : i32 to index
        %parallel_loop3A_594 = arith.constant 16 : index
        %parallel_loop3A_595 = tpu.vector_load %parallel_loop3A_592[%parallel_loop3A_593, %parallel_loop3A_594] {strides = array<i32>} : memref<128x128xf32, #tpu.memory_space<vmem>>, vector<16xf32>,
        tpu.vector_store %parallel_loop3A_592[%parallel_loop3A_593, %parallel_loop3A_594], %parallel_loop3A_588 {strides = array<i32>} : memref<128x128xf32, #tpu.memory_space<vmem>>, vector<16xf32>,
        %parallel_loop3A_596 = arith.subf %parallel_loop3A_472, %parallel_loop3A_537 : vector<16xf32>
        %parallel_loop3A_597 = arith.mulf %parallel_loop3A_573, %get3A_7 : vector<16xf32>
        %parallel_loop3A_598 = arith.mulf %parallel_loop3A_596, %parallel_loop3A_597 : vector<16xf32>
        %parallel_loop3A_599 = arith.addf %parallel_loop3A_598, %get3A_23 : vector<16xf32>
        %parallel_loop3A_600 = arith.constant 0 : i32
        %parallel_loop3A_601 = arith.constant 0 : i32
        %parallel_loop3A_602 = tpu.memref_slice %arg10[%parallel_loop3A_434, %parallel_loop3A_600, %parallel_loop3A_601] : memref<2x128x128xf32, #tpu.memory_space<vmem>> -> memref<1x128x128xf32, #tpu.memory_space<vmem>>
        %parallel_loop3A_603 = tpu.memref_squeeze %parallel_loop3A_602 : memref<1x128x128xf32, #tpu.memory_space<vmem>> -> memref<128x128xf32, #tpu.memory_space<vmem>>
        %parallel_loop3A_604 = arith.index_cast %parallel_loop3A_451 : i32 to index
        %parallel_loop3A_605 = arith.constant 32 : index
        %parallel_loop3A_606 = tpu.vector_load %parallel_loop3A_603[%parallel_loop3A_604, %parallel_loop3A_605] {strides = array<i32>} : memref<128x128xf32, #tpu.memory_space<vmem>>, vector<16xf32>,
        tpu.vector_store %parallel_loop3A_603[%parallel_loop3A_604, %parallel_loop3A_605], %parallel_loop3A_599 {strides = array<i32>} : memref<128x128xf32, #tpu.memory_space<vmem>>, vector<16xf32>,
        %parallel_loop3A_607 = arith.subf %parallel_loop3A_479, %parallel_loop3A_537 : vector<16xf32>
        %parallel_loop3A_608 = arith.mulf %parallel_loop3A_573, %get3A_9 : vector<16xf32>
        %parallel_loop3A_609 = arith.mulf %parallel_loop3A_607, %parallel_loop3A_608 : vector<16xf32>
        %parallel_loop3A_610 = arith.addf %parallel_loop3A_609, %get3A_25 : vector<16xf32>
        %parallel_loop3A_611 = arith.constant 0 : i32
        %parallel_loop3A_612 = arith.constant 0 : i32
        %parallel_loop3A_613 = tpu.memref_slice %arg10[%parallel_loop3A_434, %parallel_loop3A_611, %parallel_loop3A_612] : memref<2x128x128xf32, #tpu.memory_space<vmem>> -> memref<1x128x128xf32, #tpu.memory_space<vmem>>
        %parallel_loop3A_614 = tpu.memref_squeeze %parallel_loop3A_613 : memref<1x128x128xf32, #tpu.memory_space<vmem>> -> memref<128x128xf32, #tpu.memory_space<vmem>>
        %parallel_loop3A_615 = arith.index_cast %parallel_loop3A_451 : i32 to index
        %parallel_loop3A_616 = arith.constant 48 : index
        %parallel_loop3A_617 = tpu.vector_load %parallel_loop3A_614[%parallel_loop3A_615, %parallel_loop3A_616] {strides = array<i32>} : memref<128x128xf32, #tpu.memory_space<vmem>>, vector<16xf32>,
        tpu.vector_store %parallel_loop3A_614[%parallel_loop3A_615, %parallel_loop3A_616], %parallel_loop3A_610 {strides = array<i32>} : memref<128x128xf32, #tpu.memory_space<vmem>>, vector<16xf32>,
        %parallel_loop3A_618 = arith.subf %parallel_loop3A_486, %parallel_loop3A_537 : vector<16xf32>
        %parallel_loop3A_619 = arith.mulf %parallel_loop3A_573, %get3A_11 : vector<16xf32>
        %parallel_loop3A_620 = arith.mulf %parallel_loop3A_618, %parallel_loop3A_619 : vector<16xf32>
        %parallel_loop3A_621 = arith.addf %parallel_loop3A_620, %get3A_27 : vector<16xf32>
        %parallel_loop3A_622 = arith.constant 0 : i32
        %parallel_loop3A_623 = arith.constant 0 : i32
        %parallel_loop3A_624 = tpu.memref_slice %arg10[%parallel_loop3A_434, %parallel_loop3A_622, %parallel_loop3A_623] : memref<2x128x128xf32, #tpu.memory_space<vmem>> -> memref<1x128x128xf32, #tpu.memory_space<vmem>>
        %parallel_loop3A_625 = tpu.memref_squeeze %parallel_loop3A_624 : memref<1x128x128xf32, #tpu.memory_space<vmem>> -> memref<128x128xf32, #tpu.memory_space<vmem>>
        %parallel_loop3A_626 = arith.index_cast %parallel_loop3A_451 : i32 to index
        %parallel_loop3A_627 = arith.constant 64 : index
        %parallel_loop3A_628 = tpu.vector_load %parallel_loop3A_625[%parallel_loop3A_626, %parallel_loop3A_627] {strides = array<i32>} : memref<128x128xf32, #tpu.memory_space<vmem>>, vector<16xf32>,
        tpu.vector_store %parallel_loop3A_625[%parallel_loop3A_626, %parallel_loop3A_627], %parallel_loop3A_621 {strides = array<i32>} : memref<128x128xf32, #tpu.memory_space<vmem>>, vector<16xf32>,
        %parallel_loop3A_629 = arith.subf %parallel_loop3A_493, %parallel_loop3A_537 : vector<16xf32>
        %parallel_loop3A_630 = arith.mulf %parallel_loop3A_573, %get3A_13 : vector<16xf32>
        %parallel_loop3A_631 = arith.mulf %parallel_loop3A_629, %parallel_loop3A_630 : vector<16xf32>
        %parallel_loop3A_632 = arith.addf %parallel_loop3A_631, %get3A_29 : vector<16xf32>
        %parallel_loop3A_633 = arith.constant 0 : i32
        %parallel_loop3A_634 = arith.constant 0 : i32
        %parallel_loop3A_635 = tpu.memref_slice %arg10[%parallel_loop3A_434, %parallel_loop3A_633, %parallel_loop3A_634] : memref<2x128x128xf32, #tpu.memory_space<vmem>> -> memref<1x128x128xf32, #tpu.memory_space<vmem>>
        %parallel_loop3A_636 = tpu.memref_squeeze %parallel_loop3A_635 : memref<1x128x128xf32, #tpu.memory_space<vmem>> -> memref<128x128xf32, #tpu.memory_space<vmem>>
        %parallel_loop3A_637 = arith.index_cast %parallel_loop3A_451 : i32 to index
        %parallel_loop3A_638 = arith.constant 80 : index
        %parallel_loop3A_639 = tpu.vector_load %parallel_loop3A_636[%parallel_loop3A_637, %parallel_loop3A_638] {strides = array<i32>} : memref<128x128xf32, #tpu.memory_space<vmem>>, vector<16xf32>,
        tpu.vector_store %parallel_loop3A_636[%parallel_loop3A_637, %parallel_loop3A_638], %parallel_loop3A_632 {strides = array<i32>} : memref<128x128xf32, #tpu.memory_space<vmem>>, vector<16xf32>,
        %parallel_loop3A_640 = arith.subf %parallel_loop3A_500, %parallel_loop3A_537 : vector<16xf32>
        %parallel_loop3A_641 = arith.mulf %parallel_loop3A_573, %get3A_15 : vector<16xf32>
        %parallel_loop3A_642 = arith.mulf %parallel_loop3A_640, %parallel_loop3A_641 : vector<16xf32>
        %parallel_loop3A_643 = arith.addf %parallel_loop3A_642, %get3A_31 : vector<16xf32>
        %parallel_loop3A_644 = arith.constant 0 : i32
        %parallel_loop3A_645 = arith.constant 0 : i32
        %parallel_loop3A_646 = tpu.memref_slice %arg10[%parallel_loop3A_434, %parallel_loop3A_644, %parallel_loop3A_645] : memref<2x128x128xf32, #tpu.memory_space<vmem>> -> memref<1x128x128xf32, #tpu.memory_space<vmem>>
        %parallel_loop3A_647 = tpu.memref_squeeze %parallel_loop3A_646 : memref<1x128x128xf32, #tpu.memory_space<vmem>> -> memref<128x128xf32, #tpu.memory_space<vmem>>
        %parallel_loop3A_648 = arith.index_cast %parallel_loop3A_451 : i32 to index
        %parallel_loop3A_649 = arith.constant 96 : index
        %parallel_loop3A_650 = tpu.vector_load %parallel_loop3A_647[%parallel_loop3A_648, %parallel_loop3A_649] {strides = array<i32>} : memref<128x128xf32, #tpu.memory_space<vmem>>, vector<16xf32>,
        tpu.vector_store %parallel_loop3A_647[%parallel_loop3A_648, %parallel_loop3A_649], %parallel_loop3A_643 {strides = array<i32>} : memref<128x128xf32, #tpu.memory_space<vmem>>, vector<16xf32>,
        %parallel_loop3A_651 = arith.subf %parallel_loop3A_507, %parallel_loop3A_537 : vector<16xf32>
        %parallel_loop3A_652 = arith.mulf %parallel_loop3A_573, %get3A_17 : vector<16xf32>
        %parallel_loop3A_653 = arith.mulf %parallel_loop3A_651, %parallel_loop3A_652 : vector<16xf32>
        %parallel_loop3A_654 = arith.addf %parallel_loop3A_653, %get3A_33 : vector<16xf32>
        %parallel_loop3A_655 = arith.constant 0 : i32
        %parallel_loop3A_656 = arith.constant 0 : i32
        %parallel_loop3A_657 = tpu.memref_slice %arg10[%parallel_loop3A_434, %parallel_loop3A_655, %parallel_loop3A_656] : memref<2x128x128xf32, #tpu.memory_space<vmem>> -> memref<1x128x128xf32, #tpu.memory_space<vmem>>
        %parallel_loop3A_658 = tpu.memref_squeeze %parallel_loop3A_657 : memref<1x128x128xf32, #tpu.memory_space<vmem>> -> memref<128x128xf32, #tpu.memory_space<vmem>>
        %parallel_loop3A_659 = arith.index_cast %parallel_loop3A_451 : i32 to index
        %parallel_loop3A_660 = arith.constant 112 : index
        %parallel_loop3A_661 = tpu.vector_load %parallel_loop3A_658[%parallel_loop3A_659, %parallel_loop3A_660] {strides = array<i32>} : memref<128x128xf32, #tpu.memory_space<vmem>>, vector<16xf32>,
        tpu.vector_store %parallel_loop3A_658[%parallel_loop3A_659, %parallel_loop3A_660], %parallel_loop3A_654 {strides = array<i32>} : memref<128x128xf32, #tpu.memory_space<vmem>>, vector<16xf32>,
      } {sc.loop_unroll_factor = 1 : i64, sc.parallel_access}
      %mul3A_435 = arith.constant 128 : i32
      %mul3A_436 = arith.muli %add3A_390, %mul3A_435 : i32
      %add3A_437 = arith.addi %mul3A_2, %mul3A_436 : i32
      %dma_start3A_438 = arith.constant 1 : i32
      %dma_start3A_439 = arith.constant 0 : i32
      %dma_start3A_440 = arith.constant 0 : i32
      %dma_start3A_441 = tpu.memref_slice %arg10[%dma_start3A_438, %dma_start3A_439, %dma_start3A_440] : memref<2x128x128xf32, #tpu.memory_space<vmem>> -> memref<1x128x128xf32, #tpu.memory_space<vmem>>
      %dma_start3A_442 = tpu.memref_squeeze %dma_start3A_441 : memref<1x128x128xf32, #tpu.memory_space<vmem>> -> memref<128x128xf32, #tpu.memory_space<vmem>>
      %dma_start3A_443 = arith.constant 0 : i32
      %dma_start3A_444 = tpu.memref_slice %arg7[%add3A_437, %dma_start3A_443] : memref<819200x128xf32, #tpu.memory_space<hbm>> -> memref<128x128xf32, #tpu.memory_space<hbm>>
      %dma_start3A_445 = arith.constant 0 : i32
      %dma_start3A_446 = tpu.memref_slice %arg7[%add3A_437, %dma_start3A_445] : memref<819200x128xf32, #tpu.memory_space<hbm>> -> memref<128x128xf32, #tpu.memory_space<hbm>>
      %dma_start3A_447 = arith.constant 0 : i32
      %dma_start3A_448 = arith.constant 0 : i32
      %dma_start3A_449 = tpu.memref_slice %arg10[%dma_start3A_438, %dma_start3A_447, %dma_start3A_448] : memref<2x128x128xf32, #tpu.memory_space<vmem>> -> memref<1x128x128xf32, #tpu.memory_space<vmem>>
      %dma_start3A_450 = tpu.memref_squeeze %dma_start3A_449 : memref<1x128x128xf32, #tpu.memory_space<vmem>> -> memref<128x128xf32, #tpu.memory_space<vmem>>
      tpu.enqueue_dma source(%dma_start3A_450 : memref<128x128xf32, #tpu.memory_space<vmem>>) target(%dma_start3A_446 : memref<128x128xf32, #tpu.memory_space<hbm>>) target_semaphore(%arg22 : memref<!tpu.dma_semaphore, #tpu.memory_space<semaphore_mem>>)
    }
    %scan3A_91 = arith.constant 50 : i32
    %add3A_92 = arith.constant 25344 : i32
    %add3A_93 = arith.addi %mul3A_2, %add3A_92 : i32
    %dma_wait3A_94 = arith.constant 0 : i32
    %dma_wait3A_95 = arith.constant 0 : i32
    %dma_wait3A_96 = arith.constant 0 : i32
    %dma_wait3A_97 = tpu.memref_slice %arg10[%dma_wait3A_94, %dma_wait3A_95, %dma_wait3A_96] : memref<2x128x128xf32, #tpu.memory_space<vmem>> -> memref<1x128x128xf32, #tpu.memory_space<vmem>>
    %dma_wait3A_98 = tpu.memref_squeeze %dma_wait3A_97 : memref<1x128x128xf32, #tpu.memory_space<vmem>> -> memref<128x128xf32, #tpu.memory_space<vmem>>
    %dma_wait3A_99 = arith.constant 0 : i32
    %dma_wait3A_100 = tpu.memref_slice %arg7[%add3A_93, %dma_wait3A_99] : memref<819200x128xf32, #tpu.memory_space<hbm>> -> memref<128x128xf32, #tpu.memory_space<hbm>>
    %dma_wait3A_101 = arith.constant 0 : i32
    %dma_wait3A_102 = tpu.memref_slice %arg7[%add3A_93, %dma_wait3A_101] : memref<819200x128xf32, #tpu.memory_space<hbm>> -> memref<128x128xf32, #tpu.memory_space<hbm>>
    %dma_wait3A_103 = arith.constant 0 : i32
    %dma_wait3A_104 = arith.constant 0 : i32
    %dma_wait3A_105 = tpu.memref_slice %arg10[%dma_wait3A_94, %dma_wait3A_103, %dma_wait3A_104] : memref<2x128x128xf32, #tpu.memory_space<vmem>> -> memref<1x128x128xf32, #tpu.memory_space<vmem>>
    %dma_wait3A_106 = tpu.memref_squeeze %dma_wait3A_105 : memref<1x128x128xf32, #tpu.memory_space<vmem>> -> memref<128x128xf32, #tpu.memory_space<vmem>>
    tpu.wait_dma2 semaphore(%arg21 : memref<!tpu.dma_semaphore, #tpu.memory_space<semaphore_mem>>) src(%dma_wait3A_106 : memref<128x128xf32, #tpu.memory_space<vmem>>) dst(%dma_wait3A_102 : memref<128x128xf32, #tpu.memory_space<hbm>>)
    %add3A_107 = arith.constant 25472 : i32
    %add3A_108 = arith.addi %mul3A_2, %add3A_107 : i32
    %dma_wait3A_109 = arith.constant 1 : i32
    %dma_wait3A_110 = arith.constant 0 : i32
    %dma_wait3A_111 = arith.constant 0 : i32
    %dma_wait3A_112 = tpu.memref_slice %arg10[%dma_wait3A_109, %dma_wait3A_110, %dma_wait3A_111] : memref<2x128x128xf32, #tpu.memory_space<vmem>> -> memref<1x128x128xf32, #tpu.memory_space<vmem>>
    %dma_wait3A_113 = tpu.memref_squeeze %dma_wait3A_112 : memref<1x128x128xf32, #tpu.memory_space<vmem>> -> memref<128x128xf32, #tpu.memory_space<vmem>>
    %dma_wait3A_114 = arith.constant 0 : i32
    %dma_wait3A_115 = tpu.memref_slice %arg7[%add3A_108, %dma_wait3A_114] : memref<819200x128xf32, #tpu.memory_space<hbm>> -> memref<128x128xf32, #tpu.memory_space<hbm>>
    %dma_wait3A_116 = arith.constant 0 : i32
    %dma_wait3A_117 = tpu.memref_slice %arg7[%add3A_108, %dma_wait3A_116] : memref<819200x128xf32, #tpu.memory_space<hbm>> -> memref<128x128xf32, #tpu.memory_space<hbm>>
    %dma_wait3A_118 = arith.constant 0 : i32
    %dma_wait3A_119 = arith.constant 0 : i32
    %dma_wait3A_120 = tpu.memref_slice %arg10[%dma_wait3A_109, %dma_wait3A_118, %dma_wait3A_119] : memref<2x128x128xf32, #tpu.memory_space<vmem>> -> memref<1x128x128xf32, #tpu.memory_space<vmem>>
    %dma_wait3A_121 = tpu.memref_squeeze %dma_wait3A_120 : memref<1x128x128xf32, #tpu.memory_space<vmem>> -> memref<128x128xf32, #tpu.memory_space<vmem>>
    tpu.wait_dma2 semaphore(%arg22 : memref<!tpu.dma_semaphore, #tpu.memory_space<semaphore_mem>>) src(%dma_wait3A_121 : memref<128x128xf32, #tpu.memory_space<vmem>>) dst(%dma_wait3A_117 : memref<128x128xf32, #tpu.memory_space<hbm>>)
    return
  }
}

</mosaic_0001>

<sc_bundles>
// kernel: kernel.3.cloned.1.call-start
scs
__scs_entry_jumppad:
0x0: {  	(pc) =	sbr.rel $0x88, $3  }
0x1: {  	(tag) =	ssettag $0x0;
	lr =	simm.s32 $0x1  }
0x2: {  	[smem:$0x3F9C] =	sst lr;
	_ =	strace $0xD0000000  }
0x3: {  	_ = 	snop  }
0x4: {  	_ = 	snop  }
0x5: {  	_ = 	snop  }
0x6: {  	_ = 	snop  }
0x7: {  	_ = 	snop  }
__scs_overlays_trampoline_lowered:
0x8: {  	[smem:$0x3FAB] =	sst s0  }
0x9: {  	[smem:$0x3FAC] =	sst s1  }
0xa: {  	[smem:$0x3FAD] =	sst s2  }
0xb: {  	[smem:$0x3FAE] =	sst s3  }
0xc: {  	[smem:$0x3FAF] =	sst s4  }
0xd: {  	[smem:$0x3FB0] =	sst s5  }
0xe: {  	[smem:$0x3FB1] =	sst s6  }
0xf: {  	[smem:$0x3FB2] =	sst s7  }
0x10: {  	[smem:$0x3FB3] =	sst s8  }
0x11: {  	[smem:$0x3FB4] =	sst s9;
	s0 =	simm.s32 @!p0 $0x0  }
0x12: {  	s1 =	sld [smem:$0x3F9A];
	s0 =	simm.s32 @p0 $0x1  }
0x13: {  	[smem:$0x3FB5] =	sst s0;
	s0 =	simm.s32 @!p1 $0x0  }
0x14: {  	s2 =	sld [smem:$0x3F99];
	s0 =	simm.s32 @p1 $0x1  }
0x15: {  	[smem:$0x3FB6] =	sst s0;
	s0 =	simm.s32 @!p2 $0x0  }
0x16: {  	s3 =	sld [smem:$0x3FDB];
	s0 =	simm.s32 @p2 $0x1  }
0x17: {  	s4 =	simm.s32 $0x1BF5;
	[smem:$0x3FB8] =	sst s0  }
0x18: {  	s0 =	sld [smem:$0x3F9B];
	_ =	swait.ge [sflag:s4], $0x0  }
0x19: {  	s7 =	sld [smem:$0x3F9C]  }
0x1a: {  	s8 =	sadd.s32 $0xFFFFE003, lr  }
0x1b: {  	s9 =	sadd.s32 $0xFFFFFEF7, lr;
	s5 =	simm.s32 $0xFFFFFFFF;
	p2 =	slt.u32 s8, $0xFFFFF086  }
0x1c: {  	p1 =	slt.u32 s9, $0xF7A;
	s5 =	simm.s32 @!p2 $0x0  }
0x1d: {  	s5 =	simm.s32 @p1 $0x1;
	p0 =	seq.s32 s7, s2  }
0x1e: {  	s7 =	smul.u32 @!p0 $0xF7A, s2;
	p2 =	seq.s32 @!p0 s5, $0x0  }
0x1f: {  	s9 =	smul.u32 $0xF7A, s1;
	s8 =	simm.s32 @!p0 $0x1BF5;
	p2 =	por !p2, p0  }
0x20: {  	[sflag:s8] =	ssyncset.s32 @!p0 $0xFFFFF086;
	s6 =	sadd.s32 @!p0 s3, s7;
	s7 =	simm.s32 @!p0 $0x108  }
0x21: {  	s3 =	sadd.s32 s3, s9;
	s6 =	sadd.s32 @!p0 $0x88, s6;
	s7 =	simm.s32 @p2 $0x1082  }
0x22: {  	[simem:s7], [sflag:s8] =	dma.local @!p0 [hbm:s6], $0xF7A  }
0x23: {  	s9 =	sor.u32 $0xD0000000, s2;
	s6 =	simm.s32 $0x108;
	_ =	swait.ge @!p0 [sflag:s8], $0x0  }
0x24: {  	s3 =	sadd.s32 $0x88, s3;
	s6 =	simm.s32 @!p1 $0x1082;
	[sflag:s4] =	ssyncset.s32 $0xFFFFF086  }
0x25: {  	[simem:s6], [sflag:s4] =	dma.local [hbm:s3], $0xF7A  }
0x26: {  	[smem:$0x3F9C] =	sst s1;
	(tag) =	ssettag s2;
	_ =	strace s9  }
0x27: {  	s1 =	sld [smem:$0x3FAC]  }
0x28: {  	s2 =	sld [smem:$0x3FAD]  }
0x29: {  	s4 =	sld [smem:$0x3FAF]  }
0x2a: {  	p0 =	seq.s32 s5, $0x0;
	s5 =	sld [smem:$0x3FB0]  }
0x2b: {  	s6 =	sld [smem:$0x3FB1]  }
0x2c: {  	s7 =	sld [smem:$0x3FB2]  }
0x2d: {  	s3 =	simm.s32 $0x108;
	s8 =	sld [smem:$0x3FB3]  }
0x2e: {  	s3 =	simm.s32 @!p0 $0x1082;
	s9 =	sld [smem:$0x3FB4]  }
0x2f: {  	lr =	sadd.s32 s0, s3;
	s0 =	sld [smem:$0x3FAB]  }
0x30: {  	s3 =	sld [smem:$0x3FAE]  }
0x31: {  	[smem:$0x3FB7] =	sst s10  }
0x32: {  	s10 =	sld [smem:$0x3FB5];
	_ =	sdelay $0x3  }
0x33: {  	p0 =	seq.s32 s10, $0x1;
	s10 =	sld [smem:$0x3FB7];
	_ =	sdelay $0x3  }
0x34: {  	[smem:$0x3FB7] =	sst s10  }
0x35: {  	s10 =	sld [smem:$0x3FB6];
	_ =	sdelay $0x3  }
0x36: {  	p1 =	seq.s32 s10, $0x1;
	s10 =	sld [smem:$0x3FB7];
	_ =	sdelay $0x3  }
0x37: {  	[smem:$0x3FB7] =	sst s10  }
0x38: {  	s10 =	sld [smem:$0x3FB8]  }
0x39: {  	_ = 	snop;
	(pc) =	sbr.ind lr, $3  }
0x3a: {  	_ = 	snop  }
0x3b: {  	_ = 	snop  }
0x3c: {  	p2 =	seq.s32 s10, $0x1;
	s10 =	sld [smem:$0x3FB7]  }
0x3d: {  	_ =	shalt  }
0x3e: {  	_ =	shalt  }
0x3f: {  	_ =	shalt  }
0x40: {  	_ =	shalt  }
0x41: {  	_ =	shalt  }
0x42: {  	_ =	shalt  }
0x43: {  	_ =	shalt  }
0x44: {  	_ =	shalt  }
0x45: {  	_ =	shalt  }
0x46: {  	_ =	shalt  }
0x47: {  	_ =	shalt  }
0x48: {  	_ =	shalt  }
0x49: {  	_ =	shalt  }
0x4a: {  	_ =	shalt  }
0x4b: {  	_ =	shalt  }
0x4c: {  	_ =	shalt  }
0x4d: {  	_ =	shalt  }
0x4e: {  	_ =	shalt  }
0x4f: {  	_ =	shalt  }
0x50: {  	_ =	shalt  }
0x51: {  	_ =	shalt  }
0x52: {  	_ =	shalt  }
0x53: {  	_ =	shalt  }
0x54: {  	_ =	shalt  }
0x55: {  	_ =	shalt  }
0x56: {  	_ =	shalt  }
0x57: {  	_ =	shalt  }
0x58: {  	_ =	shalt  }
0x59: {  	_ =	shalt  }
0x5a: {  	_ =	shalt  }
0x5b: {  	_ =	shalt  }
0x5c: {  	_ =	shalt  }
0x5d: {  	_ =	shalt  }
0x5e: {  	_ =	shalt  }
0x5f: {  	_ =	shalt  }
0x60: {  	_ =	shalt  }
0x61: {  	_ =	shalt  }
0x62: {  	_ =	shalt  }
0x63: {  	_ =	shalt  }
0x64: {  	_ =	shalt  }
0x65: {  	_ =	shalt  }
0x66: {  	_ =	shalt  }
0x67: {  	_ =	shalt  }
0x68: {  	_ =	shalt  }
0x69: {  	_ =	shalt  }
0x6a: {  	_ =	shalt  }
0x6b: {  	_ =	shalt  }
0x6c: {  	_ =	shalt  }
0x6d: {  	_ =	shalt  }
0x6e: {  	_ =	shalt  }
0x6f: {  	_ =	shalt  }
0x70: {  	_ =	shalt  }
0x71: {  	_ =	shalt  }
0x72: {  	_ =	shalt  }
0x73: {  	_ =	shalt  }
0x74: {  	_ =	shalt  }
0x75: {  	_ =	shalt  }
0x76: {  	_ =	shalt  }
0x77: {  	_ =	shalt  }
0x78: {  	_ =	shalt  }
0x79: {  	_ =	shalt  }
0x7a: {  	_ =	shalt  }
0x7b: {  	_ =	shalt  }
0x7c: {  	_ =	shalt  }
0x7d: {  	_ =	shalt  }
0x7e: {  	_ =	shalt  }
0x7f: {  	_ =	shalt  }
0x80: {  	_ =	shalt  }
0x81: {  	_ =	shalt  }
0x82: {  	_ =	shalt  }
0x83: {  	_ =	shalt  }
0x84: {  	_ =	shalt  }
0x85: {  	_ =	shalt  }
0x86: {  	_ =	shalt  }
0x87: {  	_ =	shalt  }
.Lfunc_end0:
.L_simem_size_0:
called_computation_lowered:
.L_overlay_start_0:
0x88: {  	s2 =	sld [smem:$0x3FD9]  }
0x89: {  	s3 =	sld [smem:$0x3FFE];
	_ =	sdelay $0x1  }
0x8a: {  	s1 =	srdreg.scid  }
0x8b: {  	s0 =	sand.u32 $0x1, s1  }
0x8c: {  	s17 =	sshll.u32 s0, $0xA;
	s2 =	sadd.s32 s3, s2  }
0x8d: {  	s2 =	sadd.s32 s2, s17  }
0x8e: {  	[smem:$0x3FC3] =	sst s2  }
0x8f: {  	_ = 	snop  }
0x90: {  	s2 =	sld [smem:$0x3FC9]  }
0x91: {  	s18 =	sld [smem:$0x3FC7]  }
0x92: {  	s4 =	sld [smem:$0x3FC6]  }
0x93: {  	s5 =	sld [smem:$0x3FC5]  }
0x94: {  	s6 =	sld [smem:$0x3FD0];
	(tm) =	ssettm $0x1  }
0x95: {  	s7 =	sld [smem:$0x3FFB];
	_ =	sdelay $0x3  }
0x96: {  	_ =	strace s7  }
0x97: {  	s7 =	sld [smem:$0x3FFC];
	_ =	sdelay $0x3  }
0x98: {  	_ =	strace s7  }
0x99: {  	s7 =	sld [smem:$0x3FFD];
	_ =	sdelay $0x3  }
0x9a: {  	_ =	strace s7  }
0x9b: {  	_ =	strace $0x8FFFFFFF  }
0x9c: {  	s19 =	sld [smem:$0x3FDB];
	_ =	sdelay $0x1  }
0x9d: {  	s8 =	simm.s32 $_scs_section_size  }
0x9e: {  	s9 =	simm.s32 $_size__tile_overlayer_lowered;
	s10 =	simm.s32 $_tile_overlayer_lowered  }
0x9f: {  	s22 =	simm.s32 $0x1BFF;
	s21 =	sshll.u32 s10, $0x1;
	s7 =	sadd.s32 s8, s19  }
0xa0: {  	s11 =	simm.s32 $0x0;
	s20 =	sshll.u32 s9, $0x1;
	s9 =	sadd.s32 s21, s7  }
0xa1: {  	[timem:s11], [sflag:s22] =	dma.local [hbm:s9], s20  }
0xa2: {  	_ =	swait.ge [sflag:s22], s20  }
0xa3: {  	s8 =	ssub.s32 $0x0, s20;
	[sflag:s22] =	ssyncset.done $0x0  }
0xa4: {  	[sflag:s22] =	ssyncadd.s32 s8;
	_ =	sdelay $0x1  }
0xa5: {  	s23 =	simm.s32 $0x1B8B  }
0xa6: {  	_ =	swait.ge [sflag:s23], $0x1  }
0xa7: {  	[sflag:s23] =	ssyncset.done $0x0  }
0xa8: {  	s25 =	simm.s32 $0x1B8E;
	s24 =	sld [smem:$0x3FFE];
	[sflag:s23] =	ssyncadd.s32 $0xFFFFFFFF  }
0xa9: {  	s26 =	simm.s32 $execute0_lowered;
	[smem:$0x3FD2] =	sst s25  }
0xaa: {  	s9 =	sshll.u32 s26, $0x1;
	_ =	strace $0x80000046;
	[dreg:$0x1] =	wrdreg $0xFFFFFFFF  }
0xab: {  	s28 =	simm.s32 $_size_execute0_lowered;
	s7 =	sadd.s32 s7, s9;
	[dreg:$0x0] =	wrdreg $0x0  }
0xac: {  	s9 =	sshll.u32 s28, $0x1;
	[dreg:$0x2] =	wrdreg s7  }
0xad: {  	[dreg:$0x3] =	wrdreg s9  }
0xae: {  	[dreg:$0x4] =	wrdreg $0xC0  }
0xaf: {  	_ =	task [dreg:s11], $0x5FFFF  }
0xb0: {  	[dreg:$0x1] =	wrdreg $0xFFFFFFFF  }
0xb1: {  	[dreg:$0x0] =	wrdreg $0x60  }
0xb2: {  	[dreg:$0x2] =	wrdreg s2  }
0xb3: {  	[dreg:$0x3] =	wrdreg s24  }
0xb4: {  	[dreg:$0x4] =	wrdreg s18  }
0xb5: {  	[dreg:$0x5] =	wrdreg s4  }
0xb6: {  	[dreg:$0x6] =	wrdreg s5  }
0xb7: {  	[dreg:$0x7] =	wrdreg s6  }
0xb8: {  	[dreg:$0x8] =	wrdreg $0x9  }
0xb9: {  	_ =	task.clear_ibuf [dreg:s11], $0x9FFFF;
	_ =	strace $0x90000046  }
0xba: {  	s29 =	simm.s32 $0x9;
	_ =	strace $0x80000048  }
0xbb: {  	_ =	swait.ge [sflag:s29], $0x1  }
0xbc: {  	[sflag:s29] =	ssyncadd.s32 $0xFFFFFFFF  }
0xbd: {  	_ =	strace $0x90000048  }
0xbe: {  	_ =	sfence  }
0xbf: {  	s30 =	sld [smem:$0x0];
	_ =	sdelay $0x2  }
0xc0: {  	s31 =	sshll.u32 s1, $0xD;
	s1 =	sshrl.u32 s1, $0x2  }
0xc1: {  	s3 =	sand.u32 $0x4000, s31;
	s1 =	sadd.s32 s1, s30  }
0xc2: {  	s0 =	sor.u32 s3, s0;
	s1 =	sshll.u32 s1, $0x11  }
0xc3: {  	s0 =	sor.u32 s1, s0  }
0xc4: {  	s0 =	sadd.s32 $0x8F2B, s0  }
0xc5: {  	[sflag:s0] =	ssyncadd.remote.s32 $0x1  }
0xc6: {  	_ =	sfence.sel $0xFFFF  }
0xc7: {  	[dreg:$0x0] =	wrdreg $0xFFFFFFFF;
	(pc) =	sbr.abs _section_cstart, $3  }
0xc8: {  	[dreg:$0x1] =	wrdreg $0xFFFFFFFF  }
0xc9: {  	_ =	task.clear_ibuf [dreg:s11], $0x2FFFF;
	_ =	strace $0x9FFFFFFF  }
0xca: {  	(tm) =	ssettm $0x7FFFFFFF  }
0xcb: {  	_ =	shalt  }
tec
execute0_lowered:
.L_overlay_start_1:
0x0: {  	(tag) =	ssettag $0x1  }
0x1: {  	s0 =	rddreg [dreg:$0x0]  }
0x2: {  	s1 =	rddreg [dreg:$0x1]  }
0x3: {  	s2 =	rddreg [dreg:$0x2]  }
0x4: {  	s3 =	srdreg.scid;
	s4 =	stileid.u32  }
0x5: {  	s6 =	rddreg [dreg:$0x5];
	s7 =	simm.s32 $0x0;
	s22 =	simm.s32 $0x80  }
0x6: {  	s28 =	simm.s32 $0x3;
	s3 =	sand.u32 $0x1, s3;
	s4 =	sshll.u32 s4, $0x1  }
0x7: {  	s29 =	simm.s32 $0x12400;
	s30 =	simm.s32 $0x6;
	s4 =	sor.u32 s3, s4  }
0x8: {  	s31 =	simm.s32 $0x1A400;
	s16 =	simm.s32 $0x8;
	s8 =	smul.u32 $0x6400, s4  }
0x9: {  	[smem:$0x7FF] =	sst s7;
	s3 =	ssub.s32 $0x2, s3;
	s5 =	smul.u32 $0x64000, s4  }
0xa: {  	_ =	strace $0x80000047;
	s10 =	sshrl.u32 s3, $0x1;
	s24 =	smul.u32 $0x320000, s4  }
0xb: {  	s4 =	simm.s32 $0x4;
	s3 =	ssub.s32 s3, s10;
	s10 =	simm.s32 $0x0  }
0xc: {  	s9 =	sshrl.u32 s8, $0x3;
	s5 =	sadd.s32 s0, s5;
	[dreg:$0xa] =	wrdreg s24  }
0xd: {  	s25 =	sor.u32 $0x200, s8;
	s14 =	sor.u32 $0x280, s8;
	s26 =	smax.u32 s3, $0x1  }
0xe: {  	s24 =	simm.s32 $0xE400;
	s3 =	simm.s32 $0x7;
	[dreg:$0x7] =	wrdreg s5  }
0xf: {  	s1 =	sadd.s32 s9, s1;
	s23 =	sadd.s32 $0x800, s5;
	[dreg:$0xb] =	wrdreg s25  }
0x10: {  	[dreg:$0xc] =	wrdreg s26;
	s25 =	simm.s32 $0x5;
	s26 =	simm.s32 $0x16400  }
0x11: {  	s5 =	simm.s32 $0xA;
	s1 =	sadd.s32 $0x400, s1;
	[dreg:$0x9] =	wrdreg s23  }
0x12: {  	s23 =	simm.s32 $0x2;
	[dreg:$0x8] =	wrdreg s1;
	s1 =	simm.s32 $0x9  }
.LBB2_1:
0x13: {  	[dreg:$0xd] =	wrdreg s10  }
0x14: {  	s9 =	rddreg [dreg:$0x3];
	s11 =	simm.s32 $0x1E400;
	s12 =	simm.s32 $0xB  }
0x15: {  	[tilespmem:s11], [sflag:$0xB] =	stream.linear.gather [hbm4b:s9+s7], $0x80, $0x38;
	[tilespmem:$0x1E500] =	vst v63  }
0x16: {  	_ =	swait.ge [sflag:s12], $0x80  }
0x17: {  	[sflag:s12] =	ssyncset.done $0x0  }
0x18: {  	[sflag:s12] =	ssyncadd.s32 $0xFFFFFF80  }
0x19: {  	s11 =	simm.s32 $0x1E480;
	s13 =	rddreg [dreg:$0x4]  }
0x1a: {  	[tilespmem:s11], [sflag:$0xB] =	stream.linear.gather [hbm4b:s13+s7], $0x80, $0x38;
	[tilespmem:$0x1E500] =	vst v63  }
0x1b: {  	_ =	swait.ge [sflag:s12], $0x80  }
0x1c: {  	[sflag:s12] =	ssyncset.done $0x0  }
0x1d: {  	s15 =	rddreg [dreg:$0x8];
	[sflag:s12] =	ssyncadd.s32 $0xFFFFFF80  }
0x1e: {  	[tilespmem:s7], [sflag:$0xB] =	stream.linear.gather [hbm4b:s15+s7], $0x6400, $0x38;
	[tilespmem:$0x1E500] =	vst v63  }
0x1f: {  	_ =	swait.ge [sflag:s12], $0x6400  }
0x20: {  	[sflag:s12] =	ssyncset.done $0x0  }
0x21: {  	[sflag:s12] =	ssyncadd.s32 $0xFFFF9C00  }
0x22: {  	v0 =	vld [tilespmem:$0x1E400]  }
0x23: {  	v1 =	vld [tilespmem:$0x1E410]  }
0x24: {  	v2 =	vld [tilespmem:$0x1E420]  }
0x25: {  	v3 =	vld [tilespmem:$0x1E430]  }
0x26: {  	v4 =	vld [tilespmem:$0x1E440]  }
0x27: {  	v5 =	vld [tilespmem:$0x1E450]  }
0x28: {  	v6 =	vld [tilespmem:$0x1E460]  }
0x29: {  	v7 =	vld [tilespmem:$0x1E470]  }
0x2a: {  	v8 =	vld [tilespmem:$0x1E480]  }
0x2b: {  	v9 =	vld [tilespmem:$0x1E490]  }
0x2c: {  	v10 =	vld [tilespmem:$0x1E4A0]  }
0x2d: {  	v11 =	vld [tilespmem:$0x1E4B0]  }
0x2e: {  	v12 =	vld [tilespmem:$0x1E4C0]  }
0x2f: {  	v13 =	vld [tilespmem:$0x1E4D0]  }
0x30: {  	s18 =	simm.s32 $0x6400;
	s17 =	rddreg [dreg:$0x7];
	v14 =	vld [tilespmem:$0x1E4E0]  }
0x31: {  	v15 =	vld [tilespmem:$0x1E4F0];
	[tilespmem:s18], [sflag:$0x1] =	stream.linear.gather [hbm4b:s17+s7], $0x4000, $0x38  }
0x32: {  	s20 =	simm.s32 $0xA400;
	s21 =	simm.s32 $0x1;
	s19 =	rddreg [dreg:$0x9]  }
0x33: {  	[tilespmem:s20], [sflag:$0x2] =	stream.linear.gather [hbm4b:s19+s7], $0x4000, $0x38;
	[tilespmem:$0x1E500] =	vst v63  }
0x34: {  	_ =	swait.ge [sflag:s21], $0x4000  }
0x35: {  	[sflag:s21] =	ssyncset.done $0x0  }
0x36: {  	s19 =	simm.s32 $0x0;
	[sflag:s21] =	ssyncadd.s32 $0xFFFFC000  }
0x37: {  	[tilespmem:s18], [sflag:$0x5] =	stream.indirect.gather.add.f32 [hbm:s2], $0x80, s7, s22, $0xb8;
	[tilespmem:$0x1E500] =	vst v63  }
.LBB2_2:
0x38: {  	_ =	swait.ge [sflag:s23], $0x4000  }
0x39: {  	s10 =	sshll.u32 s19, $0x9;
	[sflag:s23] =	ssyncset.done $0x0  }
0x3a: {  	s11 =	simm.s32 $0xA400;
	s9 =	sor.u32 $0x80, s10;
	[sflag:s23] =	ssyncadd.s32 $0xFFFFC000  }
0x3b: {  	[tilespmem:s11], [sflag:$0x6] =	stream.indirect.gather.add.f32 [hbm:s2], $0x80, s9, s22, $0xb8;
	[tilespmem:$0x1E500] =	vst v63  }
0x3c: {  	s11 =	sor.u32 $0x100, s10  }
0x3d: {  	s12 =	sadd.s32 s8, s11  }
0x3e: {  	s15 =	sshll.u32 s12, $0x4  }
0x3f: {  	p0 =	seq.s32 s19, $0x0;
	s12 =	sadd.s32 s0, s15  }
0x40: {  	[tilespmem:s24], [sflag:$0x3] =	stream.linear.gather [hbm4b:s12+s7], $0x4000, $0x38;
	[tilespmem:$0x1E500] =	vst v63  }
0x41: {  	s12 =	simm.s32 @!p0 $0x9  }
0x42: {  	_ =	swait.ge @!p0 [sflag:s12], $0x4000  }
0x43: {  	[sflag:s12] =	ssyncset.done @!p0 $0x0  }
0x44: {  	[sflag:s12] =	ssyncadd.s32 @!p0 $0xFFFFC000  }
0x45: {  	_ =	swait.ge [sflag:s25], $0x4000  }
0x46: {  	[sflag:s25] =	ssyncset.done $0x0  }
0x47: {  	s21 =	simm.s32 $0x0;
	[sflag:s25] =	ssyncadd.s32 $0xFFFFC000  }
0x48: {  	v38 =	vld [tilespmem:s21+$0x6400]  }
0x49: {  	v37 =	vld [tilespmem:s21+$0x6410]  }
0x4a: {  	v36 =	vld [tilespmem:s21+$0x6420]  }
0x4b: {  	v34 =	vld [tilespmem:s21+$0x6430]  }
0x4c: {  	v30 =	vld [tilespmem:s21+$0x6440]  }
0x4d: {  	v32 =	vld [tilespmem:s21+$0x6450]  }
0x4e: {  	v29 =	vld [tilespmem:s21+$0x6460]  }
0x4f: {  	v39 =	vld [tilespmem:s21+$0x6470];
	_ =	sdelay $0x2  }
0x50: {  	v16 =	vmul.f32 v38, v38;
	v17 =	vmul.f32 v37, v37;
	v18 =	vadd.f32 v37, v38  }
0x51: {  	v19 =	vmul.f32 v36, v36;
	v20 =	vadd.f32 v34, v36;
	v21 =	vadd.f32 v32, v30  }
0x52: {  	v22 =	vmul.f32 v34, v34;
	v23 =	vmul.f32 v30, v30;
	v24 =	vadd.f32 v39, v29  }
0x53: {  	v25 =	vmul.f32 v32, v32;
	v26 =	vmul.f32 v29, v29  }
0x54: {  	v18 =	vadd.f32 v20, v18;
	v20 =	vadd.f32 v24, v21;
	v21 =	vmul.f32 v39, v39  }
0x55: {  	v16 =	vadd.f32 v17, v16;
	v17 =	vadd.f32 v22, v19  }
0x56: {  	v19 =	vadd.f32 v25, v23;
	v21 =	vadd.f32 v21, v26  }
0x57: {  	v18 =	vadd.f32 v20, v18  }
0x58: {  	v16 =	vadd.f32 v17, v16;
	v17 =	vadd.f32 v21, v19;
	_ =	sdelay $0x1  }
0x59: {  	(xrf2) =	vadd.scan.msk.f32 $0xffff, v18;
	v16 =	vadd.f32 v17, v16  }
0x5a: {  	s17 =	simm.s32 $0x80  }
0x5b: {  	v27 =	vld [tilespmem:s17+$0x6420];
	(xrf2) =	vadd.scan.msk.f32 $0xffff, v16  }
0x5c: {  	v28 =	vld [tilespmem:s17+$0x6430]  }
0x5d: {  	v31 =	vld [tilespmem:s17+$0x6440]  }
0x5e: {  	v35 =	vld [tilespmem:s17+$0x6470]  }
0x5f: {  	v25 =	vld [tilespmem:s17+$0x6400]  }
0x60: {  	v26 =	vld [tilespmem:s17+$0x6410]  }
0x61: {  	v19 =	vld [tilespmem:s17+$0x6450]  }
0x62: {  	v16 =	vld [tilespmem:s17+$0x6460]  }
0x63: {  	v41 =	vmul.f32 v31, v31;
	v17, _, _ =	vpop (xrf2)  }
0x64: {  	v56 =	vmul.f32 v35, v35;
	v23 =	vadd.f32 v28, v27;
	v40 =	vmul.f32 $7.812500000e-03, v17  }
0x65: {  	v24 =	vmul.f32 v27, v27;
	v21 =	vmul.f32 v26, v26;
	v22 =	vadd.f32 v26, v25;
	v18, _, _ =	vpop (xrf2)  }
0x66: {  	v33 =	vadd.f32 v19, v31;
	v20 =	vmul.f32 v40, v40;
	v18 =	vmul.f32 $7.812500000e-03, v18  }
0x67: {  	v43 =	vmul.f32 v19, v19;
	v42 =	vadd.f32 v35, v16;
	v17 =	vmul.f32 v25, v25  }
0x68: {  	v22 =	vadd.f32 v23, v22;
	v44 =	vmul.f32 v16, v16;
	v18 =	vsub.f32 v18, v20  }
0x69: {  	v23 =	vadd.f32 v42, v33;
	v17 =	vadd.f32 v21, v17;
	v20 =	vmul.f32 v28, v28  }
0x6a: {  	v21 =	vadd.f32 v43, v41;
	v18 =	vadd.f32 $9.999999740e-06, v18  }
0x6b: {  	v20 =	vadd.f32 v20, v24;
	v24 =	vadd.f32 v56, v44  }
0x6c: {  	v22 =	vadd.f32 v23, v22;
	v18 =	vbroadcast v18, $0xF  }
0x6d: {  	v17 =	vadd.f32 v20, v17;
	v20 =	vadd.f32 v24, v21  }
0x6e: {  	(xrf2) =	vadd.scan.msk.f32 $0xffff, v22;
	v23 =	vshra.s32 v18, $0x1;
	v18 =	vmul.f32 $5.000000000e-01, v18  }
0x6f: {  	v17 =	vadd.f32 v20, v17;
	v21 =	vsub.s32 $0x5F3759DF, v23  }
0x70: {  	v22 =	vmul.f32 v21, v18  }
0x71: {  	(xrf2) =	vadd.scan.msk.f32 $0xffff, v17  }
0x72: {  	s18 =	simm.s32 $0x100;
	v20 =	vmul.f32 v21, v22  }
0x73: {  	v24 =	vld [tilespmem:s18+$0x6400]  }
0x74: {  	v23 =	vld [tilespmem:s18+$0x6420];
	v17 =	vsub.f32 $1.500000000e+00, v20  }
0x75: {  	v40 =	vbroadcast v40, $0xF;
	v22 =	vld [tilespmem:s18+$0x6410]  }
0x76: {  	v20 =	vld [tilespmem:s18+$0x6430];
	v57 =	vmul.f32 v21, v17  }
0x77: {  	v33 =	vld [tilespmem:s18+$0x6470];
	v39 =	vsub.f32 v39, v40  }
0x78: {  	v38 =	vsub.f32 v38, v40;
	v58, _, _ =	vpop (xrf2);
	v60 =	vmul.f32 v24, v24;
	v21 =	vld [tilespmem:s18+$0x6440];
	v17 =	vmul.f32 v57, v18  }
0x79: {  	v37 =	vsub.f32 v37, v40;
	v52 =	vmul.f32 $7.812500000e-03, v58;
	v45 =	vmul.f32 v23, v23;
	v18 =	vld [tilespmem:s18+$0x6450]  }
0x7a: {  	v36 =	vsub.f32 v36, v40;
	v61 =	vmul.f32 v22, v22;
	v59 =	vmul.f32 v17, v57;
	v17 =	vld [tilespmem:s18+$0x6460]  }
0x7b: {  	v46 =	vadd.f32 v22, v24;
	v49 =	vadd.f32 v20, v23;
	v50 =	vmul.f32 v20, v20;
	v48, _, _ =	vpop (xrf2)  }
0x7c: {  	v47 =	vmul.f32 v52, v52;
	v43 =	vadd.f32 v61, v60;
	v48 =	vmul.f32 $7.812500000e-03, v48  }
0x7d: {  	v46 =	vadd.f32 v49, v46;
	v45 =	vadd.f32 v50, v45  }
0x7e: {  	v56 =	vmul.f32 v33, v33;
	v42 =	vsub.f32 $1.500000000e+00, v59;
	v47 =	vsub.f32 v48, v47  }
0x7f: {  	v51 =	vmul.f32 v21, v21;
	v62 =	vadd.f32 v18, v21;
	v53 =	vadd.f32 v33, v17  }
0x80: {  	v54 =	vmul.f32 v18, v18;
	v55 =	vmul.f32 v17, v17;
	v47 =	vadd.f32 $9.999999740e-06, v47  }
0x81: {  	v43 =	vadd.f32 v45, v43;
	v41 =	vmul.f32 v42, v57;
	v42 =	vadd.f32 v53, v62  }
0x82: {  	v57 =	vadd.f32 v54, v51;
	v47 =	vbroadcast v47, $0xF;
	v44 =	vadd.f32 v56, v55  }
0x83: {  	v63 =	vmul.f32 v41, v7;
	v58 =	vmul.f32 v41, v0;
	v42 =	vadd.f32 v42, v46  }
0x84: {  	v59 =	vshra.s32 v47, $0x1;
	v47 =	vmul.f32 $5.000000000e-01, v47;
	v44 =	vadd.f32 v44, v57  }
0x85: {  	v54 =	vmul.f32 v41, v3;
	v62 =	vmul.f32 v41, v1;
	v60 =	vsub.s32 $0x5F3759DF, v59;
	(xrf2) =	vadd.scan.msk.f32 $0xffff, v42  }
0x86: {  	v55 =	vmul.f32 v41, v4;
	v61 =	vmul.f32 v60, v47;
	v43 =	vadd.f32 v44, v43  }
0x87: {  	s20 =	simm.s32 $0x180;
	v30 =	vsub.f32 v30, v40;
	v56 =	vmul.f32 v41, v5;
	v39 =	vmul.f32 v63, v39  }
0x88: {  	v38 =	vmul.f32 v58, v38;
	v58 =	vsub.f32 v32, v40;
	v32 =	vld [tilespmem:s20+$0x6410];
	v42 =	vmul.f32 v60, v61;
	(xrf2) =	vadd.scan.msk.f32 $0xffff, v43  }
0x89: {  	v63 =	vmul.f32 v41, v2;
	v41 =	vmul.f32 v41, v6;
	v57 =	vsub.f32 v34, v40;
	v34 =	vld [tilespmem:s20+$0x6400]  }
0x8a: {  	v37 =	vmul.f32 v62, v37;
	v40 =	vsub.f32 v29, v40;
	v29 =	vld [tilespmem:s20+$0x6420];
	v42 =	vsub.f32 $1.500000000e+00, v42  }
0x8b: {  	v39 =	vadd.f32 v39, v15;
	v36 =	vmul.f32 v63, v36;
	v38 =	vadd.f32 v38, v8  }
0x8c: {  	v59 =	vmul.f32 v54, v57;
	v37 =	vadd.f32 v37, v9;
	v44 =	vmul.f32 v60, v42  }
0x8d: {  	v40 =	vmul.f32 v41, v40;
	[tilespmem:s21+$0x16470] =	vst v39;
	v36 =	vadd.f32 v36, v10;
	v43 =	vmul.f32 v56, v58  }
0x8e: {  	[tilespmem:s21+$0x16400] =	vst v38;
	v38 =	vld [tilespmem:s20+$0x6440];
	v49 =	vadd.f32 v59, v11;
	v60 =	vmul.f32 v55, v30;
	v61 =	vmul.f32 v44, v47  }
0x8f: {  	[tilespmem:s21+$0x16410] =	vst v37;
	v37 =	vld [tilespmem:s20+$0x6450];
	v45 =	vmul.f32 v34, v34;
	v46 =	vmul.f32 v29, v29;
	v50 =	vadd.f32 v32, v34;
	v62, _, _ =	vpop (xrf2)  }
0x90: {  	[tilespmem:s21+$0x16420] =	vst v36;
	v30 =	vld [tilespmem:s20+$0x6430];
	v63 =	vadd.f32 v60, v12;
	v39 =	vmul.f32 v61, v44;
	v41 =	vmul.f32 $7.812500000e-03, v62  }
0x91: {  	v36 =	vld [tilespmem:s20+$0x6460];
	[tilespmem:s21+$0x16430] =	vst v49;
	v42 =	vadd.f32 v43, v13;
	v43 =	vadd.f32 v40, v14;
	v40 =	vbroadcast v52, $0xF  }
0x92: {  	s9 =	sadd.s32 s8, s9;
	s12 =	simm.s32 $0x800;
	v47 =	vmul.f32 v32, v32;
	[tilespmem:s21+$0x16440] =	vst v63;
	v48 =	vsub.f32 $1.500000000e+00, v39;
	v39 =	vld [tilespmem:s20+$0x6470];
	v51, _, _ =	vpop (xrf2);
	v49 =	vmul.f32 v41, v41  }
.LBB2_3:
0x93: {  	v51 =	vmul.f32 $7.812500000e-03, v51;
	_ =	sdelay $0x1  }
0x94: {  	p1 =	sne.s32 s12, $0xFE00;
	v52 =	vadd.f32 v30, v29;
	v44 =	vmul.f32 v48, v44;
	[tilespmem:s21+$0x16450] =	vst v42;
	v53 =	vmov v38  }
0x95: {  	v48 =	vmul.f32 v30, v30;
	v42 =	vadd.f32 v37, v53;
	v38 =	vmul.f32 v38, v53;
	[tilespmem:s21+$0x16460] =	vst v43;
	s21 =	smov.u32 s17;
	s17 =	smov.u32 s18;
	s18 =	smov.u32 s20  }
0x96: {  	v35 =	vsub.f32 v35, v40;
	v43 =	vsub.f32 v51, v49;
	v49 =	vmul.f32 v44, v7;
	v51 =	vmovc v19  }
0x97: {  	v55 =	vmul.f32 v37, v37;
	v56 =	vmul.f32 v36, v36;
	v54 =	vadd.f32 v39, v36;
	v19 =	vmovc v18  }
0x98: {  	v50 =	vadd.f32 v52, v50;
	v43 =	vadd.f32 $9.999999740e-06, v43;
	v49 =	vmul.f32 v49, v35;
	v18 =	vmovc v37;
	v37 =	vmovc v16  }
0x99: {  	v45 =	vadd.f32 v47, v45;
	v47 =	vmul.f32 v39, v39;
	v16 =	vmovc v17;
	v42 =	vadd.f32 v54, v42  }
0x9a: {  	v46 =	vadd.f32 v48, v46;
	v17 =	vmovc v36;
	v52 =	vmovc v41;
	v43 =	vbroadcast v43, $0xF;
	v48 =	vadd.f32 v49, v15  }
0x9b: {  	v36 =	vadd.f32 v55, v38;
	v41 =	vmul.f32 v44, v0;
	v38 =	vadd.f32 v47, v56;
	v35 =	vmovc v33  }
0x9c: {  	v33 =	vmovc v39;
	v42 =	vadd.f32 v42, v50;
	v47 =	vshra.s32 v43, $0x1;
	v43 =	vmul.f32 $5.000000000e-01, v43;
	[tilespmem:s21+$0x16470] =	vst v48  }
0x9d: {  	v39 =	vadd.f32 v46, v45;
	v36 =	vadd.f32 v38, v36;
	v38 =	vsub.s32 $0x5F3759DF, v47  }
0x9e: {  	v45 =	vsub.f32 v25, v40;
	v46 =	vmul.f32 v44, v1;
	(xrf2) =	vadd.scan.msk.f32 $0xffff, v42;
	v42 =	vmul.f32 v38, v43  }
0x9f: {  	v25 =	vmovc v24;
	v36 =	vadd.f32 v36, v39;
	v39 =	vmul.f32 v44, v2;
	v47 =	vmul.f32 v44, v3  }
0xa0: {  	v24 =	vmovc v34;
	v49 =	vmul.f32 v44, v4;
	v48 =	vsub.f32 v26, v40;
	v42 =	vmul.f32 v38, v42  }
0xa1: {  	v54 =	vmul.f32 v44, v6;
	v50 =	vmul.f32 v44, v5;
	(xrf2) =	vadd.scan.msk.f32 $0xffff, v36;
	v36 =	vsub.f32 v27, v40  }
0xa2: {  	s20 =	sshra.s32 s12, $0x2;
	v55 =	vsub.f32 v28, v40;
	v41 =	vmul.f32 v41, v45;
	v26 =	vmovc v22;
	v22 =	vmovc v32;
	v42 =	vsub.f32 $1.500000000e+00, v42  }
0xa3: {  	v31 =	vsub.f32 v31, v40;
	v45 =	vmul.f32 v46, v48;
	v46 =	vsub.f32 v51, v40;
	v27 =	vmovc v23;
	v34 =	vld [tilespmem:s20+$0x6400]  }
0xa4: {  	v37 =	vsub.f32 v37, v40;
	v23 =	vmovc v29;
	v36 =	vmul.f32 v39, v36;
	v32 =	vld [tilespmem:s20+$0x6410];
	v44 =	vmul.f32 v38, v42  }
0xa5: {  	v28 =	vmovc v20;
	v31 =	vmul.f32 v49, v31;
	v40 =	vmul.f32 v47, v55;
	v39 =	vadd.f32 v41, v8;
	v29 =	vld [tilespmem:s20+$0x6420]  }
0xa6: {  	v20 =	vmovc v30;
	v42 =	vadd.f32 v45, v9;
	v41 =	vmul.f32 v44, v43;
	v43 =	vmul.f32 v50, v46;
	v30 =	vld [tilespmem:s20+$0x6430]  }
.Ltmp0:
0xa7: {  	v40 =	vadd.f32 v40, v11;
	v46 =	vmul.f32 v54, v37;
	v38 =	vld [tilespmem:s20+$0x6440];
	[tilespmem:s21+$0x16400] =	vst v39;
	v39 =	vadd.f32 v36, v10;
	(pc) =	sbr.rel @p1 .LBB2_3-.Ltmp0, $4  }
0xa8: {  	v54 =	vadd.f32 v31, v12;
	v37 =	vld [tilespmem:s20+$0x6450];
	v47, _, _ =	vpop (xrf2);
	v48 =	vmul.f32 v41, v44;
	[tilespmem:s21+$0x16410] =	vst v42;
	v42 =	vadd.f32 v43, v13  }
0xa9: {  	v31 =	vmovc v21;
	v45 =	vmul.f32 v34, v34;
	v43 =	vadd.f32 v46, v14;
	v36 =	vld [tilespmem:s20+$0x6460];
	v41 =	vmul.f32 $7.812500000e-03, v47;
	[tilespmem:s21+$0x16420] =	vst v39  }
0xaa: {  	v21 =	vmovc v53;
	v47 =	vmul.f32 v32, v32;
	v39 =	vld [tilespmem:s20+$0x6470];
	v46 =	vmul.f32 v29, v29;
	v48 =	vsub.f32 $1.500000000e+00, v48;
	[tilespmem:s21+$0x16430] =	vst v40  }
0xab: {  	s12 =	sadd.s32 $0x200, s12;
	v50 =	vadd.f32 v32, v34;
	v40 =	vbroadcast v52, $0xF;
	v49 =	vmul.f32 v41, v41;
	v51, _, _ =	vpop (xrf2);
	[tilespmem:s21+$0x16440] =	vst v54  }
0xac: {  	v52 =	vadd.f32 v30, v29  }
0xad: {  	v54 =	vmul.f32 v30, v30;
	v56 =	vmul.f32 v38, v38;
	v45 =	vadd.f32 v47, v45  }
0xae: {  	v53 =	vadd.f32 v37, v38;
	v57 =	vmul.f32 v37, v37;
	v50 =	vadd.f32 v52, v50  }
0xaf: {  	v59 =	vmul.f32 v36, v36;
	v55 =	vadd.f32 v39, v36;
	v60 =	vmul.f32 v39, v39  }
0xb0: {  	v46 =	vadd.f32 v54, v46;
	v61 =	vadd.f32 v57, v56  }
0xb1: {  	v53 =	vadd.f32 v55, v53;
	v52 =	vadd.f32 v60, v59  }
0xb2: {  	v45 =	vadd.f32 v46, v45  }
0xb3: {  	v50 =	vadd.f32 v53, v50;
	v62 =	vadd.f32 v52, v61;
	_ =	sdelay $0x1  }
0xb4: {  	v63 =	vmul.f32 $7.812500000e-03, v51;
	(xrf2) =	vadd.scan.msk.f32 $0xffff, v50;
	v45 =	vadd.f32 v62, v45;
	_ =	sdelay $0x1  }
0xb5: {  	v51 =	vsub.f32 v63, v49;
	(xrf2) =	vadd.scan.msk.f32 $0xffff, v45;
	_ =	sdelay $0x1  }
0xb6: {  	v52 =	vadd.f32 $9.999999740e-06, v51;
	_ =	sdelay $0x1  }
0xb7: {  	v45 =	vbroadcast v52, $0xF;
	_ =	sdelay $0x1  }
0xb8: {  	v44 =	vmul.f32 v48, v44;
	v53 =	vshra.s32 v45, $0x1;
	v45 =	vmul.f32 $5.000000000e-01, v45  }
0xb9: {  	v35 =	vsub.f32 v35, v40;
	v25 =	vsub.f32 v25, v40;
	v46 =	vsub.s32 $0x5F3759DF, v53  }
0xba: {  	v26 =	vsub.f32 v26, v40;
	v27 =	vsub.f32 v27, v40;
	v55 =	vmul.f32 v46, v45;
	v56, _, _ =	vpop (xrf2)  }
0xbb: {  	v28 =	vsub.f32 v28, v40;
	v54 =	vmul.f32 v44, v7;
	v49 =	vmul.f32 $7.812500000e-03, v56  }
0xbc: {  	v31 =	vsub.f32 v31, v40;
	v63 =	vmul.f32 v44, v3;
	v57 =	vmul.f32 v46, v55;
	v58, _, _ =	vpop (xrf2)  }
0xbd: {  	v19 =	vsub.f32 v19, v40;
	v59 =	vmul.f32 v49, v49;
	v48 =	vmul.f32 $7.812500000e-03, v58  }
0xbe: {  	v16 =	vsub.f32 v16, v40;
	v35 =	vmul.f32 v54, v35;
	v54 =	vmul.f32 v44, v4  }
0xbf: {  	v28 =	vmul.f32 v63, v28;
	v47 =	vsub.f32 $1.500000000e+00, v57;
	v48 =	vsub.f32 v48, v59  }
0xc0: {  	v60 =	vmul.f32 v44, v0;
	v35 =	vadd.f32 v35, v15;
	v31 =	vmul.f32 v54, v31  }
0xc1: {  	v61 =	vmul.f32 v44, v1;
	v46 =	vmul.f32 v46, v47;
	v57 =	vadd.f32 $9.999999740e-06, v48  }
0xc2: {  	v28 =	vadd.f32 v28, v11;
	v25 =	vmul.f32 v60, v25;
	v62 =	vmul.f32 v44, v2  }
0xc3: {  	v31 =	vadd.f32 v31, v12;
	v45 =	vmul.f32 v46, v45;
	v47 =	vbroadcast v57, $0xF  }
0xc4: {  	v26 =	vmul.f32 v61, v26;
	v61 =	vbroadcast v41, $0xF;
	v25 =	vadd.f32 v25, v8  }
0xc5: {  	v45 =	vmul.f32 v45, v46;
	v59 =	vshra.s32 v47, $0x1;
	v47 =	vmul.f32 $5.000000000e-01, v47  }
0xc6: {  	v27 =	vmul.f32 v62, v27;
	v26 =	vadd.f32 v26, v9;
	v51 =	vsub.s32 $0x5F3759DF, v59  }
0xc7: {  	v33 =	vsub.f32 v33, v61;
	v45 =	vsub.f32 $1.500000000e+00, v45;
	v60 =	vmul.f32 v51, v47  }
0xc8: {  	v27 =	vadd.f32 v27, v10;
	v58 =	vmul.f32 v44, v5;
	v44 =	vmul.f32 v44, v6  }
0xc9: {  	v24 =	vsub.f32 v24, v61;
	v62 =	vmul.f32 v45, v46;
	v63 =	vmul.f32 v51, v60  }
0xca: {  	v22 =	vsub.f32 v22, v61;
	[tilespmem:s17+$0x16420] =	vst v27;
	v27 =	vbroadcast v49, $0xF;
	v19 =	vmul.f32 v58, v19  }
0xcb: {  	v16 =	vmul.f32 v44, v16;
	v46 =	vmul.f32 v62, v7;
	v45 =	vsub.f32 $1.500000000e+00, v63  }
0xcc: {  	v23 =	vsub.f32 v23, v61;
	v52 =	vmul.f32 v62, v1;
	v54 =	vmul.f32 v62, v2  }
0xcd: {  	[tilespmem:s21+$0x16450] =	vst v42;
	v20 =	vsub.f32 v20, v61;
	v55 =	vmul.f32 v62, v3;
	v50 =	vmul.f32 v51, v45  }
0xce: {  	[tilespmem:s17+$0x16400] =	vst v25;
	v21 =	vsub.f32 v21, v61;
	v56 =	vmul.f32 v62, v4;
	v25 =	vmul.f32 v62, v5  }
0xcf: {  	[tilespmem:s21+$0x16460] =	vst v43;
	v18 =	vsub.f32 v18, v61;
	v41 =	vmul.f32 v62, v6;
	v53 =	vmul.f32 v50, v47  }
0xd0: {  	[tilespmem:s17+$0x16470] =	vst v35;
	v19 =	vadd.f32 v19, v13;
	v33 =	vmul.f32 v46, v33;
	v22 =	vmul.f32 v52, v22  }
0xd1: {  	[tilespmem:s17+$0x16430] =	vst v28;
	v17 =	vsub.f32 v17, v61;
	v23 =	vmul.f32 v54, v23;
	v46 =	vmul.f32 v53, v50  }
0xd2: {  	v16 =	vadd.f32 v16, v14;
	[tilespmem:s17+$0x16450] =	vst v19;
	v20 =	vmul.f32 v55, v20;
	v19 =	vmul.f32 v56, v21  }
0xd3: {  	[tilespmem:s17+$0x16410] =	vst v26;
	v21 =	vsub.f32 v39, v27;
	v51 =	vmul.f32 v62, v0;
	v26 =	vsub.f32 $1.500000000e+00, v46  }
0xd4: {  	[tilespmem:s17+$0x16460] =	vst v16;
	v18 =	vmul.f32 v25, v18;
	v33 =	vadd.f32 v33, v15;
	v16 =	vadd.f32 v22, v9  }
0xd5: {  	[tilespmem:s17+$0x16440] =	vst v31;
	v22 =	vadd.f32 v23, v10;
	v24 =	vmul.f32 v51, v24;
	v26 =	vmul.f32 v26, v50  }
0xd6: {  	v17 =	vmul.f32 v41, v17;
	v20 =	vadd.f32 v20, v11;
	v19 =	vadd.f32 v19, v12;
	[tilespmem:s18+$0x16410] =	vst v16  }
0xd7: {  	v18 =	vadd.f32 v18, v13;
	[tilespmem:s18+$0x16420] =	vst v22;
	v24 =	vadd.f32 v24, v8;
	v28 =	vmul.f32 v26, v7  }
0xd8: {  	v16 =	vadd.f32 v17, v14;
	v22 =	vsub.f32 v34, v27;
	[tilespmem:s18+$0x16440] =	vst v19  }
0xd9: {  	v19 =	vsub.f32 v29, v27;
	[tilespmem:s18+$0x16400] =	vst v24;
	v24 =	vmul.f32 v26, v2;
	v21 =	vmul.f32 v28, v21  }
0xda: {  	[tilespmem:s18+$0x16460] =	vst v16;
	v16 =	vsub.f32 v38, v27;
	v23 =	vmul.f32 v26, v1;
	v28 =	vmul.f32 v26, v4  }
0xdb: {  	[tilespmem:s18+$0x16470] =	vst v33;
	v19 =	vmul.f32 v24, v19;
	v17 =	vadd.f32 v21, v15;
	v21 =	vmul.f32 v26, v0  }
0xdc: {  	v25 =	vsub.f32 v32, v27;
	[tilespmem:s18+$0x16430] =	vst v20;
	v20 =	vmul.f32 v26, v3;
	v16 =	vmul.f32 v28, v16  }
0xdd: {  	[tilespmem:s18+$0x16450] =	vst v18;
	v19 =	vadd.f32 v19, v10;
	v21 =	vmul.f32 v21, v22;
	v22 =	vsub.f32 v30, v27  }
0xde: {  	v23 =	vmul.f32 v23, v25;
	[tilespmem:s20+$0x16470] =	vst v17;
	v16 =	vadd.f32 v16, v12  }
0xdf: {  	[tilespmem:s20+$0x16420] =	vst v19;
	v21 =	vadd.f32 v21, v8;
	v20 =	vmul.f32 v20, v22  }
0xe0: {  	v29 =	vmul.f32 v26, v5;
	v17 =	vsub.f32 v37, v27;
	v22 =	vadd.f32 v23, v9;
	[tilespmem:s20+$0x16440] =	vst v16  }
0xe1: {  	v18 =	vmul.f32 v26, v6;
	v23 =	vsub.f32 v36, v27;
	[tilespmem:s20+$0x16400] =	vst v21;
	v20 =	vadd.f32 v20, v11  }
0xe2: {  	v17 =	vmul.f32 v29, v17;
	[tilespmem:s20+$0x16410] =	vst v22  }
0xe3: {  	v18 =	vmul.f32 v18, v23;
	[tilespmem:s20+$0x16430] =	vst v20  }
0xe4: {  	s12 =	sshll.u32 s19, $0x10;
	v17 =	vadd.f32 v17, v13;
	s13 =	rddreg [dreg:$0xa]  }
0xe5: {  	v18 =	vadd.f32 v18, v14;
	s12 =	sadd.s32 s13, s12  }
0xe6: {  	[tilespmem:s20+$0x16450] =	vst v17;
	s12 =	sshrl.u32 s12, $0x3  }
0xe7: {  	[tilespmem:s20+$0x16460] =	vst v18;
	s12 =	sadd.s32 s6, s12  }
0xe8: {  	[hbm4b:s12+s7] =	stream.linear.scatter [tilespmem:s26], [sflag:$0x9], $0x4000, $0x38;
	[tilespmem:$0x1E500] =	vst v63  }
0xe9: {  	_ =	swait.ge [sflag:s28], $0x4000  }
0xea: {  	s21 =	sor.u32 $0x180, s10;
	[sflag:s28] =	ssyncset.done $0x0  }
0xeb: {  	s18 =	sadd.s32 s8, s21;
	[sflag:s28] =	ssyncadd.s32 $0xFFFFC000  }
0xec: {  	[tilespmem:s24], [sflag:$0x7] =	stream.indirect.gather.add.f32 [hbm:s2], $0x80, s11, s22, $0xb8;
	[tilespmem:$0x1E500] =	vst v63  }
0xed: {  	s11 =	sshll.u32 s18, $0x4  }
0xee: {  	s12 =	simm.s32 @!p0 $0xA;
	s20 =	sadd.s32 s0, s11  }
0xef: {  	[tilespmem:s29], [sflag:$0x4] =	stream.linear.gather [hbm4b:s20+s7], $0x4000, $0x38;
	[tilespmem:$0x1E500] =	vst v63  }
0xf0: {  	_ =	swait.ge @!p0 [sflag:s12], $0x4000  }
0xf1: {  	[sflag:s12] =	ssyncset.done @!p0 $0x0  }
0xf2: {  	[sflag:s12] =	ssyncadd.s32 @!p0 $0xFFFFC000  }
0xf3: {  	_ =	swait.ge [sflag:s30], $0x4000  }
0xf4: {  	[sflag:s30] =	ssyncset.done $0x0  }
0xf5: {  	s17 =	simm.s32 $0x0;
	[sflag:s30] =	ssyncadd.s32 $0xFFFFC000  }
0xf6: {  	v38 =	vld [tilespmem:s17+$0xA400]  }
0xf7: {  	v37 =	vld [tilespmem:s17+$0xA410]  }
0xf8: {  	v36 =	vld [tilespmem:s17+$0xA420]  }
0xf9: {  	v34 =	vld [tilespmem:s17+$0xA430]  }
0xfa: {  	v30 =	vld [tilespmem:s17+$0xA440]  }
0xfb: {  	v32 =	vld [tilespmem:s17+$0xA450]  }
0xfc: {  	v29 =	vld [tilespmem:s17+$0xA460]  }
0xfd: {  	v39 =	vld [tilespmem:s17+$0xA470];
	_ =	sdelay $0x2  }
0xfe: {  	v16 =	vmul.f32 v38, v38;
	v17 =	vmul.f32 v37, v37;
	v18 =	vadd.f32 v37, v38  }
0xff: {  	v19 =	vmul.f32 v36, v36;
	v20 =	vadd.f32 v34, v36;
	v21 =	vadd.f32 v32, v30  }
0x100: {  	v22 =	vmul.f32 v34, v34;
	v23 =	vmul.f32 v30, v30;
	v24 =	vadd.f32 v39, v29  }
0x101: {  	v25 =	vmul.f32 v32, v32;
	v26 =	vmul.f32 v29, v29  }
0x102: {  	v18 =	vadd.f32 v20, v18;
	v20 =	vadd.f32 v24, v21;
	v21 =	vmul.f32 v39, v39  }
0x103: {  	v16 =	vadd.f32 v17, v16;
	v17 =	vadd.f32 v22, v19  }
0x104: {  	v19 =	vadd.f32 v25, v23;
	v21 =	vadd.f32 v21, v26  }
0x105: {  	v18 =	vadd.f32 v20, v18  }
0x106: {  	v16 =	vadd.f32 v17, v16;
	v17 =	vadd.f32 v21, v19;
	_ =	sdelay $0x1  }
0x107: {  	(xrf2) =	vadd.scan.msk.f32 $0xffff, v18;
	v16 =	vadd.f32 v17, v16  }
0x108: {  	s18 =	simm.s32 $0x80  }
0x109: {  	v27 =	vld [tilespmem:s18+$0xA420];
	(xrf2) =	vadd.scan.msk.f32 $0xffff, v16  }
0x10a: {  	v28 =	vld [tilespmem:s18+$0xA430]  }
0x10b: {  	v31 =	vld [tilespmem:s18+$0xA440]  }
0x10c: {  	v35 =	vld [tilespmem:s18+$0xA470]  }
0x10d: {  	v25 =	vld [tilespmem:s18+$0xA400]  }
0x10e: {  	v26 =	vld [tilespmem:s18+$0xA410]  }
0x10f: {  	v19 =	vld [tilespmem:s18+$0xA450]  }
0x110: {  	v16 =	vld [tilespmem:s18+$0xA460]  }
0x111: {  	v58 =	vmul.f32 v31, v31;
	v17, _, _ =	vpop (xrf2)  }
0x112: {  	v62 =	vmul.f32 v35, v35;
	v23 =	vadd.f32 v28, v27;
	v40 =	vmul.f32 $7.812500000e-03, v17  }
0x113: {  	v24 =	vmul.f32 v27, v27;
	v21 =	vmul.f32 v26, v26;
	v22 =	vadd.f32 v26, v25;
	v18, _, _ =	vpop (xrf2)  }
0x114: {  	v57 =	vadd.f32 v19, v31;
	v20 =	vmul.f32 v40, v40;
	v18 =	vmul.f32 $7.812500000e-03, v18  }
0x115: {  	v60 =	vmul.f32 v19, v19;
	v59 =	vadd.f32 v35, v16;
	v17 =	vmul.f32 v25, v25  }
0x116: {  	v22 =	vadd.f32 v23, v22;
	v61 =	vmul.f32 v16, v16;
	v18 =	vsub.f32 v18, v20  }
0x117: {  	v23 =	vadd.f32 v59, v57;
	v17 =	vadd.f32 v21, v17;
	v20 =	vmul.f32 v28, v28  }
0x118: {  	v21 =	vadd.f32 v60, v58;
	v18 =	vadd.f32 $9.999999740e-06, v18  }
0x119: {  	v20 =	vadd.f32 v20, v24;
	v24 =	vadd.f32 v62, v61  }
0x11a: {  	v22 =	vadd.f32 v23, v22;
	v18 =	vbroadcast v18, $0xF  }
0x11b: {  	v17 =	vadd.f32 v20, v17;
	v20 =	vadd.f32 v24, v21  }
0x11c: {  	(xrf2) =	vadd.scan.msk.f32 $0xffff, v22;
	v23 =	vshra.s32 v18, $0x1;
	v18 =	vmul.f32 $5.000000000e-01, v18  }
0x11d: {  	v17 =	vadd.f32 v20, v17;
	v21 =	vsub.s32 $0x5F3759DF, v23  }
0x11e: {  	v22 =	vmul.f32 v21, v18  }
0x11f: {  	(xrf2) =	vadd.scan.msk.f32 $0xffff, v17  }
0x120: {  	s20 =	simm.s32 $0x100;
	v20 =	vmul.f32 v21, v22  }
0x121: {  	v24 =	vld [tilespmem:s20+$0xA400]  }
0x122: {  	v23 =	vld [tilespmem:s20+$0xA420];
	v17 =	vsub.f32 $1.500000000e+00, v20  }
0x123: {  	v40 =	vbroadcast v40, $0xF;
	v22 =	vld [tilespmem:s20+$0xA410]  }
0x124: {  	v20 =	vld [tilespmem:s20+$0xA430];
	v63 =	vmul.f32 v21, v17  }
0x125: {  	v33 =	vld [tilespmem:s20+$0xA470];
	v39 =	vsub.f32 v39, v40  }
0x126: {  	v38 =	vsub.f32 v38, v40;
	v49, _, _ =	vpop (xrf2);
	v43 =	vmul.f32 v24, v24;
	v21 =	vld [tilespmem:s20+$0xA440];
	v17 =	vmul.f32 v63, v18  }
0x127: {  	v37 =	vsub.f32 v37, v40;
	v52 =	vmul.f32 $7.812500000e-03, v49;
	v45 =	vmul.f32 v23, v23;
	v18 =	vld [tilespmem:s20+$0xA450]  }
0x128: {  	v36 =	vsub.f32 v36, v40;
	v44 =	vmul.f32 v22, v22;
	v50 =	vmul.f32 v17, v63;
	v17 =	vld [tilespmem:s20+$0xA460]  }
0x129: {  	v46 =	vadd.f32 v22, v24;
	v49 =	vadd.f32 v20, v23;
	v58 =	vmul.f32 v20, v20;
	v56, _, _ =	vpop (xrf2)  }
0x12a: {  	v55 =	vmul.f32 v52, v52;
	v43 =	vadd.f32 v44, v43;
	v48 =	vmul.f32 $7.812500000e-03, v56  }
0x12b: {  	v59 =	vmul.f32 v21, v21;
	v46 =	vadd.f32 v49, v46;
	v45 =	vadd.f32 v58, v45  }
0x12c: {  	v56 =	vmul.f32 v33, v33;
	v42 =	vsub.f32 $1.500000000e+00, v50;
	v47 =	vsub.f32 v48, v55  }
0x12d: {  	v57 =	vadd.f32 v18, v21;
	v62 =	vmul.f32 v18, v18;
	v61 =	vadd.f32 v33, v17  }
0x12e: {  	v41 =	vmul.f32 v42, v63;
	v63 =	vmul.f32 v17, v17;
	v47 =	vadd.f32 $9.999999740e-06, v47  }
0x12f: {  	v43 =	vadd.f32 v45, v43;
	v42 =	vadd.f32 v61, v57  }
0x130: {  	v47 =	vbroadcast v47, $0xF;
	v57 =	vadd.f32 v62, v59;
	v44 =	vadd.f32 v56, v63  }
0x131: {  	v60 =	vmul.f32 v41, v7;
	v58 =	vmul.f32 v41, v0;
	v42 =	vadd.f32 v42, v46  }
0x132: {  	v59 =	vshra.s32 v47, $0x1;
	v47 =	vmul.f32 $5.000000000e-01, v47;
	v44 =	vadd.f32 v44, v57  }
0x133: {  	v54 =	vmul.f32 v41, v3;
	v39 =	vmul.f32 v60, v39;
	v60 =	vsub.s32 $0x5F3759DF, v59;
	(xrf2) =	vadd.scan.msk.f32 $0xffff, v42  }
0x134: {  	v55 =	vmul.f32 v41, v4;
	v61 =	vmul.f32 v60, v47;
	v43 =	vadd.f32 v44, v43  }
0x135: {  	s12 =	simm.s32 $0x180;
	v30 =	vsub.f32 v30, v40;
	v62 =	vmul.f32 v41, v1;
	v63 =	vmul.f32 v41, v2  }
0x136: {  	v38 =	vmul.f32 v58, v38;
	v58 =	vsub.f32 v32, v40;
	v32 =	vld [tilespmem:s12+$0xA410];
	v42 =	vmul.f32 v60, v61;
	(xrf2) =	vadd.scan.msk.f32 $0xffff, v43  }
0x137: {  	v56 =	vmul.f32 v41, v5;
	v41 =	vmul.f32 v41, v6;
	v57 =	vsub.f32 v34, v40;
	v34 =	vld [tilespmem:s12+$0xA400]  }
0x138: {  	v37 =	vmul.f32 v62, v37;
	v40 =	vsub.f32 v29, v40;
	v29 =	vld [tilespmem:s12+$0xA420];
	v42 =	vsub.f32 $1.500000000e+00, v42  }
0x139: {  	v36 =	vmul.f32 v63, v36;
	v39 =	vadd.f32 v39, v15;
	v38 =	vadd.f32 v38, v8  }
0x13a: {  	v59 =	vmul.f32 v54, v57;
	v37 =	vadd.f32 v37, v9;
	v44 =	vmul.f32 v60, v42  }
0x13b: {  	v36 =	vadd.f32 v36, v10;
	v40 =	vmul.f32 v41, v40;
	[tilespmem:s17+$0x1A470] =	vst v39;
	v43 =	vmul.f32 v56, v58  }
0x13c: {  	[tilespmem:s17+$0x1A400] =	vst v38;
	v38 =	vld [tilespmem:s12+$0xA440];
	v49 =	vadd.f32 v59, v11;
	v60 =	vmul.f32 v55, v30;
	v61 =	vmul.f32 v44, v47  }
0x13d: {  	[tilespmem:s17+$0x1A410] =	vst v37;
	v37 =	vld [tilespmem:s12+$0xA450];
	v45 =	vmul.f32 v34, v34;
	v46 =	vmul.f32 v29, v29;
	v50 =	vadd.f32 v32, v34;
	v62, _, _ =	vpop (xrf2)  }
0x13e: {  	[tilespmem:s17+$0x1A420] =	vst v36;
	v30 =	vld [tilespmem:s12+$0xA430];
	v63 =	vadd.f32 v60, v12;
	v39 =	vmul.f32 v61, v44;
	v41 =	vmul.f32 $7.812500000e-03, v62  }
0x13f: {  	v36 =	vld [tilespmem:s12+$0xA460];
	[tilespmem:s17+$0x1A430] =	vst v49;
	v42 =	vadd.f32 v43, v13;
	v43 =	vadd.f32 v40, v14;
	v40 =	vbroadcast v52, $0xF  }
0x140: {  	s13 =	simm.s32 $0x800;
	v47 =	vmul.f32 v32, v32;
	[tilespmem:s17+$0x1A440] =	vst v63;
	v48 =	vsub.f32 $1.500000000e+00, v39;
	v39 =	vld [tilespmem:s12+$0xA470];
	v51, _, _ =	vpop (xrf2);
	v49 =	vmul.f32 v41, v41  }
.LBB2_5:
0x141: {  	v51 =	vmul.f32 $7.812500000e-03, v51;
	_ =	sdelay $0x1  }
0x142: {  	p0 =	sne.s32 s13, $0xFE00;
	v52 =	vadd.f32 v30, v29;
	v44 =	vmul.f32 v48, v44;
	[tilespmem:s17+$0x1A450] =	vst v42;
	v53 =	vmov v38  }
0x143: {  	v48 =	vmul.f32 v30, v30;
	v42 =	vadd.f32 v37, v53;
	v38 =	vmul.f32 v38, v53;
	[tilespmem:s17+$0x1A460] =	vst v43;
	s17 =	smov.u32 s18;
	s18 =	smov.u32 s20;
	s20 =	smov.u32 s12  }
0x144: {  	v35 =	vsub.f32 v35, v40;
	v43 =	vsub.f32 v51, v49;
	v49 =	vmul.f32 v44, v7;
	v51 =	vmovc v19  }
0x145: {  	v55 =	vmul.f32 v37, v37;
	v56 =	vmul.f32 v36, v36;
	v54 =	vadd.f32 v39, v36;
	v19 =	vmovc v18  }
0x146: {  	v50 =	vadd.f32 v52, v50;
	v43 =	vadd.f32 $9.999999740e-06, v43;
	v49 =	vmul.f32 v49, v35;
	v18 =	vmovc v37;
	v37 =	vmovc v16  }
0x147: {  	v45 =	vadd.f32 v47, v45;
	v47 =	vmul.f32 v39, v39;
	v16 =	vmovc v17;
	v42 =	vadd.f32 v54, v42  }
0x148: {  	v46 =	vadd.f32 v48, v46;
	v17 =	vmovc v36;
	v52 =	vmovc v41;
	v43 =	vbroadcast v43, $0xF;
	v48 =	vadd.f32 v49, v15  }
0x149: {  	v36 =	vadd.f32 v55, v38;
	v41 =	vmul.f32 v44, v0;
	v38 =	vadd.f32 v47, v56;
	v35 =	vmovc v33  }
0x14a: {  	v33 =	vmovc v39;
	v42 =	vadd.f32 v42, v50;
	v47 =	vshra.s32 v43, $0x1;
	v43 =	vmul.f32 $5.000000000e-01, v43;
	[tilespmem:s17+$0x1A470] =	vst v48  }
0x14b: {  	v39 =	vadd.f32 v46, v45;
	v36 =	vadd.f32 v38, v36;
	v38 =	vsub.s32 $0x5F3759DF, v47  }
0x14c: {  	v45 =	vsub.f32 v25, v40;
	v46 =	vmul.f32 v44, v1;
	(xrf2) =	vadd.scan.msk.f32 $0xffff, v42;
	v42 =	vmul.f32 v38, v43  }
0x14d: {  	v25 =	vmovc v24;
	v36 =	vadd.f32 v36, v39;
	v39 =	vmul.f32 v44, v2;
	v47 =	vmul.f32 v44, v3  }
0x14e: {  	v24 =	vmovc v34;
	v49 =	vmul.f32 v44, v4;
	v48 =	vsub.f32 v26, v40;
	v42 =	vmul.f32 v38, v42  }
0x14f: {  	v54 =	vmul.f32 v44, v6;
	v50 =	vmul.f32 v44, v5;
	(xrf2) =	vadd.scan.msk.f32 $0xffff, v36;
	v36 =	vsub.f32 v27, v40  }
0x150: {  	s12 =	sshra.s32 s13, $0x2;
	v55 =	vsub.f32 v28, v40;
	v41 =	vmul.f32 v41, v45;
	v26 =	vmovc v22;
	v22 =	vmovc v32;
	v42 =	vsub.f32 $1.500000000e+00, v42  }
0x151: {  	v31 =	vsub.f32 v31, v40;
	v45 =	vmul.f32 v46, v48;
	v46 =	vsub.f32 v51, v40;
	v27 =	vmovc v23;
	v34 =	vld [tilespmem:s12+$0xA400]  }
0x152: {  	v37 =	vsub.f32 v37, v40;
	v23 =	vmovc v29;
	v36 =	vmul.f32 v39, v36;
	v32 =	vld [tilespmem:s12+$0xA410];
	v44 =	vmul.f32 v38, v42  }
0x153: {  	v28 =	vmovc v20;
	v31 =	vmul.f32 v49, v31;
	v40 =	vmul.f32 v47, v55;
	v39 =	vadd.f32 v41, v8;
	v29 =	vld [tilespmem:s12+$0xA420]  }
0x154: {  	v20 =	vmovc v30;
	v42 =	vadd.f32 v45, v9;
	v41 =	vmul.f32 v44, v43;
	v43 =	vmul.f32 v50, v46;
	v30 =	vld [tilespmem:s12+$0xA430]  }
.Ltmp1:
0x155: {  	v40 =	vadd.f32 v40, v11;
	v46 =	vmul.f32 v54, v37;
	v38 =	vld [tilespmem:s12+$0xA440];
	[tilespmem:s17+$0x1A400] =	vst v39;
	v39 =	vadd.f32 v36, v10;
	(pc) =	sbr.rel @p0 .LBB2_5-.Ltmp1, $4  }
0x156: {  	v54 =	vadd.f32 v31, v12;
	v37 =	vld [tilespmem:s12+$0xA450];
	v47, _, _ =	vpop (xrf2);
	v48 =	vmul.f32 v41, v44;
	[tilespmem:s17+$0x1A410] =	vst v42;
	v42 =	vadd.f32 v43, v13  }
0x157: {  	v31 =	vmovc v21;
	v45 =	vmul.f32 v34, v34;
	v43 =	vadd.f32 v46, v14;
	v36 =	vld [tilespmem:s12+$0xA460];
	v41 =	vmul.f32 $7.812500000e-03, v47;
	[tilespmem:s17+$0x1A420] =	vst v39  }
0x158: {  	v21 =	vmovc v53;
	v47 =	vmul.f32 v32, v32;
	v39 =	vld [tilespmem:s12+$0xA470];
	v46 =	vmul.f32 v29, v29;
	v48 =	vsub.f32 $1.500000000e+00, v48;
	[tilespmem:s17+$0x1A430] =	vst v40  }
0x159: {  	s13 =	sadd.s32 $0x200, s13;
	v50 =	vadd.f32 v32, v34;
	v40 =	vbroadcast v52, $0xF;
	v49 =	vmul.f32 v41, v41;
	v51, _, _ =	vpop (xrf2);
	[tilespmem:s17+$0x1A440] =	vst v54  }
0x15a: {  	v52 =	vadd.f32 v30, v29  }
0x15b: {  	v54 =	vmul.f32 v30, v30;
	v56 =	vmul.f32 v38, v38;
	v45 =	vadd.f32 v47, v45  }
0x15c: {  	v53 =	vadd.f32 v37, v38;
	v57 =	vmul.f32 v37, v37;
	v50 =	vadd.f32 v52, v50  }
0x15d: {  	v59 =	vmul.f32 v36, v36;
	v55 =	vadd.f32 v39, v36;
	v60 =	vmul.f32 v39, v39  }
0x15e: {  	v46 =	vadd.f32 v54, v46;
	v61 =	vadd.f32 v57, v56  }
0x15f: {  	v53 =	vadd.f32 v55, v53;
	v52 =	vadd.f32 v60, v59  }
0x160: {  	v45 =	vadd.f32 v46, v45  }
0x161: {  	v50 =	vadd.f32 v53, v50;
	v62 =	vadd.f32 v52, v61;
	_ =	sdelay $0x1  }
0x162: {  	v63 =	vmul.f32 $7.812500000e-03, v51;
	(xrf2) =	vadd.scan.msk.f32 $0xffff, v50;
	v45 =	vadd.f32 v62, v45;
	_ =	sdelay $0x1  }
0x163: {  	v51 =	vsub.f32 v63, v49;
	(xrf2) =	vadd.scan.msk.f32 $0xffff, v45;
	_ =	sdelay $0x1  }
0x164: {  	v52 =	vadd.f32 $9.999999740e-06, v51;
	_ =	sdelay $0x1  }
0x165: {  	v45 =	vbroadcast v52, $0xF;
	_ =	sdelay $0x1  }
0x166: {  	v44 =	vmul.f32 v48, v44;
	v53 =	vshra.s32 v45, $0x1;
	v45 =	vmul.f32 $5.000000000e-01, v45  }
0x167: {  	v35 =	vsub.f32 v35, v40;
	v25 =	vsub.f32 v25, v40;
	v46 =	vsub.s32 $0x5F3759DF, v53  }
0x168: {  	v26 =	vsub.f32 v26, v40;
	v27 =	vsub.f32 v27, v40;
	v55 =	vmul.f32 v46, v45;
	v56, _, _ =	vpop (xrf2)  }
0x169: {  	v28 =	vsub.f32 v28, v40;
	v54 =	vmul.f32 v44, v7;
	v49 =	vmul.f32 $7.812500000e-03, v56  }
0x16a: {  	v31 =	vsub.f32 v31, v40;
	v63 =	vmul.f32 v44, v3;
	v57 =	vmul.f32 v46, v55;
	v58, _, _ =	vpop (xrf2)  }
0x16b: {  	v19 =	vsub.f32 v19, v40;
	v59 =	vmul.f32 v49, v49;
	v48 =	vmul.f32 $7.812500000e-03, v58  }
0x16c: {  	v16 =	vsub.f32 v16, v40;
	v35 =	vmul.f32 v54, v35;
	v54 =	vmul.f32 v44, v4  }
0x16d: {  	v28 =	vmul.f32 v63, v28;
	v47 =	vsub.f32 $1.500000000e+00, v57;
	v48 =	vsub.f32 v48, v59  }
0x16e: {  	v60 =	vmul.f32 v44, v0;
	v35 =	vadd.f32 v35, v15;
	v31 =	vmul.f32 v54, v31  }
0x16f: {  	v61 =	vmul.f32 v44, v1;
	v46 =	vmul.f32 v46, v47;
	v57 =	vadd.f32 $9.999999740e-06, v48  }
0x170: {  	v28 =	vadd.f32 v28, v11;
	v25 =	vmul.f32 v60, v25;
	v62 =	vmul.f32 v44, v2  }
0x171: {  	v31 =	vadd.f32 v31, v12;
	v45 =	vmul.f32 v46, v45;
	v47 =	vbroadcast v57, $0xF  }
0x172: {  	v26 =	vmul.f32 v61, v26;
	v61 =	vbroadcast v41, $0xF;
	v25 =	vadd.f32 v25, v8  }
0x173: {  	v45 =	vmul.f32 v45, v46;
	v59 =	vshra.s32 v47, $0x1;
	v47 =	vmul.f32 $5.000000000e-01, v47  }
0x174: {  	v27 =	vmul.f32 v62, v27;
	v26 =	vadd.f32 v26, v9;
	v51 =	vsub.s32 $0x5F3759DF, v59  }
0x175: {  	v33 =	vsub.f32 v33, v61;
	v45 =	vsub.f32 $1.500000000e+00, v45;
	v60 =	vmul.f32 v51, v47  }
0x176: {  	v27 =	vadd.f32 v27, v10;
	v58 =	vmul.f32 v44, v5;
	v44 =	vmul.f32 v44, v6  }
0x177: {  	v24 =	vsub.f32 v24, v61;
	v62 =	vmul.f32 v45, v46;
	v63 =	vmul.f32 v51, v60  }
0x178: {  	v22 =	vsub.f32 v22, v61;
	[tilespmem:s18+$0x1A420] =	vst v27;
	v27 =	vbroadcast v49, $0xF;
	v19 =	vmul.f32 v58, v19  }
0x179: {  	v16 =	vmul.f32 v44, v16;
	v46 =	vmul.f32 v62, v7;
	v45 =	vsub.f32 $1.500000000e+00, v63  }
0x17a: {  	v23 =	vsub.f32 v23, v61;
	v52 =	vmul.f32 v62, v1;
	v54 =	vmul.f32 v62, v2  }
0x17b: {  	v20 =	vsub.f32 v20, v61;
	v55 =	vmul.f32 v62, v3;
	v50 =	vmul.f32 v51, v45  }
0x17c: {  	[tilespmem:s18+$0x1A400] =	vst v25;
	v21 =	vsub.f32 v21, v61;
	v56 =	vmul.f32 v62, v4;
	v25 =	vmul.f32 v62, v5  }
0x17d: {  	[tilespmem:s17+$0x1A450] =	vst v42;
	v18 =	vsub.f32 v18, v61;
	v41 =	vmul.f32 v62, v6;
	v53 =	vmul.f32 v50, v47  }
0x17e: {  	[tilespmem:s17+$0x1A460] =	vst v43;
	v19 =	vadd.f32 v19, v13;
	v33 =	vmul.f32 v46, v33;
	v22 =	vmul.f32 v52, v22  }
0x17f: {  	[tilespmem:s18+$0x1A470] =	vst v35;
	v17 =	vsub.f32 v17, v61;
	v23 =	vmul.f32 v54, v23;
	v46 =	vmul.f32 v53, v50  }
0x180: {  	v16 =	vadd.f32 v16, v14;
	[tilespmem:s18+$0x1A450] =	vst v19;
	v20 =	vmul.f32 v55, v20;
	v19 =	vmul.f32 v56, v21  }
0x181: {  	[tilespmem:s18+$0x1A410] =	vst v26;
	v21 =	vsub.f32 v39, v27;
	v51 =	vmul.f32 v62, v0;
	v26 =	vsub.f32 $1.500000000e+00, v46  }
0x182: {  	[tilespmem:s18+$0x1A460] =	vst v16;
	v18 =	vmul.f32 v25, v18;
	v25 =	vsub.f32 v32, v27;
	v16 =	vadd.f32 v22, v9  }
0x183: {  	[tilespmem:s18+$0x1A430] =	vst v28;
	v22 =	vadd.f32 v23, v10;
	v24 =	vmul.f32 v51, v24;
	v26 =	vmul.f32 v26, v50  }
0x184: {  	v17 =	vmul.f32 v41, v17;
	v33 =	vadd.f32 v33, v15;
	v19 =	vadd.f32 v19, v12;
	[tilespmem:s20+$0x1A410] =	vst v16  }
0x185: {  	v20 =	vadd.f32 v20, v11;
	[tilespmem:s20+$0x1A420] =	vst v22;
	v24 =	vadd.f32 v24, v8;
	v28 =	vmul.f32 v26, v7  }
0x186: {  	v16 =	vadd.f32 v17, v14;
	v22 =	vsub.f32 v34, v27;
	[tilespmem:s20+$0x1A440] =	vst v19  }
0x187: {  	v19 =	vsub.f32 v29, v27;
	[tilespmem:s20+$0x1A400] =	vst v24;
	v24 =	vmul.f32 v26, v2;
	v21 =	vmul.f32 v28, v21  }
0x188: {  	[tilespmem:s20+$0x1A460] =	vst v16;
	v16 =	vsub.f32 v38, v27;
	v23 =	vmul.f32 v26, v1;
	v28 =	vmul.f32 v26, v4  }
0x189: {  	[tilespmem:s18+$0x1A440] =	vst v31;
	v19 =	vmul.f32 v24, v19;
	v17 =	vadd.f32 v21, v15;
	v21 =	vmul.f32 v26, v0  }
0x18a: {  	v18 =	vadd.f32 v18, v13;
	[tilespmem:s20+$0x1A430] =	vst v20;
	v20 =	vmul.f32 v26, v3;
	v29 =	vmul.f32 v26, v5  }
0x18b: {  	[tilespmem:s20+$0x1A470] =	vst v33;
	v16 =	vmul.f32 v28, v16;
	v19 =	vadd.f32 v19, v10;
	v21 =	vmul.f32 v21, v22  }
0x18c: {  	v23 =	vmul.f32 v23, v25;
	v22 =	vsub.f32 v30, v27;
	[tilespmem:s12+$0x1A470] =	vst v17;
	v17 =	vsub.f32 v37, v27  }
0x18d: {  	[tilespmem:s20+$0x1A450] =	vst v18;
	v18 =	vmul.f32 v26, v6;
	v16 =	vadd.f32 v16, v12;
	v21 =	vadd.f32 v21, v8  }
0x18e: {  	[tilespmem:s12+$0x1A420] =	vst v19;
	v20 =	vmul.f32 v20, v22;
	v22 =	vadd.f32 v23, v9;
	v23 =	vsub.f32 v36, v27  }
0x18f: {  	v17 =	vmul.f32 v29, v17;
	[tilespmem:s12+$0x1A440] =	vst v16  }
0x190: {  	[tilespmem:s12+$0x1A400] =	vst v21;
	v20 =	vadd.f32 v20, v11;
	v18 =	vmul.f32 v18, v23  }
0x191: {  	[tilespmem:s12+$0x1A410] =	vst v22;
	v17 =	vadd.f32 v17, v13  }
0x192: {  	[tilespmem:s12+$0x1A430] =	vst v20;
	v18 =	vadd.f32 v18, v14  }
0x193: {  	s9 =	sshll.u32 s9, $0x4;
	[tilespmem:s12+$0x1A450] =	vst v17  }
0x194: {  	s9 =	sadd.s32 s6, s9;
	[tilespmem:s12+$0x1A460] =	vst v18  }
0x195: {  	[hbm4b:s9+s7] =	stream.linear.scatter [tilespmem:s31], [sflag:$0xA], $0x4000, $0x38;
	[tilespmem:$0x1E500] =	vst v63  }
0x196: {  	_ =	swait.ge [sflag:s4], $0x4000  }
0x197: {  	p0 =	seq.s32 s19, $0x31;
	[sflag:s4] =	ssyncset.done $0x0;
	s9 =	rddreg [dreg:$0xb]  }
0x198: {  	[sflag:s4] =	ssyncadd.s32 $0xFFFFC000;
	s9 =	sadd.s32 @!p0 s10, s9  }
0x199: {  	[tilespmem:s29], [sflag:$0x8] =	stream.indirect.gather.add.f32 [hbm:s2], $0x80, s21, s22, $0xb8;
	[tilespmem:$0x1E500] =	vst v63  }
0x19a: {  	s9 =	sshll.u32 @!p0 s9, $0x4  }
0x19b: {  	s13 =	simm.s32 @!p0 $0x6400;
	s12 =	simm.s32 @!p0 $0x0;
	s9 =	sadd.s32 @!p0 s0, s9  }
0x19c: {  	[tilespmem:s13], [sflag:$0x1] =	stream.linear.gather @!p0 [hbm4b:s9+s12], $0x4000, $0x38;
	[tilespmem:$0x1E500] =	vst v63  }
0x19d: {  	_ =	swait.ge [sflag:s1], $0x4000  }
0x19e: {  	[sflag:s1] =	ssyncset.done $0x0  }
0x19f: {  	[sflag:s1] =	ssyncadd.s32 $0xFFFFC000  }
0x1a0: {  	_ =	swait.ge [sflag:s3], $0x4000  }
0x1a1: {  	[sflag:s3] =	ssyncset.done $0x0  }
0x1a2: {  	s9 =	simm.s32 $0x0;
	[sflag:s3] =	ssyncadd.s32 $0xFFFFC000  }
0x1a3: {  	v38 =	vld [tilespmem:s9+$0xE400]  }
0x1a4: {  	v37 =	vld [tilespmem:s9+$0xE410]  }
0x1a5: {  	v36 =	vld [tilespmem:s9+$0xE420]  }
0x1a6: {  	v34 =	vld [tilespmem:s9+$0xE430]  }
0x1a7: {  	v30 =	vld [tilespmem:s9+$0xE440]  }
0x1a8: {  	v32 =	vld [tilespmem:s9+$0xE450]  }
0x1a9: {  	v29 =	vld [tilespmem:s9+$0xE460]  }
0x1aa: {  	v39 =	vld [tilespmem:s9+$0xE470];
	_ =	sdelay $0x2  }
0x1ab: {  	v16 =	vmul.f32 v38, v38;
	v17 =	vmul.f32 v37, v37;
	v18 =	vadd.f32 v37, v38  }
0x1ac: {  	v19 =	vmul.f32 v36, v36;
	v20 =	vadd.f32 v34, v36;
	v21 =	vadd.f32 v32, v30  }
0x1ad: {  	v22 =	vmul.f32 v34, v34;
	v23 =	vmul.f32 v30, v30;
	v24 =	vadd.f32 v39, v29  }
0x1ae: {  	v25 =	vmul.f32 v32, v32;
	v26 =	vmul.f32 v29, v29  }
0x1af: {  	v18 =	vadd.f32 v20, v18;
	v20 =	vadd.f32 v24, v21;
	v21 =	vmul.f32 v39, v39  }
0x1b0: {  	v16 =	vadd.f32 v17, v16;
	v17 =	vadd.f32 v22, v19  }
0x1b1: {  	v19 =	vadd.f32 v25, v23;
	v21 =	vadd.f32 v21, v26  }
0x1b2: {  	v18 =	vadd.f32 v20, v18  }
0x1b3: {  	v16 =	vadd.f32 v17, v16;
	v17 =	vadd.f32 v21, v19;
	_ =	sdelay $0x1  }
0x1b4: {  	(xrf2) =	vadd.scan.msk.f32 $0xffff, v18;
	v16 =	vadd.f32 v17, v16  }
0x1b5: {  	s17 =	simm.s32 $0x80  }
0x1b6: {  	v27 =	vld [tilespmem:s17+$0xE420];
	(xrf2) =	vadd.scan.msk.f32 $0xffff, v16  }
0x1b7: {  	v28 =	vld [tilespmem:s17+$0xE430]  }
0x1b8: {  	v31 =	vld [tilespmem:s17+$0xE440]  }
0x1b9: {  	v35 =	vld [tilespmem:s17+$0xE470]  }
0x1ba: {  	v25 =	vld [tilespmem:s17+$0xE400]  }
0x1bb: {  	v26 =	vld [tilespmem:s17+$0xE410]  }
0x1bc: {  	v19 =	vld [tilespmem:s17+$0xE450]  }
0x1bd: {  	v16 =	vld [tilespmem:s17+$0xE460]  }
0x1be: {  	v58 =	vmul.f32 v31, v31;
	v17, _, _ =	vpop (xrf2)  }
0x1bf: {  	v62 =	vmul.f32 v35, v35;
	v23 =	vadd.f32 v28, v27;
	v40 =	vmul.f32 $7.812500000e-03, v17  }
0x1c0: {  	v24 =	vmul.f32 v27, v27;
	v21 =	vmul.f32 v26, v26;
	v22 =	vadd.f32 v26, v25;
	v18, _, _ =	vpop (xrf2)  }
0x1c1: {  	v57 =	vadd.f32 v19, v31;
	v20 =	vmul.f32 v40, v40;
	v18 =	vmul.f32 $7.812500000e-03, v18  }
0x1c2: {  	v60 =	vmul.f32 v19, v19;
	v59 =	vadd.f32 v35, v16;
	v17 =	vmul.f32 v25, v25  }
0x1c3: {  	v22 =	vadd.f32 v23, v22;
	v61 =	vmul.f32 v16, v16;
	v18 =	vsub.f32 v18, v20  }
0x1c4: {  	v23 =	vadd.f32 v59, v57;
	v17 =	vadd.f32 v21, v17;
	v20 =	vmul.f32 v28, v28  }
0x1c5: {  	v21 =	vadd.f32 v60, v58;
	v18 =	vadd.f32 $9.999999740e-06, v18  }
0x1c6: {  	v20 =	vadd.f32 v20, v24;
	v24 =	vadd.f32 v62, v61  }
0x1c7: {  	v22 =	vadd.f32 v23, v22;
	v18 =	vbroadcast v18, $0xF  }
0x1c8: {  	v17 =	vadd.f32 v20, v17;
	v20 =	vadd.f32 v24, v21  }
0x1c9: {  	(xrf2) =	vadd.scan.msk.f32 $0xffff, v22;
	v23 =	vshra.s32 v18, $0x1;
	v18 =	vmul.f32 $5.000000000e-01, v18  }
0x1ca: {  	v17 =	vadd.f32 v20, v17;
	v21 =	vsub.s32 $0x5F3759DF, v23  }
0x1cb: {  	v22 =	vmul.f32 v21, v18  }
0x1cc: {  	(xrf2) =	vadd.scan.msk.f32 $0xffff, v17  }
0x1cd: {  	s18 =	simm.s32 $0x100;
	v20 =	vmul.f32 v21, v22  }
0x1ce: {  	v24 =	vld [tilespmem:s18+$0xE400]  }
0x1cf: {  	v23 =	vld [tilespmem:s18+$0xE420];
	v17 =	vsub.f32 $1.500000000e+00, v20  }
0x1d0: {  	v40 =	vbroadcast v40, $0xF;
	v22 =	vld [tilespmem:s18+$0xE410]  }
0x1d1: {  	v20 =	vld [tilespmem:s18+$0xE430];
	v63 =	vmul.f32 v21, v17  }
0x1d2: {  	v33 =	vld [tilespmem:s18+$0xE470];
	v39 =	vsub.f32 v39, v40  }
0x1d3: {  	v38 =	vsub.f32 v38, v40;
	v49, _, _ =	vpop (xrf2);
	v43 =	vmul.f32 v24, v24;
	v21 =	vld [tilespmem:s18+$0xE440];
	v17 =	vmul.f32 v63, v18  }
0x1d4: {  	v37 =	vsub.f32 v37, v40;
	v52 =	vmul.f32 $7.812500000e-03, v49;
	v45 =	vmul.f32 v23, v23;
	v18 =	vld [tilespmem:s18+$0xE450]  }
0x1d5: {  	v36 =	vsub.f32 v36, v40;
	v44 =	vmul.f32 v22, v22;
	v50 =	vmul.f32 v17, v63;
	v17 =	vld [tilespmem:s18+$0xE460]  }
0x1d6: {  	v46 =	vadd.f32 v22, v24;
	v49 =	vadd.f32 v20, v23;
	v58 =	vmul.f32 v20, v20;
	v56, _, _ =	vpop (xrf2)  }
0x1d7: {  	v55 =	vmul.f32 v52, v52;
	v43 =	vadd.f32 v44, v43;
	v48 =	vmul.f32 $7.812500000e-03, v56  }
0x1d8: {  	v59 =	vmul.f32 v21, v21;
	v46 =	vadd.f32 v49, v46;
	v45 =	vadd.f32 v58, v45  }
0x1d9: {  	v56 =	vmul.f32 v33, v33;
	v42 =	vsub.f32 $1.500000000e+00, v50;
	v47 =	vsub.f32 v48, v55  }
0x1da: {  	v57 =	vadd.f32 v18, v21;
	v62 =	vmul.f32 v18, v18;
	v61 =	vadd.f32 v33, v17  }
0x1db: {  	v41 =	vmul.f32 v42, v63;
	v63 =	vmul.f32 v17, v17;
	v47 =	vadd.f32 $9.999999740e-06, v47  }
0x1dc: {  	v43 =	vadd.f32 v45, v43;
	v42 =	vadd.f32 v61, v57  }
0x1dd: {  	v47 =	vbroadcast v47, $0xF;
	v57 =	vadd.f32 v62, v59;
	v44 =	vadd.f32 v56, v63  }
0x1de: {  	v60 =	vmul.f32 v41, v7;
	v58 =	vmul.f32 v41, v0;
	v42 =	vadd.f32 v42, v46  }
0x1df: {  	v59 =	vshra.s32 v47, $0x1;
	v47 =	vmul.f32 $5.000000000e-01, v47;
	v44 =	vadd.f32 v44, v57  }
0x1e0: {  	v54 =	vmul.f32 v41, v3;
	v39 =	vmul.f32 v60, v39;
	v60 =	vsub.s32 $0x5F3759DF, v59;
	(xrf2) =	vadd.scan.msk.f32 $0xffff, v42  }
0x1e1: {  	v55 =	vmul.f32 v41, v4;
	v61 =	vmul.f32 v60, v47;
	v43 =	vadd.f32 v44, v43  }
0x1e2: {  	s12 =	simm.s32 $0x180;
	v30 =	vsub.f32 v30, v40;
	v62 =	vmul.f32 v41, v1;
	v63 =	vmul.f32 v41, v2  }
0x1e3: {  	v38 =	vmul.f32 v58, v38;
	v58 =	vsub.f32 v32, v40;
	v32 =	vld [tilespmem:s12+$0xE410];
	v42 =	vmul.f32 v60, v61;
	(xrf2) =	vadd.scan.msk.f32 $0xffff, v43  }
0x1e4: {  	v56 =	vmul.f32 v41, v5;
	v41 =	vmul.f32 v41, v6;
	v57 =	vsub.f32 v34, v40;
	v34 =	vld [tilespmem:s12+$0xE400]  }
0x1e5: {  	v37 =	vmul.f32 v62, v37;
	v40 =	vsub.f32 v29, v40;
	v29 =	vld [tilespmem:s12+$0xE420];
	v42 =	vsub.f32 $1.500000000e+00, v42  }
0x1e6: {  	v36 =	vmul.f32 v63, v36;
	v39 =	vadd.f32 v39, v15;
	v38 =	vadd.f32 v38, v8  }
0x1e7: {  	v59 =	vmul.f32 v54, v57;
	v37 =	vadd.f32 v37, v9;
	v44 =	vmul.f32 v60, v42  }
0x1e8: {  	v36 =	vadd.f32 v36, v10;
	v40 =	vmul.f32 v41, v40;
	[tilespmem:s9+$0x16470] =	vst v39;
	v43 =	vmul.f32 v56, v58  }
0x1e9: {  	[tilespmem:s9+$0x16400] =	vst v38;
	v38 =	vld [tilespmem:s12+$0xE440];
	v49 =	vadd.f32 v59, v11;
	v60 =	vmul.f32 v55, v30;
	v61 =	vmul.f32 v44, v47  }
0x1ea: {  	[tilespmem:s9+$0x16410] =	vst v37;
	v37 =	vld [tilespmem:s12+$0xE450];
	v45 =	vmul.f32 v34, v34;
	v46 =	vmul.f32 v29, v29;
	v50 =	vadd.f32 v32, v34;
	v62, _, _ =	vpop (xrf2)  }
0x1eb: {  	[tilespmem:s9+$0x16420] =	vst v36;
	v30 =	vld [tilespmem:s12+$0xE430];
	v63 =	vadd.f32 v60, v12;
	v39 =	vmul.f32 v61, v44;
	v41 =	vmul.f32 $7.812500000e-03, v62  }
0x1ec: {  	v36 =	vld [tilespmem:s12+$0xE460];
	[tilespmem:s9+$0x16430] =	vst v49;
	v42 =	vadd.f32 v43, v13;
	v43 =	vadd.f32 v40, v14;
	v40 =	vbroadcast v52, $0xF  }
0x1ed: {  	s13 =	simm.s32 $0x800;
	v47 =	vmul.f32 v32, v32;
	[tilespmem:s9+$0x16440] =	vst v63;
	v48 =	vsub.f32 $1.500000000e+00, v39;
	v39 =	vld [tilespmem:s12+$0xE470];
	v51, _, _ =	vpop (xrf2);
	v49 =	vmul.f32 v41, v41  }
.LBB2_7:
0x1ee: {  	v51 =	vmul.f32 $7.812500000e-03, v51;
	_ =	sdelay $0x1  }
0x1ef: {  	p1 =	sne.s32 s13, $0xFE00;
	v52 =	vadd.f32 v30, v29;
	v44 =	vmul.f32 v48, v44;
	[tilespmem:s9+$0x16450] =	vst v42;
	v53 =	vmov v38  }
0x1f0: {  	v48 =	vmul.f32 v30, v30;
	v42 =	vadd.f32 v37, v53;
	v38 =	vmul.f32 v38, v53;
	[tilespmem:s9+$0x16460] =	vst v43;
	s9 =	smov.u32 s17;
	s17 =	smov.u32 s18;
	s18 =	smov.u32 s12  }
0x1f1: {  	v35 =	vsub.f32 v35, v40;
	v43 =	vsub.f32 v51, v49;
	v49 =	vmul.f32 v44, v7;
	v51 =	vmovc v19  }
0x1f2: {  	v55 =	vmul.f32 v37, v37;
	v56 =	vmul.f32 v36, v36;
	v54 =	vadd.f32 v39, v36;
	v19 =	vmovc v18  }
0x1f3: {  	v50 =	vadd.f32 v52, v50;
	v43 =	vadd.f32 $9.999999740e-06, v43;
	v49 =	vmul.f32 v49, v35;
	v18 =	vmovc v37;
	v37 =	vmovc v16  }
0x1f4: {  	v45 =	vadd.f32 v47, v45;
	v47 =	vmul.f32 v39, v39;
	v16 =	vmovc v17;
	v42 =	vadd.f32 v54, v42  }
0x1f5: {  	v46 =	vadd.f32 v48, v46;
	v17 =	vmovc v36;
	v52 =	vmovc v41;
	v43 =	vbroadcast v43, $0xF;
	v48 =	vadd.f32 v49, v15  }
0x1f6: {  	v36 =	vadd.f32 v55, v38;
	v41 =	vmul.f32 v44, v0;
	v38 =	vadd.f32 v47, v56;
	v35 =	vmovc v33  }
0x1f7: {  	v33 =	vmovc v39;
	v42 =	vadd.f32 v42, v50;
	v47 =	vshra.s32 v43, $0x1;
	v43 =	vmul.f32 $5.000000000e-01, v43;
	[tilespmem:s9+$0x16470] =	vst v48  }
0x1f8: {  	v39 =	vadd.f32 v46, v45;
	v36 =	vadd.f32 v38, v36;
	v38 =	vsub.s32 $0x5F3759DF, v47  }
0x1f9: {  	v45 =	vsub.f32 v25, v40;
	v46 =	vmul.f32 v44, v1;
	(xrf2) =	vadd.scan.msk.f32 $0xffff, v42;
	v42 =	vmul.f32 v38, v43  }
0x1fa: {  	v25 =	vmovc v24;
	v36 =	vadd.f32 v36, v39;
	v39 =	vmul.f32 v44, v2;
	v47 =	vmul.f32 v44, v3  }
0x1fb: {  	v24 =	vmovc v34;
	v49 =	vmul.f32 v44, v4;
	v48 =	vsub.f32 v26, v40;
	v42 =	vmul.f32 v38, v42  }
0x1fc: {  	v54 =	vmul.f32 v44, v6;
	v50 =	vmul.f32 v44, v5;
	(xrf2) =	vadd.scan.msk.f32 $0xffff, v36;
	v36 =	vsub.f32 v27, v40  }
0x1fd: {  	s12 =	sshra.s32 s13, $0x2;
	v55 =	vsub.f32 v28, v40;
	v41 =	vmul.f32 v41, v45;
	v26 =	vmovc v22;
	v22 =	vmovc v32;
	v42 =	vsub.f32 $1.500000000e+00, v42  }
0x1fe: {  	v31 =	vsub.f32 v31, v40;
	v45 =	vmul.f32 v46, v48;
	v46 =	vsub.f32 v51, v40;
	v27 =	vmovc v23;
	v34 =	vld [tilespmem:s12+$0xE400]  }
0x1ff: {  	v37 =	vsub.f32 v37, v40;
	v23 =	vmovc v29;
	v36 =	vmul.f32 v39, v36;
	v32 =	vld [tilespmem:s12+$0xE410];
	v44 =	vmul.f32 v38, v42  }
0x200: {  	v28 =	vmovc v20;
	v31 =	vmul.f32 v49, v31;
	v40 =	vmul.f32 v47, v55;
	v39 =	vadd.f32 v41, v8;
	v29 =	vld [tilespmem:s12+$0xE420]  }
0x201: {  	v20 =	vmovc v30;
	v42 =	vadd.f32 v45, v9;
	v41 =	vmul.f32 v44, v43;
	v43 =	vmul.f32 v50, v46;
	v30 =	vld [tilespmem:s12+$0xE430]  }
.Ltmp2:
0x202: {  	v40 =	vadd.f32 v40, v11;
	v46 =	vmul.f32 v54, v37;
	v38 =	vld [tilespmem:s12+$0xE440];
	[tilespmem:s9+$0x16400] =	vst v39;
	v39 =	vadd.f32 v36, v10;
	(pc) =	sbr.rel @p1 .LBB2_7-.Ltmp2, $4  }
0x203: {  	v54 =	vadd.f32 v31, v12;
	v37 =	vld [tilespmem:s12+$0xE450];
	v47, _, _ =	vpop (xrf2);
	v48 =	vmul.f32 v41, v44;
	[tilespmem:s9+$0x16410] =	vst v42;
	v42 =	vadd.f32 v43, v13  }
0x204: {  	v31 =	vmovc v21;
	v45 =	vmul.f32 v34, v34;
	v43 =	vadd.f32 v46, v14;
	v36 =	vld [tilespmem:s12+$0xE460];
	v41 =	vmul.f32 $7.812500000e-03, v47;
	[tilespmem:s9+$0x16420] =	vst v39  }
0x205: {  	v21 =	vmovc v53;
	v47 =	vmul.f32 v32, v32;
	v39 =	vld [tilespmem:s12+$0xE470];
	v46 =	vmul.f32 v29, v29;
	v48 =	vsub.f32 $1.500000000e+00, v48;
	[tilespmem:s9+$0x16430] =	vst v40  }
0x206: {  	s13 =	sadd.s32 $0x200, s13;
	v50 =	vadd.f32 v32, v34;
	v40 =	vbroadcast v52, $0xF;
	v49 =	vmul.f32 v41, v41;
	v51, _, _ =	vpop (xrf2);
	[tilespmem:s9+$0x16440] =	vst v54  }
0x207: {  	v52 =	vadd.f32 v30, v29  }
0x208: {  	v54 =	vmul.f32 v30, v30;
	v56 =	vmul.f32 v38, v38;
	v45 =	vadd.f32 v47, v45  }
0x209: {  	v53 =	vadd.f32 v37, v38;
	v57 =	vmul.f32 v37, v37;
	v50 =	vadd.f32 v52, v50  }
0x20a: {  	v59 =	vmul.f32 v36, v36;
	v55 =	vadd.f32 v39, v36;
	v60 =	vmul.f32 v39, v39  }
0x20b: {  	v46 =	vadd.f32 v54, v46;
	v61 =	vadd.f32 v57, v56  }
0x20c: {  	v53 =	vadd.f32 v55, v53;
	v52 =	vadd.f32 v60, v59  }
0x20d: {  	v45 =	vadd.f32 v46, v45  }
0x20e: {  	v50 =	vadd.f32 v53, v50;
	v62 =	vadd.f32 v52, v61;
	_ =	sdelay $0x1  }
0x20f: {  	v63 =	vmul.f32 $7.812500000e-03, v51;
	(xrf2) =	vadd.scan.msk.f32 $0xffff, v50;
	v45 =	vadd.f32 v62, v45;
	_ =	sdelay $0x1  }
0x210: {  	v51 =	vsub.f32 v63, v49;
	(xrf2) =	vadd.scan.msk.f32 $0xffff, v45;
	_ =	sdelay $0x1  }
0x211: {  	v52 =	vadd.f32 $9.999999740e-06, v51;
	_ =	sdelay $0x1  }
0x212: {  	v45 =	vbroadcast v52, $0xF;
	_ =	sdelay $0x1  }
0x213: {  	v44 =	vmul.f32 v48, v44;
	v53 =	vshra.s32 v45, $0x1;
	v45 =	vmul.f32 $5.000000000e-01, v45  }
0x214: {  	v35 =	vsub.f32 v35, v40;
	v25 =	vsub.f32 v25, v40;
	v46 =	vsub.s32 $0x5F3759DF, v53  }
0x215: {  	v26 =	vsub.f32 v26, v40;
	v27 =	vsub.f32 v27, v40;
	v55 =	vmul.f32 v46, v45;
	v56, _, _ =	vpop (xrf2)  }
0x216: {  	v28 =	vsub.f32 v28, v40;
	v54 =	vmul.f32 v44, v7;
	v49 =	vmul.f32 $7.812500000e-03, v56  }
0x217: {  	v31 =	vsub.f32 v31, v40;
	v63 =	vmul.f32 v44, v3;
	v57 =	vmul.f32 v46, v55;
	v58, _, _ =	vpop (xrf2)  }
0x218: {  	v19 =	vsub.f32 v19, v40;
	v59 =	vmul.f32 v49, v49;
	v48 =	vmul.f32 $7.812500000e-03, v58  }
0x219: {  	v16 =	vsub.f32 v16, v40;
	v35 =	vmul.f32 v54, v35;
	v54 =	vmul.f32 v44, v4  }
0x21a: {  	v28 =	vmul.f32 v63, v28;
	v47 =	vsub.f32 $1.500000000e+00, v57;
	v48 =	vsub.f32 v48, v59  }
0x21b: {  	v60 =	vmul.f32 v44, v0;
	v35 =	vadd.f32 v35, v15;
	v31 =	vmul.f32 v54, v31  }
0x21c: {  	v61 =	vmul.f32 v44, v1;
	v46 =	vmul.f32 v46, v47;
	v57 =	vadd.f32 $9.999999740e-06, v48  }
0x21d: {  	v28 =	vadd.f32 v28, v11;
	v25 =	vmul.f32 v60, v25;
	v62 =	vmul.f32 v44, v2  }
0x21e: {  	v31 =	vadd.f32 v31, v12;
	v45 =	vmul.f32 v46, v45;
	v47 =	vbroadcast v57, $0xF  }
0x21f: {  	v26 =	vmul.f32 v61, v26;
	v61 =	vbroadcast v41, $0xF;
	v25 =	vadd.f32 v25, v8  }
0x220: {  	v45 =	vmul.f32 v45, v46;
	v59 =	vshra.s32 v47, $0x1;
	v47 =	vmul.f32 $5.000000000e-01, v47  }
0x221: {  	v27 =	vmul.f32 v62, v27;
	v26 =	vadd.f32 v26, v9;
	v51 =	vsub.s32 $0x5F3759DF, v59  }
0x222: {  	v33 =	vsub.f32 v33, v61;
	v45 =	vsub.f32 $1.500000000e+00, v45;
	v60 =	vmul.f32 v51, v47  }
0x223: {  	v27 =	vadd.f32 v27, v10;
	v58 =	vmul.f32 v44, v5;
	v44 =	vmul.f32 v44, v6  }
0x224: {  	v24 =	vsub.f32 v24, v61;
	v62 =	vmul.f32 v45, v46;
	v63 =	vmul.f32 v51, v60  }
0x225: {  	v22 =	vsub.f32 v22, v61;
	[tilespmem:s17+$0x16420] =	vst v27;
	v27 =	vbroadcast v49, $0xF;
	v19 =	vmul.f32 v58, v19  }
0x226: {  	v16 =	vmul.f32 v44, v16;
	v46 =	vmul.f32 v62, v7;
	v45 =	vsub.f32 $1.500000000e+00, v63  }
0x227: {  	v23 =	vsub.f32 v23, v61;
	v52 =	vmul.f32 v62, v1;
	v54 =	vmul.f32 v62, v2  }
0x228: {  	v20 =	vsub.f32 v20, v61;
	v55 =	vmul.f32 v62, v3;
	v50 =	vmul.f32 v51, v45  }
0x229: {  	[tilespmem:s17+$0x16400] =	vst v25;
	v21 =	vsub.f32 v21, v61;
	v56 =	vmul.f32 v62, v4;
	v25 =	vmul.f32 v62, v5  }
0x22a: {  	[tilespmem:s9+$0x16450] =	vst v42;
	v18 =	vsub.f32 v18, v61;
	v41 =	vmul.f32 v62, v6;
	v53 =	vmul.f32 v50, v47  }
0x22b: {  	[tilespmem:s9+$0x16460] =	vst v43;
	v19 =	vadd.f32 v19, v13;
	v33 =	vmul.f32 v46, v33;
	v22 =	vmul.f32 v52, v22  }
0x22c: {  	[tilespmem:s17+$0x16470] =	vst v35;
	v17 =	vsub.f32 v17, v61;
	v23 =	vmul.f32 v54, v23;
	v46 =	vmul.f32 v53, v50  }
0x22d: {  	v16 =	vadd.f32 v16, v14;
	[tilespmem:s17+$0x16450] =	vst v19;
	v20 =	vmul.f32 v55, v20;
	v19 =	vmul.f32 v56, v21  }
0x22e: {  	[tilespmem:s17+$0x16410] =	vst v26;
	v21 =	vsub.f32 v39, v27;
	v51 =	vmul.f32 v62, v0;
	v26 =	vsub.f32 $1.500000000e+00, v46  }
0x22f: {  	[tilespmem:s17+$0x16460] =	vst v16;
	v18 =	vmul.f32 v25, v18;
	v25 =	vsub.f32 v32, v27;
	v16 =	vadd.f32 v22, v9  }
0x230: {  	[tilespmem:s17+$0x16430] =	vst v28;
	v22 =	vadd.f32 v23, v10;
	v24 =	vmul.f32 v51, v24;
	v26 =	vmul.f32 v26, v50  }
0x231: {  	v17 =	vmul.f32 v41, v17;
	v33 =	vadd.f32 v33, v15;
	v19 =	vadd.f32 v19, v12;
	[tilespmem:s18+$0x16410] =	vst v16  }
0x232: {  	v20 =	vadd.f32 v20, v11;
	[tilespmem:s18+$0x16420] =	vst v22;
	v24 =	vadd.f32 v24, v8;
	v28 =	vmul.f32 v26, v7  }
0x233: {  	v16 =	vadd.f32 v17, v14;
	v22 =	vsub.f32 v34, v27;
	[tilespmem:s18+$0x16440] =	vst v19  }
0x234: {  	v19 =	vsub.f32 v29, v27;
	[tilespmem:s18+$0x16400] =	vst v24;
	v24 =	vmul.f32 v26, v2;
	v21 =	vmul.f32 v28, v21  }
0x235: {  	[tilespmem:s18+$0x16460] =	vst v16;
	v16 =	vsub.f32 v38, v27;
	v23 =	vmul.f32 v26, v1;
	v28 =	vmul.f32 v26, v4  }
0x236: {  	[tilespmem:s17+$0x16440] =	vst v31;
	v19 =	vmul.f32 v24, v19;
	v17 =	vadd.f32 v21, v15;
	v21 =	vmul.f32 v26, v0  }
0x237: {  	v18 =	vadd.f32 v18, v13;
	[tilespmem:s18+$0x16430] =	vst v20;
	v20 =	vmul.f32 v26, v3;
	v29 =	vmul.f32 v26, v5  }
0x238: {  	[tilespmem:s18+$0x16470] =	vst v33;
	v16 =	vmul.f32 v28, v16;
	v19 =	vadd.f32 v19, v10;
	v21 =	vmul.f32 v21, v22  }
0x239: {  	v23 =	vmul.f32 v23, v25;
	v22 =	vsub.f32 v30, v27;
	[tilespmem:s12+$0x16470] =	vst v17;
	v17 =	vsub.f32 v37, v27  }
0x23a: {  	[tilespmem:s18+$0x16450] =	vst v18;
	v18 =	vmul.f32 v26, v6;
	v16 =	vadd.f32 v16, v12;
	v21 =	vadd.f32 v21, v8  }
0x23b: {  	[tilespmem:s12+$0x16420] =	vst v19;
	v20 =	vmul.f32 v20, v22;
	v22 =	vadd.f32 v23, v9;
	v23 =	vsub.f32 v36, v27  }
0x23c: {  	v17 =	vmul.f32 v29, v17;
	[tilespmem:s12+$0x16440] =	vst v16  }
0x23d: {  	[tilespmem:s12+$0x16400] =	vst v21;
	v20 =	vadd.f32 v20, v11;
	v18 =	vmul.f32 v18, v23  }
0x23e: {  	[tilespmem:s12+$0x16410] =	vst v22;
	v17 =	vadd.f32 v17, v13  }
0x23f: {  	[tilespmem:s12+$0x16430] =	vst v20;
	v18 =	vadd.f32 v18, v14  }
0x240: {  	[tilespmem:s12+$0x16450] =	vst v17  }
0x241: {  	s21 =	sadd.s32 s6, s15;
	s9 =	simm.s32 @!p0 $0x1;
	[tilespmem:s12+$0x16460] =	vst v18  }
0x242: {  	[hbm4b:s21+s7] =	stream.linear.scatter [tilespmem:s26], [sflag:$0x9], $0x4000, $0x38;
	[tilespmem:$0x1E500] =	vst v63  }
0x243: {  	_ =	swait.ge @!p0 [sflag:s9], $0x4000  }
0x244: {  	s12 =	sshll.u32 @!p0 s19, $0x9;
	[sflag:s9] =	ssyncset.done @!p0 $0x0  }
0x245: {  	[sflag:s9] =	ssyncadd.s32 @!p0 $0xFFFFC000;
	s9 =	sand.u32 @!p0 $0x3FFFFE00, s12  }
0x246: {  	s13 =	simm.s32 @!p0 $0x6400;
	s12 =	simm.s32 @!p0 $0x80;
	s9 =	sadd.s32 @!p0 $0x200, s9  }
0x247: {  	[tilespmem:s13], [sflag:$0x5] =	stream.indirect.gather.add.f32 @!p0 [hbm:s2], $0x80, s9, s12, $0xb8;
	[tilespmem:$0x1E500] =	vst v63  }
0x248: {  	s9 =	sadd.s32 @!p0 s10, s14  }
0x249: {  	s9 =	sshll.u32 @!p0 s9, $0x4  }
0x24a: {  	s10 =	simm.s32 @!p0 $0x0;
	s12 =	simm.s32 @!p0 $0xA400;
	s9 =	sadd.s32 @!p0 s0, s9  }
0x24b: {  	[tilespmem:s12], [sflag:$0x2] =	stream.linear.gather @!p0 [hbm4b:s9+s10], $0x4000, $0x38;
	[tilespmem:$0x1E500] =	vst v63  }
0x24c: {  	_ =	swait.ge [sflag:s5], $0x4000  }
0x24d: {  	[sflag:s5] =	ssyncset.done $0x0  }
0x24e: {  	[sflag:s5] =	ssyncadd.s32 $0xFFFFC000  }
0x24f: {  	_ =	swait.ge [sflag:s16], $0x4000  }
0x250: {  	[sflag:s16] =	ssyncset.done $0x0  }
0x251: {  	s9 =	simm.s32 $0x0;
	[sflag:s16] =	ssyncadd.s32 $0xFFFFC000  }
0x252: {  	v38 =	vld [tilespmem:s9+$0x12400]  }
0x253: {  	v37 =	vld [tilespmem:s9+$0x12410]  }
0x254: {  	v36 =	vld [tilespmem:s9+$0x12420]  }
0x255: {  	v34 =	vld [tilespmem:s9+$0x12430]  }
0x256: {  	v30 =	vld [tilespmem:s9+$0x12440]  }
0x257: {  	v32 =	vld [tilespmem:s9+$0x12450]  }
0x258: {  	v29 =	vld [tilespmem:s9+$0x12460]  }
0x259: {  	v39 =	vld [tilespmem:s9+$0x12470];
	_ =	sdelay $0x2  }
0x25a: {  	v16 =	vmul.f32 v38, v38;
	v17 =	vmul.f32 v37, v37;
	v18 =	vadd.f32 v37, v38  }
0x25b: {  	v19 =	vmul.f32 v36, v36;
	v20 =	vadd.f32 v34, v36;
	v21 =	vadd.f32 v32, v30  }
0x25c: {  	v22 =	vmul.f32 v34, v34;
	v23 =	vmul.f32 v30, v30;
	v24 =	vadd.f32 v39, v29  }
0x25d: {  	v25 =	vmul.f32 v32, v32;
	v26 =	vmul.f32 v29, v29  }
0x25e: {  	v18 =	vadd.f32 v20, v18;
	v20 =	vadd.f32 v24, v21;
	v21 =	vmul.f32 v39, v39  }
0x25f: {  	v16 =	vadd.f32 v17, v16;
	v17 =	vadd.f32 v22, v19  }
0x260: {  	v19 =	vadd.f32 v25, v23;
	v21 =	vadd.f32 v21, v26  }
0x261: {  	v18 =	vadd.f32 v20, v18  }
0x262: {  	v16 =	vadd.f32 v17, v16;
	v17 =	vadd.f32 v21, v19;
	_ =	sdelay $0x1  }
0x263: {  	(xrf2) =	vadd.scan.msk.f32 $0xffff, v18;
	v16 =	vadd.f32 v17, v16  }
0x264: {  	s10 =	simm.s32 $0x80  }
0x265: {  	v27 =	vld [tilespmem:s10+$0x12420];
	(xrf2) =	vadd.scan.msk.f32 $0xffff, v16  }
0x266: {  	v28 =	vld [tilespmem:s10+$0x12430]  }
0x267: {  	v31 =	vld [tilespmem:s10+$0x12440]  }
0x268: {  	v35 =	vld [tilespmem:s10+$0x12470]  }
0x269: {  	v25 =	vld [tilespmem:s10+$0x12400]  }
0x26a: {  	v26 =	vld [tilespmem:s10+$0x12410]  }
0x26b: {  	v19 =	vld [tilespmem:s10+$0x12450]  }
0x26c: {  	v16 =	vld [tilespmem:s10+$0x12460]  }
0x26d: {  	v58 =	vmul.f32 v31, v31;
	v17, _, _ =	vpop (xrf2)  }
0x26e: {  	v62 =	vmul.f32 v35, v35;
	v23 =	vadd.f32 v28, v27;
	v40 =	vmul.f32 $7.812500000e-03, v17  }
0x26f: {  	v24 =	vmul.f32 v27, v27;
	v21 =	vmul.f32 v26, v26;
	v22 =	vadd.f32 v26, v25;
	v18, _, _ =	vpop (xrf2)  }
0x270: {  	v57 =	vadd.f32 v19, v31;
	v20 =	vmul.f32 v40, v40;
	v18 =	vmul.f32 $7.812500000e-03, v18  }
0x271: {  	v60 =	vmul.f32 v19, v19;
	v59 =	vadd.f32 v35, v16;
	v17 =	vmul.f32 v25, v25  }
0x272: {  	v22 =	vadd.f32 v23, v22;
	v61 =	vmul.f32 v16, v16;
	v18 =	vsub.f32 v18, v20  }
0x273: {  	v23 =	vadd.f32 v59, v57;
	v17 =	vadd.f32 v21, v17;
	v20 =	vmul.f32 v28, v28  }
0x274: {  	v21 =	vadd.f32 v60, v58;
	v18 =	vadd.f32 $9.999999740e-06, v18  }
0x275: {  	v20 =	vadd.f32 v20, v24;
	v24 =	vadd.f32 v62, v61  }
0x276: {  	v22 =	vadd.f32 v23, v22;
	v18 =	vbroadcast v18, $0xF  }
0x277: {  	v17 =	vadd.f32 v20, v17;
	v20 =	vadd.f32 v24, v21  }
0x278: {  	(xrf2) =	vadd.scan.msk.f32 $0xffff, v22;
	v23 =	vshra.s32 v18, $0x1;
	v18 =	vmul.f32 $5.000000000e-01, v18  }
0x279: {  	v17 =	vadd.f32 v20, v17;
	v21 =	vsub.s32 $0x5F3759DF, v23  }
0x27a: {  	v22 =	vmul.f32 v21, v18  }
0x27b: {  	(xrf2) =	vadd.scan.msk.f32 $0xffff, v17  }
0x27c: {  	s15 =	simm.s32 $0x100;
	v20 =	vmul.f32 v21, v22  }
0x27d: {  	v24 =	vld [tilespmem:s15+$0x12400]  }
0x27e: {  	v23 =	vld [tilespmem:s15+$0x12420];
	v17 =	vsub.f32 $1.500000000e+00, v20  }
0x27f: {  	v40 =	vbroadcast v40, $0xF;
	v22 =	vld [tilespmem:s15+$0x12410]  }
0x280: {  	v20 =	vld [tilespmem:s15+$0x12430];
	v63 =	vmul.f32 v21, v17  }
0x281: {  	v33 =	vld [tilespmem:s15+$0x12470];
	v39 =	vsub.f32 v39, v40  }
0x282: {  	v38 =	vsub.f32 v38, v40;
	v49, _, _ =	vpop (xrf2);
	v43 =	vmul.f32 v24, v24;
	v21 =	vld [tilespmem:s15+$0x12440];
	v17 =	vmul.f32 v63, v18  }
0x283: {  	v37 =	vsub.f32 v37, v40;
	v52 =	vmul.f32 $7.812500000e-03, v49;
	v45 =	vmul.f32 v23, v23;
	v18 =	vld [tilespmem:s15+$0x12450]  }
0x284: {  	v36 =	vsub.f32 v36, v40;
	v44 =	vmul.f32 v22, v22;
	v50 =	vmul.f32 v17, v63;
	v17 =	vld [tilespmem:s15+$0x12460]  }
0x285: {  	v46 =	vadd.f32 v22, v24;
	v49 =	vadd.f32 v20, v23;
	v58 =	vmul.f32 v20, v20;
	v56, _, _ =	vpop (xrf2)  }
0x286: {  	v55 =	vmul.f32 v52, v52;
	v43 =	vadd.f32 v44, v43;
	v48 =	vmul.f32 $7.812500000e-03, v56  }
0x287: {  	v59 =	vmul.f32 v21, v21;
	v46 =	vadd.f32 v49, v46;
	v45 =	vadd.f32 v58, v45  }
0x288: {  	v56 =	vmul.f32 v33, v33;
	v42 =	vsub.f32 $1.500000000e+00, v50;
	v47 =	vsub.f32 v48, v55  }
0x289: {  	v57 =	vadd.f32 v18, v21;
	v62 =	vmul.f32 v18, v18;
	v61 =	vadd.f32 v33, v17  }
0x28a: {  	v41 =	vmul.f32 v42, v63;
	v63 =	vmul.f32 v17, v17;
	v47 =	vadd.f32 $9.999999740e-06, v47  }
0x28b: {  	v43 =	vadd.f32 v45, v43;
	v42 =	vadd.f32 v61, v57  }
0x28c: {  	v47 =	vbroadcast v47, $0xF;
	v57 =	vadd.f32 v62, v59;
	v44 =	vadd.f32 v56, v63  }
0x28d: {  	v60 =	vmul.f32 v41, v7;
	v58 =	vmul.f32 v41, v0;
	v42 =	vadd.f32 v42, v46  }
0x28e: {  	v59 =	vshra.s32 v47, $0x1;
	v47 =	vmul.f32 $5.000000000e-01, v47;
	v44 =	vadd.f32 v44, v57  }
0x28f: {  	v54 =	vmul.f32 v41, v3;
	v39 =	vmul.f32 v60, v39;
	v60 =	vsub.s32 $0x5F3759DF, v59;
	(xrf2) =	vadd.scan.msk.f32 $0xffff, v42  }
0x290: {  	v55 =	vmul.f32 v41, v4;
	v61 =	vmul.f32 v60, v47;
	v43 =	vadd.f32 v44, v43  }
0x291: {  	s12 =	simm.s32 $0x180;
	v30 =	vsub.f32 v30, v40;
	v62 =	vmul.f32 v41, v1;
	v63 =	vmul.f32 v41, v2  }
0x292: {  	v38 =	vmul.f32 v58, v38;
	v58 =	vsub.f32 v32, v40;
	v32 =	vld [tilespmem:s12+$0x12410];
	v42 =	vmul.f32 v60, v61;
	(xrf2) =	vadd.scan.msk.f32 $0xffff, v43  }
0x293: {  	v56 =	vmul.f32 v41, v5;
	v41 =	vmul.f32 v41, v6;
	v57 =	vsub.f32 v34, v40;
	v34 =	vld [tilespmem:s12+$0x12400]  }
0x294: {  	v37 =	vmul.f32 v62, v37;
	v40 =	vsub.f32 v29, v40;
	v29 =	vld [tilespmem:s12+$0x12420];
	v42 =	vsub.f32 $1.500000000e+00, v42  }
0x295: {  	v36 =	vmul.f32 v63, v36;
	v39 =	vadd.f32 v39, v15;
	v38 =	vadd.f32 v38, v8  }
0x296: {  	v59 =	vmul.f32 v54, v57;
	v37 =	vadd.f32 v37, v9;
	v44 =	vmul.f32 v60, v42  }
0x297: {  	v36 =	vadd.f32 v36, v10;
	v40 =	vmul.f32 v41, v40;
	[tilespmem:s9+$0x1A470] =	vst v39;
	v43 =	vmul.f32 v56, v58  }
0x298: {  	[tilespmem:s9+$0x1A400] =	vst v38;
	v38 =	vld [tilespmem:s12+$0x12440];
	v49 =	vadd.f32 v59, v11;
	v60 =	vmul.f32 v55, v30;
	v61 =	vmul.f32 v44, v47  }
0x299: {  	[tilespmem:s9+$0x1A410] =	vst v37;
	v37 =	vld [tilespmem:s12+$0x12450];
	v45 =	vmul.f32 v34, v34;
	v46 =	vmul.f32 v29, v29;
	v50 =	vadd.f32 v32, v34;
	v62, _, _ =	vpop (xrf2)  }
0x29a: {  	[tilespmem:s9+$0x1A420] =	vst v36;
	v30 =	vld [tilespmem:s12+$0x12430];
	v63 =	vadd.f32 v60, v12;
	v39 =	vmul.f32 v61, v44;
	v41 =	vmul.f32 $7.812500000e-03, v62  }
0x29b: {  	v36 =	vld [tilespmem:s12+$0x12460];
	[tilespmem:s9+$0x1A430] =	vst v49;
	v42 =	vadd.f32 v43, v13;
	v43 =	vadd.f32 v40, v14;
	v40 =	vbroadcast v52, $0xF  }
0x29c: {  	s13 =	simm.s32 $0x800;
	v47 =	vmul.f32 v32, v32;
	[tilespmem:s9+$0x1A440] =	vst v63;
	v48 =	vsub.f32 $1.500000000e+00, v39;
	v39 =	vld [tilespmem:s12+$0x12470];
	v51, _, _ =	vpop (xrf2);
	v49 =	vmul.f32 v41, v41  }
.LBB2_9:
0x29d: {  	v51 =	vmul.f32 $7.812500000e-03, v51;
	_ =	sdelay $0x1  }
0x29e: {  	p0 =	sne.s32 s13, $0xFE00;
	v52 =	vadd.f32 v30, v29;
	v44 =	vmul.f32 v48, v44;
	[tilespmem:s9+$0x1A450] =	vst v42;
	v53 =	vmov v38  }
0x29f: {  	v48 =	vmul.f32 v30, v30;
	v42 =	vadd.f32 v37, v53;
	v38 =	vmul.f32 v38, v53;
	[tilespmem:s9+$0x1A460] =	vst v43;
	s9 =	smov.u32 s10;
	s10 =	smov.u32 s15;
	s15 =	smov.u32 s12  }
0x2a0: {  	v35 =	vsub.f32 v35, v40;
	v43 =	vsub.f32 v51, v49;
	v49 =	vmul.f32 v44, v7;
	v51 =	vmovc v19  }
0x2a1: {  	v55 =	vmul.f32 v37, v37;
	v56 =	vmul.f32 v36, v36;
	v54 =	vadd.f32 v39, v36;
	v19 =	vmovc v18  }
0x2a2: {  	v50 =	vadd.f32 v52, v50;
	v43 =	vadd.f32 $9.999999740e-06, v43;
	v49 =	vmul.f32 v49, v35;
	v18 =	vmovc v37;
	v37 =	vmovc v16  }
0x2a3: {  	v45 =	vadd.f32 v47, v45;
	v47 =	vmul.f32 v39, v39;
	v16 =	vmovc v17;
	v42 =	vadd.f32 v54, v42  }
0x2a4: {  	v46 =	vadd.f32 v48, v46;
	v17 =	vmovc v36;
	v52 =	vmovc v41;
	v43 =	vbroadcast v43, $0xF;
	v48 =	vadd.f32 v49, v15  }
0x2a5: {  	v36 =	vadd.f32 v55, v38;
	v41 =	vmul.f32 v44, v0;
	v38 =	vadd.f32 v47, v56;
	v35 =	vmovc v33  }
0x2a6: {  	v33 =	vmovc v39;
	v42 =	vadd.f32 v42, v50;
	v47 =	vshra.s32 v43, $0x1;
	v43 =	vmul.f32 $5.000000000e-01, v43;
	[tilespmem:s9+$0x1A470] =	vst v48  }
0x2a7: {  	v39 =	vadd.f32 v46, v45;
	v36 =	vadd.f32 v38, v36;
	v38 =	vsub.s32 $0x5F3759DF, v47  }
0x2a8: {  	v45 =	vsub.f32 v25, v40;
	v46 =	vmul.f32 v44, v1;
	(xrf2) =	vadd.scan.msk.f32 $0xffff, v42;
	v42 =	vmul.f32 v38, v43  }
0x2a9: {  	v25 =	vmovc v24;
	v36 =	vadd.f32 v36, v39;
	v39 =	vmul.f32 v44, v2;
	v47 =	vmul.f32 v44, v3  }
0x2aa: {  	v24 =	vmovc v34;
	v49 =	vmul.f32 v44, v4;
	v48 =	vsub.f32 v26, v40;
	v42 =	vmul.f32 v38, v42  }
0x2ab: {  	v54 =	vmul.f32 v44, v6;
	v50 =	vmul.f32 v44, v5;
	(xrf2) =	vadd.scan.msk.f32 $0xffff, v36;
	v36 =	vsub.f32 v27, v40  }
0x2ac: {  	s12 =	sshra.s32 s13, $0x2;
	v55 =	vsub.f32 v28, v40;
	v41 =	vmul.f32 v41, v45;
	v26 =	vmovc v22;
	v22 =	vmovc v32;
	v42 =	vsub.f32 $1.500000000e+00, v42  }
0x2ad: {  	v31 =	vsub.f32 v31, v40;
	v45 =	vmul.f32 v46, v48;
	v46 =	vsub.f32 v51, v40;
	v27 =	vmovc v23;
	v34 =	vld [tilespmem:s12+$0x12400]  }
0x2ae: {  	v37 =	vsub.f32 v37, v40;
	v23 =	vmovc v29;
	v36 =	vmul.f32 v39, v36;
	v32 =	vld [tilespmem:s12+$0x12410];
	v44 =	vmul.f32 v38, v42  }
0x2af: {  	v28 =	vmovc v20;
	v31 =	vmul.f32 v49, v31;
	v40 =	vmul.f32 v47, v55;
	v39 =	vadd.f32 v41, v8;
	v29 =	vld [tilespmem:s12+$0x12420]  }
0x2b0: {  	v20 =	vmovc v30;
	v42 =	vadd.f32 v45, v9;
	v41 =	vmul.f32 v44, v43;
	v43 =	vmul.f32 v50, v46;
	v30 =	vld [tilespmem:s12+$0x12430]  }
.Ltmp3:
0x2b1: {  	v40 =	vadd.f32 v40, v11;
	v46 =	vmul.f32 v54, v37;
	v38 =	vld [tilespmem:s12+$0x12440];
	[tilespmem:s9+$0x1A400] =	vst v39;
	v39 =	vadd.f32 v36, v10;
	(pc) =	sbr.rel @p0 .LBB2_9-.Ltmp3, $4  }
0x2b2: {  	v54 =	vadd.f32 v31, v12;
	v37 =	vld [tilespmem:s12+$0x12450];
	v47, _, _ =	vpop (xrf2);
	v48 =	vmul.f32 v41, v44;
	[tilespmem:s9+$0x1A410] =	vst v42;
	v42 =	vadd.f32 v43, v13  }
0x2b3: {  	v31 =	vmovc v21;
	v45 =	vmul.f32 v34, v34;
	v43 =	vadd.f32 v46, v14;
	v36 =	vld [tilespmem:s12+$0x12460];
	v41 =	vmul.f32 $7.812500000e-03, v47;
	[tilespmem:s9+$0x1A420] =	vst v39  }
0x2b4: {  	v21 =	vmovc v53;
	v47 =	vmul.f32 v32, v32;
	v39 =	vld [tilespmem:s12+$0x12470];
	v46 =	vmul.f32 v29, v29;
	v48 =	vsub.f32 $1.500000000e+00, v48;
	[tilespmem:s9+$0x1A430] =	vst v40  }
0x2b5: {  	s13 =	sadd.s32 $0x200, s13;
	v50 =	vadd.f32 v32, v34;
	v40 =	vbroadcast v52, $0xF;
	v49 =	vmul.f32 v41, v41;
	v51, _, _ =	vpop (xrf2);
	[tilespmem:s9+$0x1A440] =	vst v54  }
0x2b6: {  	v52 =	vadd.f32 v30, v29  }
0x2b7: {  	v54 =	vmul.f32 v30, v30;
	v56 =	vmul.f32 v38, v38;
	v45 =	vadd.f32 v47, v45  }
0x2b8: {  	v53 =	vadd.f32 v37, v38;
	v57 =	vmul.f32 v37, v37;
	v50 =	vadd.f32 v52, v50  }
0x2b9: {  	v60 =	vmul.f32 v36, v36;
	v55 =	vadd.f32 v39, v36;
	v61 =	vmul.f32 v39, v39  }
0x2ba: {  	v46 =	vadd.f32 v54, v46;
	v62 =	vadd.f32 v57, v56  }
0x2bb: {  	v53 =	vadd.f32 v55, v53;
	v52 =	vadd.f32 v61, v60  }
0x2bc: {  	v45 =	vadd.f32 v46, v45  }
0x2bd: {  	v50 =	vadd.f32 v53, v50;
	v63 =	vadd.f32 v52, v62  }
0x2be: {  	v52 =	vmul.f32 $7.812500000e-03, v51  }
0x2bf: {  	(xrf2) =	vadd.scan.msk.f32 $0xffff, v50;
	v45 =	vadd.f32 v63, v45  }
0x2c0: {  	v53 =	vsub.f32 v52, v49  }
0x2c1: {  	(xrf2) =	vadd.scan.msk.f32 $0xffff, v45  }
0x2c2: {  	v54 =	vadd.f32 $9.999999740e-06, v53;
	_ =	sdelay $0x1  }
0x2c3: {  	v45 =	vbroadcast v54, $0xF  }
0x2c4: {  	v44 =	vmul.f32 v48, v44;
	v35 =	vsub.f32 v35, v40  }
0x2c5: {  	v25 =	vsub.f32 v25, v40;
	v55 =	vshra.s32 v45, $0x1;
	v45 =	vmul.f32 $5.000000000e-01, v45  }
0x2c6: {  	v26 =	vsub.f32 v26, v40;
	v56 =	vmul.f32 v44, v7;
	v46 =	vsub.s32 $0x5F3759DF, v55  }
0x2c7: {  	v27 =	vsub.f32 v27, v40;
	v28 =	vsub.f32 v28, v40;
	v57 =	vmul.f32 v46, v45  }
0x2c8: {  	v31 =	vsub.f32 v31, v40;
	v35 =	vmul.f32 v56, v35;
	v62 =	vmul.f32 v44, v0;
	v58, _, _ =	vpop (xrf2)  }
0x2c9: {  	v19 =	vsub.f32 v19, v40;
	v59 =	vmul.f32 v46, v57;
	v49 =	vmul.f32 $7.812500000e-03, v58  }
0x2ca: {  	v16 =	vsub.f32 v16, v40;
	v63 =	vmul.f32 v44, v1;
	v25 =	vmul.f32 v62, v25;
	v60, _, _ =	vpop (xrf2)  }
0x2cb: {  	v47 =	vsub.f32 $1.500000000e+00, v59;
	v61 =	vmul.f32 v49, v49;
	v48 =	vmul.f32 $7.812500000e-03, v60  }
0x2cc: {  	v35 =	vadd.f32 v35, v15;
	v52 =	vbroadcast v41, $0xF;
	v26 =	vmul.f32 v63, v26  }
0x2cd: {  	v25 =	vadd.f32 v25, v8;
	v46 =	vmul.f32 v46, v47;
	v48 =	vsub.f32 v48, v61  }
0x2ce: {  	v33 =	vsub.f32 v33, v52;
	v24 =	vsub.f32 v24, v52;
	v57 =	vmul.f32 v44, v2  }
0x2cf: {  	v58 =	vmul.f32 v44, v3;
	v45 =	vmul.f32 v46, v45;
	v60 =	vadd.f32 $9.999999740e-06, v48  }
0x2d0: {  	v22 =	vsub.f32 v22, v52;
	v59 =	vmul.f32 v44, v4;
	v27 =	vmul.f32 v57, v27  }
0x2d1: {  	v23 =	vsub.f32 v23, v52;
	v45 =	vmul.f32 v45, v46;
	v47 =	vbroadcast v60, $0xF  }
0x2d2: {  	v20 =	vsub.f32 v20, v52;
	v28 =	vmul.f32 v58, v28;
	v31 =	vmul.f32 v59, v31  }
0x2d3: {  	v45 =	vsub.f32 $1.500000000e+00, v45;
	v62 =	vshra.s32 v47, $0x1;
	v47 =	vmul.f32 $5.000000000e-01, v47  }
0x2d4: {  	v61 =	vmul.f32 v44, v5;
	v44 =	vmul.f32 v44, v6;
	v51 =	vsub.s32 $0x5F3759DF, v62  }
0x2d5: {  	v21 =	vsub.f32 v21, v52;
	v53 =	vmul.f32 v45, v46;
	v63 =	vmul.f32 v51, v47  }
0x2d6: {  	v18 =	vsub.f32 v18, v52;
	v19 =	vmul.f32 v61, v19;
	v16 =	vmul.f32 v44, v16  }
0x2d7: {  	v17 =	vsub.f32 v17, v52;
	v46 =	vmul.f32 v53, v7;
	v55 =	vmul.f32 v51, v63  }
0x2d8: {  	v26 =	vadd.f32 v26, v9;
	v57 =	vmul.f32 v53, v0;
	v58 =	vmul.f32 v53, v1  }
0x2d9: {  	[tilespmem:s9+$0x1A450] =	vst v42;
	v60 =	vmul.f32 v53, v2;
	v61 =	vmul.f32 v53, v3;
	v45 =	vsub.f32 $1.500000000e+00, v55  }
0x2da: {  	[tilespmem:s9+$0x1A460] =	vst v43;
	v27 =	vadd.f32 v27, v10;
	v62 =	vmul.f32 v53, v4;
	v41 =	vmul.f32 v53, v6  }
0x2db: {  	[tilespmem:s10+$0x1A470] =	vst v35;
	v28 =	vadd.f32 v28, v11;
	v63 =	vmul.f32 v53, v5;
	v56 =	vmul.f32 v51, v45  }
0x2dc: {  	[tilespmem:s10+$0x1A400] =	vst v25;
	v31 =	vadd.f32 v31, v12;
	v33 =	vmul.f32 v46, v33;
	v24 =	vmul.f32 v57, v24  }
0x2dd: {  	[tilespmem:s10+$0x1A410] =	vst v26;
	v19 =	vadd.f32 v19, v13;
	v22 =	vmul.f32 v58, v22;
	v59 =	vmul.f32 v56, v47  }
0x2de: {  	[tilespmem:s10+$0x1A420] =	vst v27;
	v16 =	vadd.f32 v16, v14;
	v23 =	vmul.f32 v60, v23;
	v20 =	vmul.f32 v61, v20  }
0x2df: {  	[tilespmem:s10+$0x1A430] =	vst v28;
	v17 =	vmul.f32 v41, v17;
	v33 =	vadd.f32 v33, v15;
	v46 =	vmul.f32 v59, v56  }
0x2e0: {  	[tilespmem:s10+$0x1A460] =	vst v16;
	v18 =	vmul.f32 v63, v18;
	v24 =	vadd.f32 v24, v8;
	v16 =	vadd.f32 v22, v9  }
0x2e1: {  	[tilespmem:s10+$0x1A440] =	vst v31;
	v50 =	vadd.f32 v23, v10;
	v47 =	vmul.f32 v62, v21;
	v45 =	vsub.f32 $1.500000000e+00, v46  }
0x2e2: {  	[tilespmem:s10+$0x1A450] =	vst v19;
	v20 =	vadd.f32 v20, v11;
	v18 =	vadd.f32 v18, v13;
	v46 =	vbroadcast v49, $0xF  }
0x2e3: {  	[tilespmem:s15+$0x1A410] =	vst v16;
	v16 =	vadd.f32 v17, v14;
	v19 =	vadd.f32 v47, v12;
	v26 =	vmul.f32 v45, v56  }
0x2e4: {  	[tilespmem:s15+$0x1A470] =	vst v33;
	v48 =	vsub.f32 v39, v46;
	v52 =	vsub.f32 v34, v46  }
0x2e5: {  	[tilespmem:s15+$0x1A400] =	vst v24;
	v56 =	vsub.f32 v32, v46;
	v58 =	vsub.f32 v29, v46;
	v49 =	vmul.f32 v26, v7  }
0x2e6: {  	[tilespmem:s15+$0x1A420] =	vst v50;
	v61 =	vsub.f32 v30, v46;
	v51 =	vmul.f32 v26, v0;
	v53 =	vmul.f32 v26, v1  }
0x2e7: {  	[tilespmem:s15+$0x1A460] =	vst v16;
	v16 =	vsub.f32 v38, v46;
	v54 =	vmul.f32 v26, v2;
	v21 =	vmul.f32 v49, v48  }
0x2e8: {  	[tilespmem:s15+$0x1A430] =	vst v20;
	v63 =	vsub.f32 v36, v46;
	v55 =	vmul.f32 v26, v3;
	v23 =	vmul.f32 v53, v56  }
0x2e9: {  	[tilespmem:s15+$0x1A440] =	vst v19;
	v57 =	vmul.f32 v26, v4;
	v19 =	vmul.f32 v54, v58;
	v17 =	vadd.f32 v21, v15  }
0x2ea: {  	[tilespmem:s15+$0x1A450] =	vst v18;
	v60 =	vmul.f32 v26, v6;
	v20 =	vmul.f32 v55, v61;
	v62 =	vadd.f32 v23, v9  }
0x2eb: {  	v59 =	vmul.f32 v26, v5;
	v16 =	vmul.f32 v57, v16;
	v19 =	vadd.f32 v19, v10;
	[tilespmem:s12+$0x1A470] =	vst v17  }
0x2ec: {  	v18 =	vmul.f32 v60, v63;
	v20 =	vadd.f32 v20, v11;
	v17 =	vsub.f32 v37, v46;
	[tilespmem:s12+$0x1A410] =	vst v62  }
0x2ed: {  	s19 =	sadd.s32 $0x1, s19;
	v21 =	vmul.f32 v51, v52;
	v16 =	vadd.f32 v16, v12;
	[tilespmem:s12+$0x1A420] =	vst v19  }
0x2ee: {  	p0 =	sne.s32 s19, $0x32;
	v18 =	vadd.f32 v18, v14;
	[tilespmem:s12+$0x1A430] =	vst v20;
	v17 =	vmul.f32 v59, v17  }
.Ltmp4:
0x2ef: {  	v21 =	vadd.f32 v21, v8;
	[tilespmem:s12+$0x1A440] =	vst v16;
	(pc) =	sbr.rel @p0 .LBB2_2-.Ltmp4, $4  }
0x2f0: {  	[tilespmem:s12+$0x1A460] =	vst v18;
	v17 =	vadd.f32 v17, v13  }
0x2f1: {  	[tilespmem:s12+$0x1A400] =	vst v21  }
0x2f2: {  	s21 =	sadd.s32 s6, s11;
	[tilespmem:s12+$0x1A450] =	vst v17  }
0x2f3: {  	[hbm4b:s21+s7] =	stream.linear.scatter [tilespmem:s31], [sflag:$0xA], $0x4000, $0x38;
	[tilespmem:$0x1E500] =	vst v63  }
0x2f4: {  	_ =	swait.ge [sflag:s1], $0x4000  }
0x2f5: {  	[sflag:s1] =	ssyncset.done $0x0  }
0x2f6: {  	[sflag:s1] =	ssyncadd.s32 $0xFFFFC000  }
0x2f7: {  	_ =	swait.ge [sflag:s5], $0x4000  }
0x2f8: {  	s10 =	rddreg [dreg:$0xd]  }
0x2f9: {  	s9 =	rddreg [dreg:$0xc];
	s10 =	sadd.s32 $0x1, s10  }
0x2fa: {  	p0 =	sne.s32 s10, s9  }
.Ltmp5:
0x2fb: {  	_ = 	snop;
	(pc) =	sbr.rel @p0 .LBB2_1-.Ltmp5, $3  }
0x2fc: {  	_ =	sdelay $0x1  }
0x2fd: {  	[sflag:s5] =	ssyncset.done $0x0  }
0x2fe: {  	[sflag:s5] =	ssyncadd.s32 $0xFFFFC000  }
0x2ff: {  	_ =	sfence.sel $0x180000  }
0x300: {  	[bflag:$0x0] =	sbarrier.arrive $0xFFFF  }
0x301: {  	_ =	strace $0x90000047  }
0x302: {  	s0 =	stileid.u32;
	[bflag:$0x2] =	sbarrier.arrive $0xFFFF  }
0x303: {  	p0 =	sne.s32 s0, $0x0;
	s0 =	rddreg [dreg:$0x6]  }
0x304: {  	s0 =	sadd.s32 @!p0 $0x100000, s0  }
0x305: {  	[sflag:s0] =	ssyncadd.tile.s32 @!p0 $0x1;
	_ =	shalt  }
.Lfunc_end2:
_tile_overlayer_lowered:
.L_overlay_start_2:
0x306: {  	(tag) =	ssettag $0x2  }
0x307: {  	s0 =	rddreg [dreg:$0x0];
	s2 =	stileid.u32  }
0x308: {  	s1 =	rddreg [dreg:$0x1];
	p0 =	sne.s32 s2, $0x0  }
0x309: {  	s3 =	rddreg [dreg:$0x2];
	[bflag:$0x3] =	sbarrier.arrive $0xFFFF;
	s2 =	simm.s32 @!p0 $0x1C0B  }
0x30a: {  	[timem:s3], [sflag:s2] =	dma.local @!p0 [hbm:s0], s1  }
0x30b: {  	s0 =	simm.s32 @!p0 $0xB  }
0x30c: {  	_ =	swait.ge @!p0 [sflag:s0], s1  }
0x30d: {  	s1 =	ssub.s32 @!p0 $0x0, s1;
	[sflag:s0] =	ssyncset.done @!p0 $0x0  }
0x30e: {  	[sflag:s0] =	ssyncadd.s32 @!p0 s1  }
0x30f: {  	[bflag:$0x3] =	sbarrier.arrive $0xFFFF  }
0x310: {  	_ =	shalt  }

</sc_bundles>
